<compile_context>
chip_gen: v7x
topology: tpu7x:2x2x1
jax: 0.10.2.dev20260603
libtpu: 0.0.44.dev20260713+nightly
codegen_flags: <defaults>
</compile_context>

<pallas_src>
import functools

import jax
import jax.numpy as jnp
from jax import lax
from jax.experimental import pallas as pl
from jax.experimental.pallas import tpu as pltpu
from jax.experimental.pallas import tpu_sc as plsc

N = 10000
E = 320000
D = 128
DE = 16
DH = 256
DO = 128

NC = 2
NS = 16
NW = NC * NS
E0 = 128000
E1 = E - E0
CH = 80
BE = 8000


def _sc_mesh():
    return plsc.VectorSubcoreMesh(
        core_axis_name="c", subcore_axis_name="s", num_cores=NC, num_subcores=NS
    )


def _sc_gather_prod(nf, row2d, col2d, eh):
    epw = eh // NW
    NT = epw // CH

    @functools.partial(
        pl.kernel,
        out_type=jax.ShapeDtypeStruct((eh, D), jnp.float32),
        mesh=_sc_mesh(),
        scratch_types=[
            pltpu.VMEM((NT, CH), jnp.int32),
            pltpu.VMEM((NT, CH), jnp.int32),
            pltpu.VMEM((CH, D), jnp.float32),
            pltpu.VMEM((CH, D), jnp.float32),
            pltpu.VMEM((CH, D), jnp.float32),
            pltpu.VMEM((CH, D), jnp.float32),
            pltpu.VMEM((CH, D), jnp.float32),
            pltpu.VMEM((CH, D), jnp.float32),
            pltpu.SemaphoreType.DMA,
            pltpu.SemaphoreType.DMA,
            pltpu.SemaphoreType.DMA,
            pltpu.SemaphoreType.DMA,
        ],
    )
    def k(nf_hbm, row_hbm, col_hbm, p_hbm,
          ridx, cidx, xa, ya, xb, yb, pa, pb, gsA, gsB, wsA, wsB):
        wid = lax.axis_index("c") * NS + lax.axis_index("s")
        pltpu.sync_copy(row_hbm.at[wid], ridx)
        pltpu.sync_copy(col_hbm.at[wid], cidx)

        def gather(t, xv, yv, sem):
            pltpu.async_copy(nf_hbm.at[ridx.at[t]], xv, sem)
            pltpu.async_copy(nf_hbm.at[cidx.at[t]], yv, sem)

        def gwait(xv, yv, sem):
            pltpu.make_async_copy(nf_hbm.at[ridx.at[0]], xv, sem).wait()
            pltpu.make_async_copy(nf_hbm.at[cidx.at[0]], yv, sem).wait()

        def compute(xv, yv, pv):
            def edge(e, carry):
                for q in range(8):
                    pv[e, pl.ds(16 * q, 16)] = (
                        xv[e, pl.ds(16 * q, 16)] * yv[e, pl.ds(16 * q, 16)])
                return carry

            lax.fori_loop(0, CH, edge, 0)

        def wstart(t, pv, sem):
            off = pl.multiple_of(wid * epw + t * CH, 8)
            pltpu.async_copy(pv, p_hbm.at[pl.ds(off, CH)], sem)

        def wwait(pv, sem):
            pltpu.make_async_copy(pv, p_hbm.at[pl.ds(0, CH)], sem).wait()

        gather(0, xa, ya, gsA)

        def body(t, carry):
            @pl.when(t > 0)
            def _():
                wwait(pa, wsA)

            gather(2 * t + 1, xb, yb, gsB)
            gwait(xa, ya, gsA)
            compute(xa, ya, pa)
            wstart(2 * t, pa, wsA)
            gather(2 * t + 2, xa, ya, gsA)

            @pl.when(t > 0)
            def _():
                wwait(pb, wsB)

            gwait(xb, yb, gsB)
            compute(xb, yb, pb)
            wstart(2 * t + 1, pb, wsB)
            return carry

        if NT % 2 == 1:
            lax.fori_loop(0, (NT - 1) // 2, body, 0)
            wwait(pb, wsB)
            wwait(pa, wsA)
            gwait(xa, ya, gsA)
            compute(xa, ya, pa)
            wstart(NT - 1, pa, wsA)
            wwait(pa, wsA)
        else:
            lax.fori_loop(0, NT // 2 - 1, body, 0)
            gather(NT - 1, xb, yb, gsB)
            wwait(pa, wsA)
            gwait(xa, ya, gsA)
            compute(xa, ya, pa)
            wstart(NT - 2, pa, wsA)
            wwait(pb, wsB)
            gwait(xb, yb, gsB)
            compute(xb, yb, pb)
            wstart(NT - 1, pb, wsB)
            wwait(pa, wsA)
            wwait(pb, wsB)

    return k(nf, row2d, col2d)


def _tc_messages(p, ea, wx, we, wo, eh, blk_off):

    def body(p_ref, ea_ref, wx_ref, we_ref, wo_ref, out_ref):
        z = jnp.dot(p_ref[...].astype(jnp.bfloat16), wx_ref[...],
                    preferred_element_type=jnp.float32)
        g = jnp.dot(ea_ref[...], we_ref[...],
                    preferred_element_type=jnp.float32)
        z = z * g
        z = z * (1.0 / (1.0 + jnp.exp(-z)))
        out_ref[...] = jnp.dot(z.astype(jnp.bfloat16), wo_ref[...],
                               preferred_element_type=jnp.float32)

    return pl.pallas_call(
        body,
        grid=(eh // BE,),
        in_specs=[
            pl.BlockSpec((BE, D), lambda i: (i, 0)),
            pl.BlockSpec((BE, DE), lambda i, o=blk_off: (i + o, 0)),
            pl.BlockSpec((D, DH), lambda i: (0, 0)),
            pl.BlockSpec((DE, DH), lambda i: (0, 0)),
            pl.BlockSpec((DH, DO), lambda i: (0, 0)),
        ],
        out_specs=pl.BlockSpec((BE, DO), lambda i: (i, 0)),
        out_shape=jax.ShapeDtypeStruct((eh, DO), jnp.float32),
    )(p, ea, wx, we, wo)


def _sc_scatter(messages, col2d, zeros, eh):
    epw = eh // NW
    NT = epw // CH

    @functools.partial(
        pl.kernel,
        out_type=jax.ShapeDtypeStruct((NC * N, D), jnp.float32),
        mesh=_sc_mesh(),
        scratch_types=[
            pltpu.VMEM((NT, CH), jnp.int32),
            pltpu.VMEM((CH, D), jnp.float32),
            pltpu.VMEM((CH, D), jnp.float32),
            pltpu.VMEM_SHARED((N, D), jnp.float32),
            pltpu.SemaphoreType.DMA,
            pltpu.SemaphoreType.DMA,
        ],
    )
    def k(msg_hbm, col_hbm, zero_hbm, out_hbm,
          cidx_v, ma, mb, agg_sh, lsA, lsB):
        cid = lax.axis_index("c")
        sid = lax.axis_index("s")
        wid = cid * NS + sid
        rz = 632
        zoff = pl.multiple_of(jnp.where(sid == NS - 1, N - rz, sid * rz), 8)
        pltpu.sync_copy(zero_hbm.at[pl.ds(zoff, rz)],
                        agg_sh.at[pl.ds(zoff, rz)])
        plsc.subcore_barrier()

        pltpu.sync_copy(col_hbm.at[wid], cidx_v)

        def load(t, mv, sem):
            off = pl.multiple_of(wid * epw + t * CH, 8)
            pltpu.async_copy(msg_hbm.at[pl.ds(off, CH)], mv, sem)

        def lwait(mv, sem):
            pltpu.make_async_copy(msg_hbm.at[pl.ds(0, CH)], mv, sem).wait()

        def scat(t, mv):
            pltpu.sync_copy(mv, agg_sh.at[cidx_v.at[t]], add=True)

        load(0, ma, lsA)

        def body(t, carry):
            lwait(ma, lsA)
            load(2 * t + 1, mb, lsB)
            scat(2 * t, ma)
            load(2 * t + 2, ma, lsA)
            lwait(mb, lsB)
            scat(2 * t + 1, mb)
            return carry

        if NT % 2 == 1:
            lax.fori_loop(0, (NT - 1) // 2, body, 0)
            lwait(ma, lsA)
            scat(NT - 1, ma)
        else:
            lax.fori_loop(0, NT // 2 - 1, body, 0)
            load(NT - 1, mb, lsB)
            lwait(ma, lsA)
            scat(NT - 2, ma)
            lwait(mb, lsB)
            scat(NT - 1, mb)
        plsc.subcore_barrier()
        pltpu.sync_copy(agg_sh.at[pl.ds(zoff, rz)],
                        out_hbm.at[pl.ds(pl.multiple_of(cid * N + zoff, 8), rz)])

    return k(messages, col2d, zeros)


def _tc_update(x, agg_a, agg_b, wx, wm, wo):
    BN = 1000
    nblk = N // BN

    def body(x_ref, a0_ref, a1_ref, a2_ref, a3_ref,
             wx_ref, wm_ref, wo_ref, out_ref):
        a = (a0_ref[...] + a1_ref[...]) + (a2_ref[...] + a3_ref[...])
        u = jnp.dot(x_ref[...], wx_ref[...], preferred_element_type=jnp.float32)
        u = u * jnp.dot(a, wm_ref[...], preferred_element_type=jnp.float32)
        u = u * (1.0 / (1.0 + jnp.exp(-u)))
        out_ref[...] = jnp.dot(u, wo_ref[...], preferred_element_type=jnp.float32)

    return pl.pallas_call(
        body,
        grid=(nblk,),
        in_specs=[
            pl.BlockSpec((BN, D), lambda i: (i, 0)),
            pl.BlockSpec((BN, D), lambda i: (i, 0)),
            pl.BlockSpec((BN, D), lambda i: (i + nblk, 0)),
            pl.BlockSpec((BN, D), lambda i: (i, 0)),
            pl.BlockSpec((BN, D), lambda i: (i + nblk, 0)),
            pl.BlockSpec((D, DH), lambda i: (0, 0)),
            pl.BlockSpec((DO, DH), lambda i: (0, 0)),
            pl.BlockSpec((DH, DO), lambda i: (0, 0)),
        ],
        out_specs=pl.BlockSpec((BN, DO), lambda i: (i, 0)),
        out_shape=jax.ShapeDtypeStruct((N, DO), jnp.float32),
    )(x, agg_a, agg_a, agg_b, agg_b, wx, wm, wo)


def kernel(node_features, pos, edge_index, edge_attr,
           W_msg_x, W_msg_e, W_msg_out, W_upd_x, W_upd_m, W_upd_out):
    del pos
    row = edge_index[0].astype(jnp.int32)
    col = edge_index[1].astype(jnp.int32)
    wx16 = W_msg_x.astype(jnp.bfloat16)
    wo16 = W_msg_out.astype(jnp.bfloat16)
    zeros = jnp.zeros((N, D), jnp.float32)

    aggs = []
    for off, eh in ((0, E0), (E0, E1)):
        sl = slice(off, off + eh)
        nt = eh // NW // CH
        row2d = row[sl].reshape(NW, nt, CH)
        col2d = col[sl].reshape(NW, nt, CH)
        p = _sc_gather_prod(node_features, row2d, col2d, eh)
        messages = _tc_messages(p, edge_attr, wx16, W_msg_e, wo16, eh,
                                off // BE)
        aggs.append(_sc_scatter(messages, col2d, zeros, eh))

    return _tc_update(node_features, aggs[0], aggs[1],
                      W_upd_x, W_upd_m, W_upd_out)

# --- scband reference (transcript-rebuilt; emitter-appended) ---
"""Pipeline reference for scband-gnnlayer-19215683682942 (READ-ONLY COPY).

The authoritative reference and input builder live on the scoring server;
editing this copy changes nothing except your own understanding.
"""

import jax, jax.numpy as jnp
import numpy as np

N_NODES = 10000
N_EDGES = 320000
D_FEAT = 128
D_EDGE = 16
D_HID = 256
D_OUT = 128


def setup_inputs(seed: int = 0) -> dict:
    key = jax.random.key(seed)
    ks = jax.random.split(key, 12)
    node_features = jax.random.normal(ks[0], (N_NODES, D_FEAT), dtype=jnp.float32)
    pos = jax.random.normal(ks[1], (N_NODES, 3), dtype=jnp.float32)
    edge_index = jax.random.randint(ks[2], (2, N_EDGES), 0, N_NODES, dtype=jnp.int64)
    edge_attr = jax.random.normal(ks[3], (N_EDGES, D_EDGE), dtype=jnp.float32)
    # learned parameters (scalar-irreps realization of the e3nn tensor products)
    W_msg_x = jax.random.normal(ks[4], (D_FEAT, D_HID), dtype=jnp.float32) / np.sqrt(D_FEAT)
    W_msg_e = jax.random.normal(ks[5], (D_EDGE, D_HID), dtype=jnp.float32) / np.sqrt(D_EDGE)
    W_msg_out = jax.random.normal(ks[6], (D_HID, D_OUT), dtype=jnp.float32) / np.sqrt(D_HID)
    W_upd_x = jax.random.normal(ks[7], (D_FEAT, D_HID), dtype=jnp.float32) / np.sqrt(D_FEAT)
    W_upd_m = jax.random.normal(ks[8], (D_OUT, D_HID), dtype=jnp.float32) / np.sqrt(D_OUT)
    W_upd_out = jax.random.normal(ks[9], (D_HID, D_OUT), dtype=jnp.float32) / np.sqrt(D_HID)
    return {
        "node_features": node_features,
        "pos": pos,
        "edge_index": edge_index,
        "edge_attr": edge_attr,
        "W_msg_x": W_msg_x,
        "W_msg_e": W_msg_e,
        "W_msg_out": W_msg_out,
        "W_upd_x": W_upd_x,
        "W_upd_m": W_upd_m,
        "W_upd_out": W_upd_out,
    }


def reference(node_features, pos, edge_index, edge_attr,
              W_msg_x, W_msg_e, W_msg_out, W_upd_x, W_upd_m, W_upd_out):
    row = edge_index[0]
    col = edge_index[1]
    # tp_messages: fully-connected tensor product (scalar irreps -> factorized bilinear)
    x_row = jnp.take(node_features, row, axis=0)          # gather [E, d]
    x_col = jnp.take(node_features, col, axis=0)          # gather [E, d]
    z = ((x_row * x_col) @ W_msg_x) * (edge_attr @ W_msg_e)  # [E, hid]
    # gate_messages: Gate on scalar irreps -> pointwise activation
    z = jax.nn.silu(z)
    # lin_messages_out
    messages = z @ W_msg_out                               # [E, out]
    # scatter-add aggregation by destination node
    aggregated = jax.ops.segment_sum(messages, col, num_segments=node_features.shape[0])
    # tp_update: tensor product of node features with aggregated messages
    u = (node_features @ W_upd_x) * (aggregated @ W_upd_m)  # [N, hid]
    # gate_update
    u = jax.nn.silu(u)
    # lin_update_out
    updated = u @ W_upd_out                                 # [N, out]
    return updated

if __name__ == "__main__":
    import jax
    _d = setup_inputs()
    print(jax.jit(kernel)(*tuple(_d.values())))

</pallas_src>

<mosaic_0001>
#map = affine_map<(d0, d1) -> (0, 0)>
#map1 = affine_map<(d0, d1) -> (0, 0, 0)>
module attributes {stable_mosaic.version = 14 : i64} {
  func.func @k(%arg0: i32, %arg1: i32, %arg2: memref<128000x128xf32, #tpu.memory_space<hbm>>, %arg3: memref<32x50x80xi32, #tpu.memory_space<hbm>>, %arg4: memref<10000x128xf32, #tpu.memory_space<hbm>>, %arg5: memref<20000x128xf32, #tpu.memory_space<hbm>>, %arg6: memref<50x80xi32, #tpu.memory_space<vmem>>, %arg7: memref<80x128xf32, #tpu.memory_space<vmem>>, %arg8: memref<80x128xf32, #tpu.memory_space<vmem>>, %arg9: memref<10000x128xf32, #tpu.memory_space<vmem_shared>>, %arg10: memref<!tpu.dma_semaphore, #tpu.memory_space<semaphore_mem>>, %arg11: memref<!tpu.dma_semaphore, #tpu.memory_space<semaphore_mem>>) attributes {dimension_semantics = [#tpu.dimension_semantics<core_parallel>, #tpu.dimension_semantics<subcore_parallel>], iteration_bounds = array<i64: 2, 16>, scalar_prefetch = 0 : i64, scratch_operands = 6 : i64, tpu.core_type = #tpu.core_type<sc_vector_subcore>, window_params = [{transform_indices = #map}, {transform_indices = #map1}, {transform_indices = #map}, {transform_indices = #map}]} {
    %mul3A = arith.constant 16 : i32
    %mul3A_0 = arith.muli %arg0, %mul3A : i32
    %add3A = arith.addi %mul3A_0, %arg1 : i32
    %eq3A = arith.constant 15 : i32
    %eq3A_1 = arith.cmpi eq, %arg1, %eq3A : i32
    %mul3A_2 = arith.constant 632 : i32
    %mul3A_3 = arith.muli %arg1, %mul3A_2 : i32
    %jit3A = arith.constant 9368 : i32
    %select_n3A = arith.select %eq3A_1, %jit3A, %mul3A_3 : i32
    %multiple_of3A = tpu.assume_multiple %select_n3A, 8 : i32
    "tpu.region"() ({
      %run_scoped3A_43 = tpu.sem_alloc : memref<!tpu.dma_semaphore, #tpu.memory_space<semaphore_mem>>
      %dma_start3A_44 = arith.constant 0 : i32
      %dma_start3A_45 = tpu.memref_slice %arg9[%multiple_of3A, %dma_start3A_44] : memref<10000x128xf32, #tpu.memory_space<vmem_shared>> -> memref<632x128xf32, #tpu.memory_space<vmem_shared>>
      %dma_start3A_46 = arith.constant 0 : i32
      %dma_start3A_47 = tpu.memref_slice %arg4[%multiple_of3A, %dma_start3A_46] : memref<10000x128xf32, #tpu.memory_space<hbm>> -> memref<632x128xf32, #tpu.memory_space<hbm>>
      tpu.enqueue_dma source(%dma_start3A_47 : memref<632x128xf32, #tpu.memory_space<hbm>>) target(%dma_start3A_45 : memref<632x128xf32, #tpu.memory_space<vmem_shared>>) target_semaphore(%run_scoped3A_43 : memref<!tpu.dma_semaphore, #tpu.memory_space<semaphore_mem>>)
      %dma_wait3A_48 = arith.constant 0 : i32
      %dma_wait3A_49 = tpu.memref_slice %arg9[%multiple_of3A, %dma_wait3A_48] : memref<10000x128xf32, #tpu.memory_space<vmem_shared>> -> memref<632x128xf32, #tpu.memory_space<vmem_shared>>
      %dma_wait3A_50 = arith.constant 0 : i32
      %dma_wait3A_51 = tpu.memref_slice %arg4[%multiple_of3A, %dma_wait3A_50] : memref<10000x128xf32, #tpu.memory_space<hbm>> -> memref<632x128xf32, #tpu.memory_space<hbm>>
      tpu.wait_dma2 semaphore(%run_scoped3A_43 : memref<!tpu.dma_semaphore, #tpu.memory_space<semaphore_mem>>) src(%dma_wait3A_51 : memref<632x128xf32, #tpu.memory_space<hbm>>) dst(%dma_wait3A_49 : memref<632x128xf32, #tpu.memory_space<vmem_shared>>)
      tpu.yield
    }) : () -> ()
    %barrier3A = arith.constant 0 : index
    tpu.barrier barrier_id(%barrier3A)
    "tpu.region"() ({
      %run_scoped3A_43 = tpu.sem_alloc : memref<!tpu.dma_semaphore, #tpu.memory_space<semaphore_mem>>
      %dma_start3A_44 = arith.constant 0 : i32
      %dma_start3A_45 = arith.constant 0 : i32
      %dma_start3A_46 = tpu.memref_slice %arg3[%add3A, %dma_start3A_44, %dma_start3A_45] : memref<32x50x80xi32, #tpu.memory_space<hbm>> -> memref<1x50x80xi32, #tpu.memory_space<hbm>>
      %dma_start3A_47 = tpu.memref_squeeze %dma_start3A_46 : memref<1x50x80xi32, #tpu.memory_space<hbm>> -> memref<50x80xi32, #tpu.memory_space<hbm>>
      %dma_start3A_48 = arith.constant 0 : i32
      %dma_start3A_49 = arith.constant 0 : i32
      %dma_start3A_50 = tpu.memref_slice %arg3[%add3A, %dma_start3A_48, %dma_start3A_49] : memref<32x50x80xi32, #tpu.memory_space<hbm>> -> memref<1x50x80xi32, #tpu.memory_space<hbm>>
      %dma_start3A_51 = tpu.memref_squeeze %dma_start3A_50 : memref<1x50x80xi32, #tpu.memory_space<hbm>> -> memref<50x80xi32, #tpu.memory_space<hbm>>
      tpu.enqueue_dma source(%dma_start3A_51 : memref<50x80xi32, #tpu.memory_space<hbm>>) target(%arg6 : memref<50x80xi32, #tpu.memory_space<vmem>>) target_semaphore(%run_scoped3A_43 : memref<!tpu.dma_semaphore, #tpu.memory_space<semaphore_mem>>)
      %dma_wait3A_52 = arith.constant 0 : i32
      %dma_wait3A_53 = arith.constant 0 : i32
      %dma_wait3A_54 = tpu.memref_slice %arg3[%add3A, %dma_wait3A_52, %dma_wait3A_53] : memref<32x50x80xi32, #tpu.memory_space<hbm>> -> memref<1x50x80xi32, #tpu.memory_space<hbm>>
      %dma_wait3A_55 = tpu.memref_squeeze %dma_wait3A_54 : memref<1x50x80xi32, #tpu.memory_space<hbm>> -> memref<50x80xi32, #tpu.memory_space<hbm>>
      %dma_wait3A_56 = arith.constant 0 : i32
      %dma_wait3A_57 = arith.constant 0 : i32
      %dma_wait3A_58 = tpu.memref_slice %arg3[%add3A, %dma_wait3A_56, %dma_wait3A_57] : memref<32x50x80xi32, #tpu.memory_space<hbm>> -> memref<1x50x80xi32, #tpu.memory_space<hbm>>
      %dma_wait3A_59 = tpu.memref_squeeze %dma_wait3A_58 : memref<1x50x80xi32, #tpu.memory_space<hbm>> -> memref<50x80xi32, #tpu.memory_space<hbm>>
      tpu.wait_dma2 semaphore(%run_scoped3A_43 : memref<!tpu.dma_semaphore, #tpu.memory_space<semaphore_mem>>) src(%dma_wait3A_59 : memref<50x80xi32, #tpu.memory_space<hbm>>) dst(%arg6 : memref<50x80xi32, #tpu.memory_space<vmem>>)
      tpu.yield
    }) : () -> ()
    %mul3A_4 = arith.constant 4000 : i32
    %mul3A_5 = arith.muli %add3A, %mul3A_4 : i32
    %add3A_6 = arith.constant 0 : i32
    %add3A_7 = arith.addi %mul3A_5, %add3A_6 : i32
    %multiple_of3A_8 = tpu.assume_multiple %add3A_7, 8 : i32
    %dma_start3A = arith.constant 0 : i32
    %dma_start3A_9 = tpu.memref_slice %arg2[%multiple_of3A_8, %dma_start3A] : memref<128000x128xf32, #tpu.memory_space<hbm>> -> memref<80x128xf32, #tpu.memory_space<hbm>>
    %dma_start3A_10 = arith.constant 0 : i32
    %dma_start3A_11 = tpu.memref_slice %arg2[%multiple_of3A_8, %dma_start3A_10] : memref<128000x128xf32, #tpu.memory_space<hbm>> -> memref<80x128xf32, #tpu.memory_space<hbm>>
    tpu.enqueue_dma source(%dma_start3A_11 : memref<80x128xf32, #tpu.memory_space<hbm>>) target(%arg7 : memref<80x128xf32, #tpu.memory_space<vmem>>) target_semaphore(%arg10 : memref<!tpu.dma_semaphore, #tpu.memory_space<semaphore_mem>>)
    %scan3A = arith.constant 0 : i32
    %scan3A_12 = arith.constant 0 : i32
    %scan3A_13 = arith.constant 24 : i32
    %scan3A_14 = arith.addi %scan3A_12, %scan3A_13 : i32
    %scan3A_15 = arith.constant 1 : i32
    scf.for %scan3A_43 = %scan3A_12 to %scan3A_14 step %scan3A_15  : i32 {
      %dma_wait3A_44 = arith.constant 0 : i32
      %dma_wait3A_45 = arith.constant 0 : i32
      %dma_wait3A_46 = tpu.memref_slice %arg2[%dma_wait3A_44, %dma_wait3A_45] : memref<128000x128xf32, #tpu.memory_space<hbm>> -> memref<80x128xf32, #tpu.memory_space<hbm>>
      %dma_wait3A_47 = arith.constant 0 : i32
      %dma_wait3A_48 = arith.constant 0 : i32
      %dma_wait3A_49 = tpu.memref_slice %arg2[%dma_wait3A_47, %dma_wait3A_48] : memref<128000x128xf32, #tpu.memory_space<hbm>> -> memref<80x128xf32, #tpu.memory_space<hbm>>
      tpu.wait_dma2 semaphore(%arg10 : memref<!tpu.dma_semaphore, #tpu.memory_space<semaphore_mem>>) src(%dma_wait3A_49 : memref<80x128xf32, #tpu.memory_space<hbm>>) dst(%arg7 : memref<80x128xf32, #tpu.memory_space<vmem>>)
      %mul3A_50 = arith.constant 2 : i32
      %mul3A_51 = arith.muli %mul3A_50, %scan3A_43 : i32
      %add3A_52 = arith.constant 1 : i32
      %add3A_53 = arith.addi %mul3A_51, %add3A_52 : i32
      %mul3A_54 = arith.constant 4000 : i32
      %mul3A_55 = arith.muli %add3A, %mul3A_54 : i32
      %mul3A_56 = arith.constant 80 : i32
      %mul3A_57 = arith.muli %add3A_53, %mul3A_56 : i32
      %add3A_58 = arith.addi %mul3A_55, %mul3A_57 : i32
      %multiple_of3A_59 = tpu.assume_multiple %add3A_58, 8 : i32
      %dma_start3A_60 = arith.constant 0 : i32
      %dma_start3A_61 = tpu.memref_slice %arg2[%multiple_of3A_59, %dma_start3A_60] : memref<128000x128xf32, #tpu.memory_space<hbm>> -> memref<80x128xf32, #tpu.memory_space<hbm>>
      %dma_start3A_62 = arith.constant 0 : i32
      %dma_start3A_63 = tpu.memref_slice %arg2[%multiple_of3A_59, %dma_start3A_62] : memref<128000x128xf32, #tpu.memory_space<hbm>> -> memref<80x128xf32, #tpu.memory_space<hbm>>
      tpu.enqueue_dma source(%dma_start3A_63 : memref<80x128xf32, #tpu.memory_space<hbm>>) target(%arg8 : memref<80x128xf32, #tpu.memory_space<vmem>>) target_semaphore(%arg11 : memref<!tpu.dma_semaphore, #tpu.memory_space<semaphore_mem>>)
      %mul3A_64 = arith.constant 2 : i32
      %mul3A_65 = arith.muli %mul3A_64, %scan3A_43 : i32
      "tpu.region"() ({
        %run_scoped3A_90 = tpu.sem_alloc : memref<!tpu.dma_semaphore, #tpu.memory_space<semaphore_mem>>
        %dma_start3A_91 = arith.constant 0 : i32
        %dma_start3A_92 = tpu.memref_slice %arg6[%mul3A_65, %dma_start3A_91] : memref<50x80xi32, #tpu.memory_space<vmem>> -> memref<1x80xi32, #tpu.memory_space<vmem>>
        %dma_start3A_93 = tpu.memref_squeeze %dma_start3A_92 : memref<1x80xi32, #tpu.memory_space<vmem>> -> memref<80xi32, #tpu.memory_space<vmem>>
        %dma_start3A_94 = arith.constant 0 : i32
        %dma_start3A_95 = arith.constant 0 : i32
        %dma_start3A_96 = tpu.memref_slice %arg9[%dma_start3A_94, %dma_start3A_95] : memref<10000x128xf32, #tpu.memory_space<vmem_shared>> -> memref<10000x128xf32, #tpu.memory_space<vmem_shared>>
        tpu.enqueue_indirect_dma source(%arg7 : memref<80x128xf32, #tpu.memory_space<vmem>>) target(%dma_start3A_96 : memref<10000x128xf32, #tpu.memory_space<vmem_shared>>) offsets(%dma_start3A_93 : memref<80xi32, #tpu.memory_space<vmem>>) semaphore(%run_scoped3A_90 : memref<!tpu.dma_semaphore, #tpu.memory_space<semaphore_mem>>) {add = true}
        %dma_wait3A_97 = arith.constant 0 : i32
        %dma_wait3A_98 = tpu.memref_slice %arg6[%mul3A_65, %dma_wait3A_97] : memref<50x80xi32, #tpu.memory_space<vmem>> -> memref<1x80xi32, #tpu.memory_space<vmem>>
        %dma_wait3A_99 = tpu.memref_squeeze %dma_wait3A_98 : memref<1x80xi32, #tpu.memory_space<vmem>> -> memref<80xi32, #tpu.memory_space<vmem>>
        %dma_wait3A_100 = arith.constant 0 : i32
        %dma_wait3A_101 = arith.constant 0 : i32
        %dma_wait3A_102 = tpu.memref_slice %arg9[%dma_wait3A_100, %dma_wait3A_101] : memref<10000x128xf32, #tpu.memory_space<vmem_shared>> -> memref<10000x128xf32, #tpu.memory_space<vmem_shared>>
        tpu.wait_indirect_dma semaphore(%run_scoped3A_90 : memref<!tpu.dma_semaphore, #tpu.memory_space<semaphore_mem>>) src(%arg7 : memref<80x128xf32, #tpu.memory_space<vmem>>) dst(%dma_wait3A_102 : memref<10000x128xf32, #tpu.memory_space<vmem_shared>>)
        tpu.yield
      }) : () -> ()
      %mul3A_66 = arith.constant 2 : i32
      %mul3A_67 = arith.muli %mul3A_66, %scan3A_43 : i32
      %add3A_68 = arith.constant 2 : i32
      %add3A_69 = arith.addi %mul3A_67, %add3A_68 : i32
      %mul3A_70 = arith.constant 4000 : i32
      %mul3A_71 = arith.muli %add3A, %mul3A_70 : i32
      %mul3A_72 = arith.constant 80 : i32
      %mul3A_73 = arith.muli %add3A_69, %mul3A_72 : i32
      %add3A_74 = arith.addi %mul3A_71, %mul3A_73 : i32
      %multiple_of3A_75 = tpu.assume_multiple %add3A_74, 8 : i32
      %dma_start3A_76 = arith.constant 0 : i32
      %dma_start3A_77 = tpu.memref_slice %arg2[%multiple_of3A_75, %dma_start3A_76] : memref<128000x128xf32, #tpu.memory_space<hbm>> -> memref<80x128xf32, #tpu.memory_space<hbm>>
      %dma_start3A_78 = arith.constant 0 : i32
      %dma_start3A_79 = tpu.memref_slice %arg2[%multiple_of3A_75, %dma_start3A_78] : memref<128000x128xf32, #tpu.memory_space<hbm>> -> memref<80x128xf32, #tpu.memory_space<hbm>>
      tpu.enqueue_dma source(%dma_start3A_79 : memref<80x128xf32, #tpu.memory_space<hbm>>) target(%arg7 : memref<80x128xf32, #tpu.memory_space<vmem>>) target_semaphore(%arg10 : memref<!tpu.dma_semaphore, #tpu.memory_space<semaphore_mem>>)
      %dma_wait3A_80 = arith.constant 0 : i32
      %dma_wait3A_81 = arith.constant 0 : i32
      %dma_wait3A_82 = tpu.memref_slice %arg2[%dma_wait3A_80, %dma_wait3A_81] : memref<128000x128xf32, #tpu.memory_space<hbm>> -> memref<80x128xf32, #tpu.memory_space<hbm>>
      %dma_wait3A_83 = arith.constant 0 : i32
      %dma_wait3A_84 = arith.constant 0 : i32
      %dma_wait3A_85 = tpu.memref_slice %arg2[%dma_wait3A_83, %dma_wait3A_84] : memref<128000x128xf32, #tpu.memory_space<hbm>> -> memref<80x128xf32, #tpu.memory_space<hbm>>
      tpu.wait_dma2 semaphore(%arg11 : memref<!tpu.dma_semaphore, #tpu.memory_space<semaphore_mem>>) src(%dma_wait3A_85 : memref<80x128xf32, #tpu.memory_space<hbm>>) dst(%arg8 : memref<80x128xf32, #tpu.memory_space<vmem>>)
      %mul3A_86 = arith.constant 2 : i32
      %mul3A_87 = arith.muli %mul3A_86, %scan3A_43 : i32
      %add3A_88 = arith.constant 1 : i32
      %add3A_89 = arith.addi %mul3A_87, %add3A_88 : i32
      "tpu.region"() ({
        %run_scoped3A_90 = tpu.sem_alloc : memref<!tpu.dma_semaphore, #tpu.memory_space<semaphore_mem>>
        %dma_start3A_91 = arith.constant 0 : i32
        %dma_start3A_92 = tpu.memref_slice %arg6[%add3A_89, %dma_start3A_91] : memref<50x80xi32, #tpu.memory_space<vmem>> -> memref<1x80xi32, #tpu.memory_space<vmem>>
        %dma_start3A_93 = tpu.memref_squeeze %dma_start3A_92 : memref<1x80xi32, #tpu.memory_space<vmem>> -> memref<80xi32, #tpu.memory_space<vmem>>
        %dma_start3A_94 = arith.constant 0 : i32
        %dma_start3A_95 = arith.constant 0 : i32
        %dma_start3A_96 = tpu.memref_slice %arg9[%dma_start3A_94, %dma_start3A_95] : memref<10000x128xf32, #tpu.memory_space<vmem_shared>> -> memref<10000x128xf32, #tpu.memory_space<vmem_shared>>
        tpu.enqueue_indirect_dma source(%arg8 : memref<80x128xf32, #tpu.memory_space<vmem>>) target(%dma_start3A_96 : memref<10000x128xf32, #tpu.memory_space<vmem_shared>>) offsets(%dma_start3A_93 : memref<80xi32, #tpu.memory_space<vmem>>) semaphore(%run_scoped3A_90 : memref<!tpu.dma_semaphore, #tpu.memory_space<semaphore_mem>>) {add = true}
        %dma_wait3A_97 = arith.constant 0 : i32
        %dma_wait3A_98 = tpu.memref_slice %arg6[%add3A_89, %dma_wait3A_97] : memref<50x80xi32, #tpu.memory_space<vmem>> -> memref<1x80xi32, #tpu.memory_space<vmem>>
        %dma_wait3A_99 = tpu.memref_squeeze %dma_wait3A_98 : memref<1x80xi32, #tpu.memory_space<vmem>> -> memref<80xi32, #tpu.memory_space<vmem>>
        %dma_wait3A_100 = arith.constant 0 : i32
        %dma_wait3A_101 = arith.constant 0 : i32
        %dma_wait3A_102 = tpu.memref_slice %arg9[%dma_wait3A_100, %dma_wait3A_101] : memref<10000x128xf32, #tpu.memory_space<vmem_shared>> -> memref<10000x128xf32, #tpu.memory_space<vmem_shared>>
        tpu.wait_indirect_dma semaphore(%run_scoped3A_90 : memref<!tpu.dma_semaphore, #tpu.memory_space<semaphore_mem>>) src(%arg8 : memref<80x128xf32, #tpu.memory_space<vmem>>) dst(%dma_wait3A_102 : memref<10000x128xf32, #tpu.memory_space<vmem_shared>>)
        tpu.yield
      }) : () -> ()
    }
    %scan3A_16 = arith.constant 24 : i32
    %mul3A_17 = arith.constant 4000 : i32
    %mul3A_18 = arith.muli %add3A, %mul3A_17 : i32
    %add3A_19 = arith.constant 3920 : i32
    %add3A_20 = arith.addi %mul3A_18, %add3A_19 : i32
    %multiple_of3A_21 = tpu.assume_multiple %add3A_20, 8 : i32
    %dma_start3A_22 = arith.constant 0 : i32
    %dma_start3A_23 = tpu.memref_slice %arg2[%multiple_of3A_21, %dma_start3A_22] : memref<128000x128xf32, #tpu.memory_space<hbm>> -> memref<80x128xf32, #tpu.memory_space<hbm>>
    %dma_start3A_24 = arith.constant 0 : i32
    %dma_start3A_25 = tpu.memref_slice %arg2[%multiple_of3A_21, %dma_start3A_24] : memref<128000x128xf32, #tpu.memory_space<hbm>> -> memref<80x128xf32, #tpu.memory_space<hbm>>
    tpu.enqueue_dma source(%dma_start3A_25 : memref<80x128xf32, #tpu.memory_space<hbm>>) target(%arg8 : memref<80x128xf32, #tpu.memory_space<vmem>>) target_semaphore(%arg11 : memref<!tpu.dma_semaphore, #tpu.memory_space<semaphore_mem>>)
    %dma_wait3A = arith.constant 0 : i32
    %dma_wait3A_26 = arith.constant 0 : i32
    %dma_wait3A_27 = tpu.memref_slice %arg2[%dma_wait3A, %dma_wait3A_26] : memref<128000x128xf32, #tpu.memory_space<hbm>> -> memref<80x128xf32, #tpu.memory_space<hbm>>
    %dma_wait3A_28 = arith.constant 0 : i32
    %dma_wait3A_29 = arith.constant 0 : i32
    %dma_wait3A_30 = tpu.memref_slice %arg2[%dma_wait3A_28, %dma_wait3A_29] : memref<128000x128xf32, #tpu.memory_space<hbm>> -> memref<80x128xf32, #tpu.memory_space<hbm>>
    tpu.wait_dma2 semaphore(%arg10 : memref<!tpu.dma_semaphore, #tpu.memory_space<semaphore_mem>>) src(%dma_wait3A_30 : memref<80x128xf32, #tpu.memory_space<hbm>>) dst(%arg7 : memref<80x128xf32, #tpu.memory_space<vmem>>)
    %run_scoped3A = arith.constant 48 : i32
    "tpu.region"() ({
      %run_scoped3A_43 = tpu.sem_alloc : memref<!tpu.dma_semaphore, #tpu.memory_space<semaphore_mem>>
      %dma_start3A_44 = arith.constant 0 : i32
      %dma_start3A_45 = tpu.memref_slice %arg6[%run_scoped3A, %dma_start3A_44] : memref<50x80xi32, #tpu.memory_space<vmem>> -> memref<1x80xi32, #tpu.memory_space<vmem>>
      %dma_start3A_46 = tpu.memref_squeeze %dma_start3A_45 : memref<1x80xi32, #tpu.memory_space<vmem>> -> memref<80xi32, #tpu.memory_space<vmem>>
      %dma_start3A_47 = arith.constant 0 : i32
      %dma_start3A_48 = arith.constant 0 : i32
      %dma_start3A_49 = tpu.memref_slice %arg9[%dma_start3A_47, %dma_start3A_48] : memref<10000x128xf32, #tpu.memory_space<vmem_shared>> -> memref<10000x128xf32, #tpu.memory_space<vmem_shared>>
      tpu.enqueue_indirect_dma source(%arg7 : memref<80x128xf32, #tpu.memory_space<vmem>>) target(%dma_start3A_49 : memref<10000x128xf32, #tpu.memory_space<vmem_shared>>) offsets(%dma_start3A_46 : memref<80xi32, #tpu.memory_space<vmem>>) semaphore(%run_scoped3A_43 : memref<!tpu.dma_semaphore, #tpu.memory_space<semaphore_mem>>) {add = true}
      %dma_wait3A_50 = arith.constant 0 : i32
      %dma_wait3A_51 = tpu.memref_slice %arg6[%run_scoped3A, %dma_wait3A_50] : memref<50x80xi32, #tpu.memory_space<vmem>> -> memref<1x80xi32, #tpu.memory_space<vmem>>
      %dma_wait3A_52 = tpu.memref_squeeze %dma_wait3A_51 : memref<1x80xi32, #tpu.memory_space<vmem>> -> memref<80xi32, #tpu.memory_space<vmem>>
      %dma_wait3A_53 = arith.constant 0 : i32
      %dma_wait3A_54 = arith.constant 0 : i32
      %dma_wait3A_55 = tpu.memref_slice %arg9[%dma_wait3A_53, %dma_wait3A_54] : memref<10000x128xf32, #tpu.memory_space<vmem_shared>> -> memref<10000x128xf32, #tpu.memory_space<vmem_shared>>
      tpu.wait_indirect_dma semaphore(%run_scoped3A_43 : memref<!tpu.dma_semaphore, #tpu.memory_space<semaphore_mem>>) src(%arg7 : memref<80x128xf32, #tpu.memory_space<vmem>>) dst(%dma_wait3A_55 : memref<10000x128xf32, #tpu.memory_space<vmem_shared>>)
      tpu.yield
    }) : () -> ()
    %dma_wait3A_31 = arith.constant 0 : i32
    %dma_wait3A_32 = arith.constant 0 : i32
    %dma_wait3A_33 = tpu.memref_slice %arg2[%dma_wait3A_31, %dma_wait3A_32] : memref<128000x128xf32, #tpu.memory_space<hbm>> -> memref<80x128xf32, #tpu.memory_space<hbm>>
    %dma_wait3A_34 = arith.constant 0 : i32
    %dma_wait3A_35 = arith.constant 0 : i32
    %dma_wait3A_36 = tpu.memref_slice %arg2[%dma_wait3A_34, %dma_wait3A_35] : memref<128000x128xf32, #tpu.memory_space<hbm>> -> memref<80x128xf32, #tpu.memory_space<hbm>>
    tpu.wait_dma2 semaphore(%arg11 : memref<!tpu.dma_semaphore, #tpu.memory_space<semaphore_mem>>) src(%dma_wait3A_36 : memref<80x128xf32, #tpu.memory_space<hbm>>) dst(%arg8 : memref<80x128xf32, #tpu.memory_space<vmem>>)
    %run_scoped3A_37 = arith.constant 49 : i32
    "tpu.region"() ({
      %run_scoped3A_43 = tpu.sem_alloc : memref<!tpu.dma_semaphore, #tpu.memory_space<semaphore_mem>>
      %dma_start3A_44 = arith.constant 0 : i32
      %dma_start3A_45 = tpu.memref_slice %arg6[%run_scoped3A_37, %dma_start3A_44] : memref<50x80xi32, #tpu.memory_space<vmem>> -> memref<1x80xi32, #tpu.memory_space<vmem>>
      %dma_start3A_46 = tpu.memref_squeeze %dma_start3A_45 : memref<1x80xi32, #tpu.memory_space<vmem>> -> memref<80xi32, #tpu.memory_space<vmem>>
      %dma_start3A_47 = arith.constant 0 : i32
      %dma_start3A_48 = arith.constant 0 : i32
      %dma_start3A_49 = tpu.memref_slice %arg9[%dma_start3A_47, %dma_start3A_48] : memref<10000x128xf32, #tpu.memory_space<vmem_shared>> -> memref<10000x128xf32, #tpu.memory_space<vmem_shared>>
      tpu.enqueue_indirect_dma source(%arg8 : memref<80x128xf32, #tpu.memory_space<vmem>>) target(%dma_start3A_49 : memref<10000x128xf32, #tpu.memory_space<vmem_shared>>) offsets(%dma_start3A_46 : memref<80xi32, #tpu.memory_space<vmem>>) semaphore(%run_scoped3A_43 : memref<!tpu.dma_semaphore, #tpu.memory_space<semaphore_mem>>) {add = true}
      %dma_wait3A_50 = arith.constant 0 : i32
      %dma_wait3A_51 = tpu.memref_slice %arg6[%run_scoped3A_37, %dma_wait3A_50] : memref<50x80xi32, #tpu.memory_space<vmem>> -> memref<1x80xi32, #tpu.memory_space<vmem>>
      %dma_wait3A_52 = tpu.memref_squeeze %dma_wait3A_51 : memref<1x80xi32, #tpu.memory_space<vmem>> -> memref<80xi32, #tpu.memory_space<vmem>>
      %dma_wait3A_53 = arith.constant 0 : i32
      %dma_wait3A_54 = arith.constant 0 : i32
      %dma_wait3A_55 = tpu.memref_slice %arg9[%dma_wait3A_53, %dma_wait3A_54] : memref<10000x128xf32, #tpu.memory_space<vmem_shared>> -> memref<10000x128xf32, #tpu.memory_space<vmem_shared>>
      tpu.wait_indirect_dma semaphore(%run_scoped3A_43 : memref<!tpu.dma_semaphore, #tpu.memory_space<semaphore_mem>>) src(%arg8 : memref<80x128xf32, #tpu.memory_space<vmem>>) dst(%dma_wait3A_55 : memref<10000x128xf32, #tpu.memory_space<vmem_shared>>)
      tpu.yield
    }) : () -> ()
    %barrier3A_38 = arith.constant 0 : index
    tpu.barrier barrier_id(%barrier3A_38)
    %mul3A_39 = arith.constant 10000 : i32
    %mul3A_40 = arith.muli %arg0, %mul3A_39 : i32
    %add3A_41 = arith.addi %mul3A_40, %multiple_of3A : i32
    %multiple_of3A_42 = tpu.assume_multiple %add3A_41, 8 : i32
    "tpu.region"() ({
      %run_scoped3A_43 = tpu.sem_alloc : memref<!tpu.dma_semaphore, #tpu.memory_space<semaphore_mem>>
      %dma_start3A_44 = arith.constant 0 : i32
      %dma_start3A_45 = tpu.memref_slice %arg5[%multiple_of3A_42, %dma_start3A_44] : memref<20000x128xf32, #tpu.memory_space<hbm>> -> memref<632x128xf32, #tpu.memory_space<hbm>>
      %dma_start3A_46 = arith.constant 0 : i32
      %dma_start3A_47 = tpu.memref_slice %arg9[%multiple_of3A, %dma_start3A_46] : memref<10000x128xf32, #tpu.memory_space<vmem_shared>> -> memref<632x128xf32, #tpu.memory_space<vmem_shared>>
      tpu.enqueue_dma source(%dma_start3A_47 : memref<632x128xf32, #tpu.memory_space<vmem_shared>>) target(%dma_start3A_45 : memref<632x128xf32, #tpu.memory_space<hbm>>) target_semaphore(%run_scoped3A_43 : memref<!tpu.dma_semaphore, #tpu.memory_space<semaphore_mem>>)
      %dma_wait3A_48 = arith.constant 0 : i32
      %dma_wait3A_49 = tpu.memref_slice %arg5[%multiple_of3A_42, %dma_wait3A_48] : memref<20000x128xf32, #tpu.memory_space<hbm>> -> memref<632x128xf32, #tpu.memory_space<hbm>>
      %dma_wait3A_50 = arith.constant 0 : i32
      %dma_wait3A_51 = tpu.memref_slice %arg9[%multiple_of3A, %dma_wait3A_50] : memref<10000x128xf32, #tpu.memory_space<vmem_shared>> -> memref<632x128xf32, #tpu.memory_space<vmem_shared>>
      tpu.wait_dma2 semaphore(%run_scoped3A_43 : memref<!tpu.dma_semaphore, #tpu.memory_space<semaphore_mem>>) src(%dma_wait3A_51 : memref<632x128xf32, #tpu.memory_space<vmem_shared>>) dst(%dma_wait3A_49 : memref<632x128xf32, #tpu.memory_space<hbm>>)
      tpu.yield
    }) : () -> ()
    return
  }
}

#map = affine_map<(d0, d1) -> (0, 0)>
#map1 = affine_map<(d0, d1) -> (0, 0, 0)>
module attributes {stable_mosaic.version = 14 : i64} {
  func.func @k(%arg0: i32, %arg1: i32, %arg2: memref<10000x128xf32, #tpu.memory_space<hbm>>, %arg3: memref<32x50x80xi32, #tpu.memory_space<hbm>>, %arg4: memref<32x50x80xi32, #tpu.memory_space<hbm>>, %arg5: memref<128000x128xf32, #tpu.memory_space<hbm>>, %arg6: memref<50x80xi32, #tpu.memory_space<vmem>>, %arg7: memref<50x80xi32, #tpu.memory_space<vmem>>, %arg8: memref<80x128xf32, #tpu.memory_space<vmem>>, %arg9: memref<80x128xf32, #tpu.memory_space<vmem>>, %arg10: memref<80x128xf32, #tpu.memory_space<vmem>>, %arg11: memref<80x128xf32, #tpu.memory_space<vmem>>, %arg12: memref<80x128xf32, #tpu.memory_space<vmem>>, %arg13: memref<80x128xf32, #tpu.memory_space<vmem>>, %arg14: memref<!tpu.dma_semaphore, #tpu.memory_space<semaphore_mem>>, %arg15: memref<!tpu.dma_semaphore, #tpu.memory_space<semaphore_mem>>, %arg16: memref<!tpu.dma_semaphore, #tpu.memory_space<semaphore_mem>>, %arg17: memref<!tpu.dma_semaphore, #tpu.memory_space<semaphore_mem>>) attributes {dimension_semantics = [#tpu.dimension_semantics<core_parallel>, #tpu.dimension_semantics<subcore_parallel>], iteration_bounds = array<i64: 2, 16>, scalar_prefetch = 0 : i64, scratch_operands = 12 : i64, tpu.core_type = #tpu.core_type<sc_vector_subcore>, window_params = [{transform_indices = #map}, {transform_indices = #map1}, {transform_indices = #map1}, {transform_indices = #map}]} {
    %mul3A = arith.constant 16 : i32
    %mul3A_0 = arith.muli %arg0, %mul3A : i32
    %add3A = arith.addi %mul3A_0, %arg1 : i32
    "tpu.region"() ({
      %run_scoped3A = tpu.sem_alloc : memref<!tpu.dma_semaphore, #tpu.memory_space<semaphore_mem>>
      %dma_start3A_113 = arith.constant 0 : i32
      %dma_start3A_114 = arith.constant 0 : i32
      %dma_start3A_115 = tpu.memref_slice %arg3[%add3A, %dma_start3A_113, %dma_start3A_114] : memref<32x50x80xi32, #tpu.memory_space<hbm>> -> memref<1x50x80xi32, #tpu.memory_space<hbm>>
      %dma_start3A_116 = tpu.memref_squeeze %dma_start3A_115 : memref<1x50x80xi32, #tpu.memory_space<hbm>> -> memref<50x80xi32, #tpu.memory_space<hbm>>
      %dma_start3A_117 = arith.constant 0 : i32
      %dma_start3A_118 = arith.constant 0 : i32
      %dma_start3A_119 = tpu.memref_slice %arg3[%add3A, %dma_start3A_117, %dma_start3A_118] : memref<32x50x80xi32, #tpu.memory_space<hbm>> -> memref<1x50x80xi32, #tpu.memory_space<hbm>>
      %dma_start3A_120 = tpu.memref_squeeze %dma_start3A_119 : memref<1x50x80xi32, #tpu.memory_space<hbm>> -> memref<50x80xi32, #tpu.memory_space<hbm>>
      tpu.enqueue_dma source(%dma_start3A_120 : memref<50x80xi32, #tpu.memory_space<hbm>>) target(%arg6 : memref<50x80xi32, #tpu.memory_space<vmem>>) target_semaphore(%run_scoped3A : memref<!tpu.dma_semaphore, #tpu.memory_space<semaphore_mem>>)
      %dma_wait3A_121 = arith.constant 0 : i32
      %dma_wait3A_122 = arith.constant 0 : i32
      %dma_wait3A_123 = tpu.memref_slice %arg3[%add3A, %dma_wait3A_121, %dma_wait3A_122] : memref<32x50x80xi32, #tpu.memory_space<hbm>> -> memref<1x50x80xi32, #tpu.memory_space<hbm>>
      %dma_wait3A_124 = tpu.memref_squeeze %dma_wait3A_123 : memref<1x50x80xi32, #tpu.memory_space<hbm>> -> memref<50x80xi32, #tpu.memory_space<hbm>>
      %dma_wait3A_125 = arith.constant 0 : i32
      %dma_wait3A_126 = arith.constant 0 : i32
      %dma_wait3A_127 = tpu.memref_slice %arg3[%add3A, %dma_wait3A_125, %dma_wait3A_126] : memref<32x50x80xi32, #tpu.memory_space<hbm>> -> memref<1x50x80xi32, #tpu.memory_space<hbm>>
      %dma_wait3A_128 = tpu.memref_squeeze %dma_wait3A_127 : memref<1x50x80xi32, #tpu.memory_space<hbm>> -> memref<50x80xi32, #tpu.memory_space<hbm>>
      tpu.wait_dma2 semaphore(%run_scoped3A : memref<!tpu.dma_semaphore, #tpu.memory_space<semaphore_mem>>) src(%dma_wait3A_128 : memref<50x80xi32, #tpu.memory_space<hbm>>) dst(%arg6 : memref<50x80xi32, #tpu.memory_space<vmem>>)
      tpu.yield
    }) : () -> ()
    "tpu.region"() ({
      %run_scoped3A = tpu.sem_alloc : memref<!tpu.dma_semaphore, #tpu.memory_space<semaphore_mem>>
      %dma_start3A_113 = arith.constant 0 : i32
      %dma_start3A_114 = arith.constant 0 : i32
      %dma_start3A_115 = tpu.memref_slice %arg4[%add3A, %dma_start3A_113, %dma_start3A_114] : memref<32x50x80xi32, #tpu.memory_space<hbm>> -> memref<1x50x80xi32, #tpu.memory_space<hbm>>
      %dma_start3A_116 = tpu.memref_squeeze %dma_start3A_115 : memref<1x50x80xi32, #tpu.memory_space<hbm>> -> memref<50x80xi32, #tpu.memory_space<hbm>>
      %dma_start3A_117 = arith.constant 0 : i32
      %dma_start3A_118 = arith.constant 0 : i32
      %dma_start3A_119 = tpu.memref_slice %arg4[%add3A, %dma_start3A_117, %dma_start3A_118] : memref<32x50x80xi32, #tpu.memory_space<hbm>> -> memref<1x50x80xi32, #tpu.memory_space<hbm>>
      %dma_start3A_120 = tpu.memref_squeeze %dma_start3A_119 : memref<1x50x80xi32, #tpu.memory_space<hbm>> -> memref<50x80xi32, #tpu.memory_space<hbm>>
      tpu.enqueue_dma source(%dma_start3A_120 : memref<50x80xi32, #tpu.memory_space<hbm>>) target(%arg7 : memref<50x80xi32, #tpu.memory_space<vmem>>) target_semaphore(%run_scoped3A : memref<!tpu.dma_semaphore, #tpu.memory_space<semaphore_mem>>)
      %dma_wait3A_121 = arith.constant 0 : i32
      %dma_wait3A_122 = arith.constant 0 : i32
      %dma_wait3A_123 = tpu.memref_slice %arg4[%add3A, %dma_wait3A_121, %dma_wait3A_122] : memref<32x50x80xi32, #tpu.memory_space<hbm>> -> memref<1x50x80xi32, #tpu.memory_space<hbm>>
      %dma_wait3A_124 = tpu.memref_squeeze %dma_wait3A_123 : memref<1x50x80xi32, #tpu.memory_space<hbm>> -> memref<50x80xi32, #tpu.memory_space<hbm>>
      %dma_wait3A_125 = arith.constant 0 : i32
      %dma_wait3A_126 = arith.constant 0 : i32
      %dma_wait3A_127 = tpu.memref_slice %arg4[%add3A, %dma_wait3A_125, %dma_wait3A_126] : memref<32x50x80xi32, #tpu.memory_space<hbm>> -> memref<1x50x80xi32, #tpu.memory_space<hbm>>
      %dma_wait3A_128 = tpu.memref_squeeze %dma_wait3A_127 : memref<1x50x80xi32, #tpu.memory_space<hbm>> -> memref<50x80xi32, #tpu.memory_space<hbm>>
      tpu.wait_dma2 semaphore(%run_scoped3A : memref<!tpu.dma_semaphore, #tpu.memory_space<semaphore_mem>>) src(%dma_wait3A_128 : memref<50x80xi32, #tpu.memory_space<hbm>>) dst(%arg7 : memref<50x80xi32, #tpu.memory_space<vmem>>)
      tpu.yield
    }) : () -> ()
    %dma_start3A = arith.constant 0 : i32
    %dma_start3A_1 = arith.constant 0 : i32
    %dma_start3A_2 = tpu.memref_slice %arg6[%dma_start3A, %dma_start3A_1] : memref<50x80xi32, #tpu.memory_space<vmem>> -> memref<1x80xi32, #tpu.memory_space<vmem>>
    %dma_start3A_3 = tpu.memref_squeeze %dma_start3A_2 : memref<1x80xi32, #tpu.memory_space<vmem>> -> memref<80xi32, #tpu.memory_space<vmem>>
    %dma_start3A_4 = arith.constant 0 : i32
    %dma_start3A_5 = arith.constant 0 : i32
    %dma_start3A_6 = tpu.memref_slice %arg2[%dma_start3A_4, %dma_start3A_5] : memref<10000x128xf32, #tpu.memory_space<hbm>> -> memref<10000x128xf32, #tpu.memory_space<hbm>>
    tpu.enqueue_indirect_dma source(%dma_start3A_6 : memref<10000x128xf32, #tpu.memory_space<hbm>>) target(%arg8 : memref<80x128xf32, #tpu.memory_space<vmem>>) offsets(%dma_start3A_3 : memref<80xi32, #tpu.memory_space<vmem>>) semaphore(%arg14 : memref<!tpu.dma_semaphore, #tpu.memory_space<semaphore_mem>>)
    %dma_start3A_7 = arith.constant 0 : i32
    %dma_start3A_8 = arith.constant 0 : i32
    %dma_start3A_9 = tpu.memref_slice %arg7[%dma_start3A_7, %dma_start3A_8] : memref<50x80xi32, #tpu.memory_space<vmem>> -> memref<1x80xi32, #tpu.memory_space<vmem>>
    %dma_start3A_10 = tpu.memref_squeeze %dma_start3A_9 : memref<1x80xi32, #tpu.memory_space<vmem>> -> memref<80xi32, #tpu.memory_space<vmem>>
    %dma_start3A_11 = arith.constant 0 : i32
    %dma_start3A_12 = arith.constant 0 : i32
    %dma_start3A_13 = tpu.memref_slice %arg2[%dma_start3A_11, %dma_start3A_12] : memref<10000x128xf32, #tpu.memory_space<hbm>> -> memref<10000x128xf32, #tpu.memory_space<hbm>>
    tpu.enqueue_indirect_dma source(%dma_start3A_13 : memref<10000x128xf32, #tpu.memory_space<hbm>>) target(%arg9 : memref<80x128xf32, #tpu.memory_space<vmem>>) offsets(%dma_start3A_10 : memref<80xi32, #tpu.memory_space<vmem>>) semaphore(%arg14 : memref<!tpu.dma_semaphore, #tpu.memory_space<semaphore_mem>>)
    %scan3A = arith.constant 0 : i32
    %scan3A_14 = arith.constant 0 : i32
    %scan3A_15 = arith.constant 24 : i32
    %scan3A_16 = arith.addi %scan3A_14, %scan3A_15 : i32
    %scan3A_17 = arith.constant 1 : i32
    scf.for %scan3A_113 = %scan3A_14 to %scan3A_16 step %scan3A_17  : i32 {
      %gt3A = arith.constant 0 : i32
      %gt3A_114 = arith.cmpi sgt, %scan3A_113, %gt3A : i32
      %convert_element_type3A = arith.extui %gt3A_114 : i1 to i32
      %cond3A = arith.constant 0 : i32
      %cond3A_115 = arith.cmpi ne, %convert_element_type3A, %cond3A : i32
      scf.if %cond3A_115 {
        %dma_wait3A_219 = arith.constant 0 : i32
        %dma_wait3A_220 = arith.constant 0 : i32
        %dma_wait3A_221 = tpu.memref_slice %arg5[%dma_wait3A_219, %dma_wait3A_220] : memref<128000x128xf32, #tpu.memory_space<hbm>> -> memref<80x128xf32, #tpu.memory_space<hbm>>
        %dma_wait3A_222 = arith.constant 0 : i32
        %dma_wait3A_223 = arith.constant 0 : i32
        %dma_wait3A_224 = tpu.memref_slice %arg5[%dma_wait3A_222, %dma_wait3A_223] : memref<128000x128xf32, #tpu.memory_space<hbm>> -> memref<80x128xf32, #tpu.memory_space<hbm>>
        tpu.wait_dma2 semaphore(%arg16 : memref<!tpu.dma_semaphore, #tpu.memory_space<semaphore_mem>>) src(%arg12 : memref<80x128xf32, #tpu.memory_space<vmem>>) dst(%dma_wait3A_224 : memref<80x128xf32, #tpu.memory_space<hbm>>)
      } else {
      }
      %mul3A_116 = arith.constant 2 : i32
      %mul3A_117 = arith.muli %mul3A_116, %scan3A_113 : i32
      %add3A_118 = arith.constant 1 : i32
      %add3A_119 = arith.addi %mul3A_117, %add3A_118 : i32
      %dma_start3A_120 = arith.constant 0 : i32
      %dma_start3A_121 = tpu.memref_slice %arg6[%add3A_119, %dma_start3A_120] : memref<50x80xi32, #tpu.memory_space<vmem>> -> memref<1x80xi32, #tpu.memory_space<vmem>>
      %dma_start3A_122 = tpu.memref_squeeze %dma_start3A_121 : memref<1x80xi32, #tpu.memory_space<vmem>> -> memref<80xi32, #tpu.memory_space<vmem>>
      %dma_start3A_123 = arith.constant 0 : i32
      %dma_start3A_124 = arith.constant 0 : i32
      %dma_start3A_125 = tpu.memref_slice %arg2[%dma_start3A_123, %dma_start3A_124] : memref<10000x128xf32, #tpu.memory_space<hbm>> -> memref<10000x128xf32, #tpu.memory_space<hbm>>
      tpu.enqueue_indirect_dma source(%dma_start3A_125 : memref<10000x128xf32, #tpu.memory_space<hbm>>) target(%arg10 : memref<80x128xf32, #tpu.memory_space<vmem>>) offsets(%dma_start3A_122 : memref<80xi32, #tpu.memory_space<vmem>>) semaphore(%arg15 : memref<!tpu.dma_semaphore, #tpu.memory_space<semaphore_mem>>)
      %dma_start3A_126 = arith.constant 0 : i32
      %dma_start3A_127 = tpu.memref_slice %arg7[%add3A_119, %dma_start3A_126] : memref<50x80xi32, #tpu.memory_space<vmem>> -> memref<1x80xi32, #tpu.memory_space<vmem>>
      %dma_start3A_128 = tpu.memref_squeeze %dma_start3A_127 : memref<1x80xi32, #tpu.memory_space<vmem>> -> memref<80xi32, #tpu.memory_space<vmem>>
      %dma_start3A_129 = arith.constant 0 : i32
      %dma_start3A_130 = arith.constant 0 : i32
      %dma_start3A_131 = tpu.memref_slice %arg2[%dma_start3A_129, %dma_start3A_130] : memref<10000x128xf32, #tpu.memory_space<hbm>> -> memref<10000x128xf32, #tpu.memory_space<hbm>>
      tpu.enqueue_indirect_dma source(%dma_start3A_131 : memref<10000x128xf32, #tpu.memory_space<hbm>>) target(%arg11 : memref<80x128xf32, #tpu.memory_space<vmem>>) offsets(%dma_start3A_128 : memref<80xi32, #tpu.memory_space<vmem>>) semaphore(%arg15 : memref<!tpu.dma_semaphore, #tpu.memory_space<semaphore_mem>>)
      %dma_wait3A_132 = arith.constant 0 : i32
      %dma_wait3A_133 = arith.constant 0 : i32
      %dma_wait3A_134 = tpu.memref_slice %arg6[%dma_wait3A_132, %dma_wait3A_133] : memref<50x80xi32, #tpu.memory_space<vmem>> -> memref<1x80xi32, #tpu.memory_space<vmem>>
      %dma_wait3A_135 = tpu.memref_squeeze %dma_wait3A_134 : memref<1x80xi32, #tpu.memory_space<vmem>> -> memref<80xi32, #tpu.memory_space<vmem>>
      %dma_wait3A_136 = arith.constant 0 : i32
      %dma_wait3A_137 = arith.constant 0 : i32
      %dma_wait3A_138 = tpu.memref_slice %arg2[%dma_wait3A_136, %dma_wait3A_137] : memref<10000x128xf32, #tpu.memory_space<hbm>> -> memref<10000x128xf32, #tpu.memory_space<hbm>>
      tpu.wait_indirect_dma semaphore(%arg14 : memref<!tpu.dma_semaphore, #tpu.memory_space<semaphore_mem>>) src(%dma_wait3A_138 : memref<10000x128xf32, #tpu.memory_space<hbm>>) dst(%arg8 : memref<80x128xf32, #tpu.memory_space<vmem>>)
      %dma_wait3A_139 = arith.constant 0 : i32
      %dma_wait3A_140 = arith.constant 0 : i32
      %dma_wait3A_141 = tpu.memref_slice %arg7[%dma_wait3A_139, %dma_wait3A_140] : memref<50x80xi32, #tpu.memory_space<vmem>> -> memref<1x80xi32, #tpu.memory_space<vmem>>
      %dma_wait3A_142 = tpu.memref_squeeze %dma_wait3A_141 : memref<1x80xi32, #tpu.memory_space<vmem>> -> memref<80xi32, #tpu.memory_space<vmem>>
      %dma_wait3A_143 = arith.constant 0 : i32
      %dma_wait3A_144 = arith.constant 0 : i32
      %dma_wait3A_145 = tpu.memref_slice %arg2[%dma_wait3A_143, %dma_wait3A_144] : memref<10000x128xf32, #tpu.memory_space<hbm>> -> memref<10000x128xf32, #tpu.memory_space<hbm>>
      tpu.wait_indirect_dma semaphore(%arg14 : memref<!tpu.dma_semaphore, #tpu.memory_space<semaphore_mem>>) src(%dma_wait3A_145 : memref<10000x128xf32, #tpu.memory_space<hbm>>) dst(%arg9 : memref<80x128xf32, #tpu.memory_space<vmem>>)
      %scan3A_146 = arith.constant 0 : i32
      %scan3A_147 = arith.constant 0 : i32
      %scan3A_148 = arith.constant 80 : i32
      %scan3A_149 = arith.addi %scan3A_147, %scan3A_148 : i32
      %scan3A_150 = arith.constant 1 : i32
      scf.for %scan3A_219 = %scan3A_147 to %scan3A_149 step %scan3A_150  : i32 {
        %get3A = arith.index_cast %scan3A_219 : i32 to index
        %get3A_220 = arith.constant 0 : index
        %get3A_221 = tpu.vector_load %arg8[%get3A, %get3A_220] {strides = array<i32>} : memref<80x128xf32, #tpu.memory_space<vmem>>, vector<1x16xf32>,
        %get3A_222 = vector.shape_cast %get3A_221 : vector<1x16xf32> to vector<16xf32>
        %get3A_223 = arith.index_cast %scan3A_219 : i32 to index
        %get3A_224 = arith.constant 0 : index
        %get3A_225 = tpu.vector_load %arg9[%get3A_223, %get3A_224] {strides = array<i32>} : memref<80x128xf32, #tpu.memory_space<vmem>>, vector<1x16xf32>,
        %get3A_226 = vector.shape_cast %get3A_225 : vector<1x16xf32> to vector<16xf32>
        %mul3A_227 = arith.mulf %get3A_222, %get3A_226 : vector<16xf32>
        %swap3A = arith.index_cast %scan3A_219 : i32 to index
        %swap3A_228 = arith.constant 0 : index
        %swap3A_229 = tpu.vector_load %arg12[%swap3A, %swap3A_228] {strides = array<i32>} : memref<80x128xf32, #tpu.memory_space<vmem>>, vector<1x16xf32>,
        %swap3A_230 = vector.shape_cast %swap3A_229 : vector<1x16xf32> to vector<16xf32>
        %swap3A_231 = vector.shape_cast %mul3A_227 : vector<16xf32> to vector<1x16xf32>
        tpu.vector_store %arg12[%swap3A, %swap3A_228], %swap3A_231 {strides = array<i32>} : memref<80x128xf32, #tpu.memory_space<vmem>>, vector<1x16xf32>,
        %get3A_232 = arith.index_cast %scan3A_219 : i32 to index
        %get3A_233 = arith.constant 16 : index
        %get3A_234 = tpu.vector_load %arg8[%get3A_232, %get3A_233] {strides = array<i32>} : memref<80x128xf32, #tpu.memory_space<vmem>>, vector<1x16xf32>,
        %get3A_235 = vector.shape_cast %get3A_234 : vector<1x16xf32> to vector<16xf32>
        %get3A_236 = arith.index_cast %scan3A_219 : i32 to index
        %get3A_237 = arith.constant 16 : index
        %get3A_238 = tpu.vector_load %arg9[%get3A_236, %get3A_237] {strides = array<i32>} : memref<80x128xf32, #tpu.memory_space<vmem>>, vector<1x16xf32>,
        %get3A_239 = vector.shape_cast %get3A_238 : vector<1x16xf32> to vector<16xf32>
        %mul3A_240 = arith.mulf %get3A_235, %get3A_239 : vector<16xf32>
        %swap3A_241 = arith.index_cast %scan3A_219 : i32 to index
        %swap3A_242 = arith.constant 16 : index
        %swap3A_243 = tpu.vector_load %arg12[%swap3A_241, %swap3A_242] {strides = array<i32>} : memref<80x128xf32, #tpu.memory_space<vmem>>, vector<1x16xf32>,
        %swap3A_244 = vector.shape_cast %swap3A_243 : vector<1x16xf32> to vector<16xf32>
        %swap3A_245 = vector.shape_cast %mul3A_240 : vector<16xf32> to vector<1x16xf32>
        tpu.vector_store %arg12[%swap3A_241, %swap3A_242], %swap3A_245 {strides = array<i32>} : memref<80x128xf32, #tpu.memory_space<vmem>>, vector<1x16xf32>,
        %get3A_246 = arith.index_cast %scan3A_219 : i32 to index
        %get3A_247 = arith.constant 32 : index
        %get3A_248 = tpu.vector_load %arg8[%get3A_246, %get3A_247] {strides = array<i32>} : memref<80x128xf32, #tpu.memory_space<vmem>>, vector<1x16xf32>,
        %get3A_249 = vector.shape_cast %get3A_248 : vector<1x16xf32> to vector<16xf32>
        %get3A_250 = arith.index_cast %scan3A_219 : i32 to index
        %get3A_251 = arith.constant 32 : index
        %get3A_252 = tpu.vector_load %arg9[%get3A_250, %get3A_251] {strides = array<i32>} : memref<80x128xf32, #tpu.memory_space<vmem>>, vector<1x16xf32>,
        %get3A_253 = vector.shape_cast %get3A_252 : vector<1x16xf32> to vector<16xf32>
        %mul3A_254 = arith.mulf %get3A_249, %get3A_253 : vector<16xf32>
        %swap3A_255 = arith.index_cast %scan3A_219 : i32 to index
        %swap3A_256 = arith.constant 32 : index
        %swap3A_257 = tpu.vector_load %arg12[%swap3A_255, %swap3A_256] {strides = array<i32>} : memref<80x128xf32, #tpu.memory_space<vmem>>, vector<1x16xf32>,
        %swap3A_258 = vector.shape_cast %swap3A_257 : vector<1x16xf32> to vector<16xf32>
        %swap3A_259 = vector.shape_cast %mul3A_254 : vector<16xf32> to vector<1x16xf32>
        tpu.vector_store %arg12[%swap3A_255, %swap3A_256], %swap3A_259 {strides = array<i32>} : memref<80x128xf32, #tpu.memory_space<vmem>>, vector<1x16xf32>,
        %get3A_260 = arith.index_cast %scan3A_219 : i32 to index
        %get3A_261 = arith.constant 48 : index
        %get3A_262 = tpu.vector_load %arg8[%get3A_260, %get3A_261] {strides = array<i32>} : memref<80x128xf32, #tpu.memory_space<vmem>>, vector<1x16xf32>,
        %get3A_263 = vector.shape_cast %get3A_262 : vector<1x16xf32> to vector<16xf32>
        %get3A_264 = arith.index_cast %scan3A_219 : i32 to index
        %get3A_265 = arith.constant 48 : index
        %get3A_266 = tpu.vector_load %arg9[%get3A_264, %get3A_265] {strides = array<i32>} : memref<80x128xf32, #tpu.memory_space<vmem>>, vector<1x16xf32>,
        %get3A_267 = vector.shape_cast %get3A_266 : vector<1x16xf32> to vector<16xf32>
        %mul3A_268 = arith.mulf %get3A_263, %get3A_267 : vector<16xf32>
        %swap3A_269 = arith.index_cast %scan3A_219 : i32 to index
        %swap3A_270 = arith.constant 48 : index
        %swap3A_271 = tpu.vector_load %arg12[%swap3A_269, %swap3A_270] {strides = array<i32>} : memref<80x128xf32, #tpu.memory_space<vmem>>, vector<1x16xf32>,
        %swap3A_272 = vector.shape_cast %swap3A_271 : vector<1x16xf32> to vector<16xf32>
        %swap3A_273 = vector.shape_cast %mul3A_268 : vector<16xf32> to vector<1x16xf32>
        tpu.vector_store %arg12[%swap3A_269, %swap3A_270], %swap3A_273 {strides = array<i32>} : memref<80x128xf32, #tpu.memory_space<vmem>>, vector<1x16xf32>,
        %get3A_274 = arith.index_cast %scan3A_219 : i32 to index
        %get3A_275 = arith.constant 64 : index
        %get3A_276 = tpu.vector_load %arg8[%get3A_274, %get3A_275] {strides = array<i32>} : memref<80x128xf32, #tpu.memory_space<vmem>>, vector<1x16xf32>,
        %get3A_277 = vector.shape_cast %get3A_276 : vector<1x16xf32> to vector<16xf32>
        %get3A_278 = arith.index_cast %scan3A_219 : i32 to index
        %get3A_279 = arith.constant 64 : index
        %get3A_280 = tpu.vector_load %arg9[%get3A_278, %get3A_279] {strides = array<i32>} : memref<80x128xf32, #tpu.memory_space<vmem>>, vector<1x16xf32>,
        %get3A_281 = vector.shape_cast %get3A_280 : vector<1x16xf32> to vector<16xf32>
        %mul3A_282 = arith.mulf %get3A_277, %get3A_281 : vector<16xf32>
        %swap3A_283 = arith.index_cast %scan3A_219 : i32 to index
        %swap3A_284 = arith.constant 64 : index
        %swap3A_285 = tpu.vector_load %arg12[%swap3A_283, %swap3A_284] {strides = array<i32>} : memref<80x128xf32, #tpu.memory_space<vmem>>, vector<1x16xf32>,
        %swap3A_286 = vector.shape_cast %swap3A_285 : vector<1x16xf32> to vector<16xf32>
        %swap3A_287 = vector.shape_cast %mul3A_282 : vector<16xf32> to vector<1x16xf32>
        tpu.vector_store %arg12[%swap3A_283, %swap3A_284], %swap3A_287 {strides = array<i32>} : memref<80x128xf32, #tpu.memory_space<vmem>>, vector<1x16xf32>,
        %get3A_288 = arith.index_cast %scan3A_219 : i32 to index
        %get3A_289 = arith.constant 80 : index
        %get3A_290 = tpu.vector_load %arg8[%get3A_288, %get3A_289] {strides = array<i32>} : memref<80x128xf32, #tpu.memory_space<vmem>>, vector<1x16xf32>,
        %get3A_291 = vector.shape_cast %get3A_290 : vector<1x16xf32> to vector<16xf32>
        %get3A_292 = arith.index_cast %scan3A_219 : i32 to index
        %get3A_293 = arith.constant 80 : index
        %get3A_294 = tpu.vector_load %arg9[%get3A_292, %get3A_293] {strides = array<i32>} : memref<80x128xf32, #tpu.memory_space<vmem>>, vector<1x16xf32>,
        %get3A_295 = vector.shape_cast %get3A_294 : vector<1x16xf32> to vector<16xf32>
        %mul3A_296 = arith.mulf %get3A_291, %get3A_295 : vector<16xf32>
        %swap3A_297 = arith.index_cast %scan3A_219 : i32 to index
        %swap3A_298 = arith.constant 80 : index
        %swap3A_299 = tpu.vector_load %arg12[%swap3A_297, %swap3A_298] {strides = array<i32>} : memref<80x128xf32, #tpu.memory_space<vmem>>, vector<1x16xf32>,
        %swap3A_300 = vector.shape_cast %swap3A_299 : vector<1x16xf32> to vector<16xf32>
        %swap3A_301 = vector.shape_cast %mul3A_296 : vector<16xf32> to vector<1x16xf32>
        tpu.vector_store %arg12[%swap3A_297, %swap3A_298], %swap3A_301 {strides = array<i32>} : memref<80x128xf32, #tpu.memory_space<vmem>>, vector<1x16xf32>,
        %get3A_302 = arith.index_cast %scan3A_219 : i32 to index
        %get3A_303 = arith.constant 96 : index
        %get3A_304 = tpu.vector_load %arg8[%get3A_302, %get3A_303] {strides = array<i32>} : memref<80x128xf32, #tpu.memory_space<vmem>>, vector<1x16xf32>,
        %get3A_305 = vector.shape_cast %get3A_304 : vector<1x16xf32> to vector<16xf32>
        %get3A_306 = arith.index_cast %scan3A_219 : i32 to index
        %get3A_307 = arith.constant 96 : index
        %get3A_308 = tpu.vector_load %arg9[%get3A_306, %get3A_307] {strides = array<i32>} : memref<80x128xf32, #tpu.memory_space<vmem>>, vector<1x16xf32>,
        %get3A_309 = vector.shape_cast %get3A_308 : vector<1x16xf32> to vector<16xf32>
        %mul3A_310 = arith.mulf %get3A_305, %get3A_309 : vector<16xf32>
        %swap3A_311 = arith.index_cast %scan3A_219 : i32 to index
        %swap3A_312 = arith.constant 96 : index
        %swap3A_313 = tpu.vector_load %arg12[%swap3A_311, %swap3A_312] {strides = array<i32>} : memref<80x128xf32, #tpu.memory_space<vmem>>, vector<1x16xf32>,
        %swap3A_314 = vector.shape_cast %swap3A_313 : vector<1x16xf32> to vector<16xf32>
        %swap3A_315 = vector.shape_cast %mul3A_310 : vector<16xf32> to vector<1x16xf32>
        tpu.vector_store %arg12[%swap3A_311, %swap3A_312], %swap3A_315 {strides = array<i32>} : memref<80x128xf32, #tpu.memory_space<vmem>>, vector<1x16xf32>,
        %get3A_316 = arith.index_cast %scan3A_219 : i32 to index
        %get3A_317 = arith.constant 112 : index
        %get3A_318 = tpu.vector_load %arg8[%get3A_316, %get3A_317] {strides = array<i32>} : memref<80x128xf32, #tpu.memory_space<vmem>>, vector<1x16xf32>,
        %get3A_319 = vector.shape_cast %get3A_318 : vector<1x16xf32> to vector<16xf32>
        %get3A_320 = arith.index_cast %scan3A_219 : i32 to index
        %get3A_321 = arith.constant 112 : index
        %get3A_322 = tpu.vector_load %arg9[%get3A_320, %get3A_321] {strides = array<i32>} : memref<80x128xf32, #tpu.memory_space<vmem>>, vector<1x16xf32>,
        %get3A_323 = vector.shape_cast %get3A_322 : vector<1x16xf32> to vector<16xf32>
        %mul3A_324 = arith.mulf %get3A_319, %get3A_323 : vector<16xf32>
        %swap3A_325 = arith.index_cast %scan3A_219 : i32 to index
        %swap3A_326 = arith.constant 112 : index
        %swap3A_327 = tpu.vector_load %arg12[%swap3A_325, %swap3A_326] {strides = array<i32>} : memref<80x128xf32, #tpu.memory_space<vmem>>, vector<1x16xf32>,
        %swap3A_328 = vector.shape_cast %swap3A_327 : vector<1x16xf32> to vector<16xf32>
        %swap3A_329 = vector.shape_cast %mul3A_324 : vector<16xf32> to vector<1x16xf32>
        tpu.vector_store %arg12[%swap3A_325, %swap3A_326], %swap3A_329 {strides = array<i32>} : memref<80x128xf32, #tpu.memory_space<vmem>>, vector<1x16xf32>,
      }
      %scan3A_151 = arith.constant 80 : i32
      %mul3A_152 = arith.constant 2 : i32
      %mul3A_153 = arith.muli %mul3A_152, %scan3A_113 : i32
      %mul3A_154 = arith.constant 4000 : i32
      %mul3A_155 = arith.muli %add3A, %mul3A_154 : i32
      %mul3A_156 = arith.constant 80 : i32
      %mul3A_157 = arith.muli %mul3A_153, %mul3A_156 : i32
      %add3A_158 = arith.addi %mul3A_155, %mul3A_157 : i32
      %multiple_of3A_159 = tpu.assume_multiple %add3A_158, 8 : i32
      %dma_start3A_160 = arith.constant 0 : i32
      %dma_start3A_161 = tpu.memref_slice %arg5[%multiple_of3A_159, %dma_start3A_160] : memref<128000x128xf32, #tpu.memory_space<hbm>> -> memref<80x128xf32, #tpu.memory_space<hbm>>
      %dma_start3A_162 = arith.constant 0 : i32
      %dma_start3A_163 = tpu.memref_slice %arg5[%multiple_of3A_159, %dma_start3A_162] : memref<128000x128xf32, #tpu.memory_space<hbm>> -> memref<80x128xf32, #tpu.memory_space<hbm>>
      tpu.enqueue_dma source(%arg12 : memref<80x128xf32, #tpu.memory_space<vmem>>) target(%dma_start3A_163 : memref<80x128xf32, #tpu.memory_space<hbm>>) target_semaphore(%arg16 : memref<!tpu.dma_semaphore, #tpu.memory_space<semaphore_mem>>)
      %mul3A_164 = arith.constant 2 : i32
      %mul3A_165 = arith.muli %mul3A_164, %scan3A_113 : i32
      %add3A_166 = arith.constant 2 : i32
      %add3A_167 = arith.addi %mul3A_165, %add3A_166 : i32
      %dma_start3A_168 = arith.constant 0 : i32
      %dma_start3A_169 = tpu.memref_slice %arg6[%add3A_167, %dma_start3A_168] : memref<50x80xi32, #tpu.memory_space<vmem>> -> memref<1x80xi32, #tpu.memory_space<vmem>>
      %dma_start3A_170 = tpu.memref_squeeze %dma_start3A_169 : memref<1x80xi32, #tpu.memory_space<vmem>> -> memref<80xi32, #tpu.memory_space<vmem>>
      %dma_start3A_171 = arith.constant 0 : i32
      %dma_start3A_172 = arith.constant 0 : i32
      %dma_start3A_173 = tpu.memref_slice %arg2[%dma_start3A_171, %dma_start3A_172] : memref<10000x128xf32, #tpu.memory_space<hbm>> -> memref<10000x128xf32, #tpu.memory_space<hbm>>
      tpu.enqueue_indirect_dma source(%dma_start3A_173 : memref<10000x128xf32, #tpu.memory_space<hbm>>) target(%arg8 : memref<80x128xf32, #tpu.memory_space<vmem>>) offsets(%dma_start3A_170 : memref<80xi32, #tpu.memory_space<vmem>>) semaphore(%arg14 : memref<!tpu.dma_semaphore, #tpu.memory_space<semaphore_mem>>)
      %dma_start3A_174 = arith.constant 0 : i32
      %dma_start3A_175 = tpu.memref_slice %arg7[%add3A_167, %dma_start3A_174] : memref<50x80xi32, #tpu.memory_space<vmem>> -> memref<1x80xi32, #tpu.memory_space<vmem>>
      %dma_start3A_176 = tpu.memref_squeeze %dma_start3A_175 : memref<1x80xi32, #tpu.memory_space<vmem>> -> memref<80xi32, #tpu.memory_space<vmem>>
      %dma_start3A_177 = arith.constant 0 : i32
      %dma_start3A_178 = arith.constant 0 : i32
      %dma_start3A_179 = tpu.memref_slice %arg2[%dma_start3A_177, %dma_start3A_178] : memref<10000x128xf32, #tpu.memory_space<hbm>> -> memref<10000x128xf32, #tpu.memory_space<hbm>>
      tpu.enqueue_indirect_dma source(%dma_start3A_179 : memref<10000x128xf32, #tpu.memory_space<hbm>>) target(%arg9 : memref<80x128xf32, #tpu.memory_space<vmem>>) offsets(%dma_start3A_176 : memref<80xi32, #tpu.memory_space<vmem>>) semaphore(%arg14 : memref<!tpu.dma_semaphore, #tpu.memory_space<semaphore_mem>>)
      %gt3A_180 = arith.constant 0 : i32
      %gt3A_181 = arith.cmpi sgt, %scan3A_113, %gt3A_180 : i32
      %convert_element_type3A_182 = arith.extui %gt3A_181 : i1 to i32
      %cond3A_183 = arith.constant 0 : i32
      %cond3A_184 = arith.cmpi ne, %convert_element_type3A_182, %cond3A_183 : i32
      scf.if %cond3A_184 {
        %dma_wait3A_219 = arith.constant 0 : i32
        %dma_wait3A_220 = arith.constant 0 : i32
        %dma_wait3A_221 = tpu.memref_slice %arg5[%dma_wait3A_219, %dma_wait3A_220] : memref<128000x128xf32, #tpu.memory_space<hbm>> -> memref<80x128xf32, #tpu.memory_space<hbm>>
        %dma_wait3A_222 = arith.constant 0 : i32
        %dma_wait3A_223 = arith.constant 0 : i32
        %dma_wait3A_224 = tpu.memref_slice %arg5[%dma_wait3A_222, %dma_wait3A_223] : memref<128000x128xf32, #tpu.memory_space<hbm>> -> memref<80x128xf32, #tpu.memory_space<hbm>>
        tpu.wait_dma2 semaphore(%arg17 : memref<!tpu.dma_semaphore, #tpu.memory_space<semaphore_mem>>) src(%arg13 : memref<80x128xf32, #tpu.memory_space<vmem>>) dst(%dma_wait3A_224 : memref<80x128xf32, #tpu.memory_space<hbm>>)
      } else {
      }
      %dma_wait3A_185 = arith.constant 0 : i32
      %dma_wait3A_186 = arith.constant 0 : i32
      %dma_wait3A_187 = tpu.memref_slice %arg6[%dma_wait3A_185, %dma_wait3A_186] : memref<50x80xi32, #tpu.memory_space<vmem>> -> memref<1x80xi32, #tpu.memory_space<vmem>>
      %dma_wait3A_188 = tpu.memref_squeeze %dma_wait3A_187 : memref<1x80xi32, #tpu.memory_space<vmem>> -> memref<80xi32, #tpu.memory_space<vmem>>
      %dma_wait3A_189 = arith.constant 0 : i32
      %dma_wait3A_190 = arith.constant 0 : i32
      %dma_wait3A_191 = tpu.memref_slice %arg2[%dma_wait3A_189, %dma_wait3A_190] : memref<10000x128xf32, #tpu.memory_space<hbm>> -> memref<10000x128xf32, #tpu.memory_space<hbm>>
      tpu.wait_indirect_dma semaphore(%arg15 : memref<!tpu.dma_semaphore, #tpu.memory_space<semaphore_mem>>) src(%dma_wait3A_191 : memref<10000x128xf32, #tpu.memory_space<hbm>>) dst(%arg10 : memref<80x128xf32, #tpu.memory_space<vmem>>)
      %dma_wait3A_192 = arith.constant 0 : i32
      %dma_wait3A_193 = arith.constant 0 : i32
      %dma_wait3A_194 = tpu.memref_slice %arg7[%dma_wait3A_192, %dma_wait3A_193] : memref<50x80xi32, #tpu.memory_space<vmem>> -> memref<1x80xi32, #tpu.memory_space<vmem>>
      %dma_wait3A_195 = tpu.memref_squeeze %dma_wait3A_194 : memref<1x80xi32, #tpu.memory_space<vmem>> -> memref<80xi32, #tpu.memory_space<vmem>>
      %dma_wait3A_196 = arith.constant 0 : i32
      %dma_wait3A_197 = arith.constant 0 : i32
      %dma_wait3A_198 = tpu.memref_slice %arg2[%dma_wait3A_196, %dma_wait3A_197] : memref<10000x128xf32, #tpu.memory_space<hbm>> -> memref<10000x128xf32, #tpu.memory_space<hbm>>
      tpu.wait_indirect_dma semaphore(%arg15 : memref<!tpu.dma_semaphore, #tpu.memory_space<semaphore_mem>>) src(%dma_wait3A_198 : memref<10000x128xf32, #tpu.memory_space<hbm>>) dst(%arg11 : memref<80x128xf32, #tpu.memory_space<vmem>>)
      %scan3A_199 = arith.constant 0 : i32
      %scan3A_200 = arith.constant 0 : i32
      %scan3A_201 = arith.constant 80 : i32
      %scan3A_202 = arith.addi %scan3A_200, %scan3A_201 : i32
      %scan3A_203 = arith.constant 1 : i32
      scf.for %scan3A_219 = %scan3A_200 to %scan3A_202 step %scan3A_203  : i32 {
        %get3A = arith.index_cast %scan3A_219 : i32 to index
        %get3A_220 = arith.constant 0 : index
        %get3A_221 = tpu.vector_load %arg10[%get3A, %get3A_220] {strides = array<i32>} : memref<80x128xf32, #tpu.memory_space<vmem>>, vector<1x16xf32>,
        %get3A_222 = vector.shape_cast %get3A_221 : vector<1x16xf32> to vector<16xf32>
        %get3A_223 = arith.index_cast %scan3A_219 : i32 to index
        %get3A_224 = arith.constant 0 : index
        %get3A_225 = tpu.vector_load %arg11[%get3A_223, %get3A_224] {strides = array<i32>} : memref<80x128xf32, #tpu.memory_space<vmem>>, vector<1x16xf32>,
        %get3A_226 = vector.shape_cast %get3A_225 : vector<1x16xf32> to vector<16xf32>
        %mul3A_227 = arith.mulf %get3A_222, %get3A_226 : vector<16xf32>
        %swap3A = arith.index_cast %scan3A_219 : i32 to index
        %swap3A_228 = arith.constant 0 : index
        %swap3A_229 = tpu.vector_load %arg13[%swap3A, %swap3A_228] {strides = array<i32>} : memref<80x128xf32, #tpu.memory_space<vmem>>, vector<1x16xf32>,
        %swap3A_230 = vector.shape_cast %swap3A_229 : vector<1x16xf32> to vector<16xf32>
        %swap3A_231 = vector.shape_cast %mul3A_227 : vector<16xf32> to vector<1x16xf32>
        tpu.vector_store %arg13[%swap3A, %swap3A_228], %swap3A_231 {strides = array<i32>} : memref<80x128xf32, #tpu.memory_space<vmem>>, vector<1x16xf32>,
        %get3A_232 = arith.index_cast %scan3A_219 : i32 to index
        %get3A_233 = arith.constant 16 : index
        %get3A_234 = tpu.vector_load %arg10[%get3A_232, %get3A_233] {strides = array<i32>} : memref<80x128xf32, #tpu.memory_space<vmem>>, vector<1x16xf32>,
        %get3A_235 = vector.shape_cast %get3A_234 : vector<1x16xf32> to vector<16xf32>
        %get3A_236 = arith.index_cast %scan3A_219 : i32 to index
        %get3A_237 = arith.constant 16 : index
        %get3A_238 = tpu.vector_load %arg11[%get3A_236, %get3A_237] {strides = array<i32>} : memref<80x128xf32, #tpu.memory_space<vmem>>, vector<1x16xf32>,
        %get3A_239 = vector.shape_cast %get3A_238 : vector<1x16xf32> to vector<16xf32>
        %mul3A_240 = arith.mulf %get3A_235, %get3A_239 : vector<16xf32>
        %swap3A_241 = arith.index_cast %scan3A_219 : i32 to index
        %swap3A_242 = arith.constant 16 : index
        %swap3A_243 = tpu.vector_load %arg13[%swap3A_241, %swap3A_242] {strides = array<i32>} : memref<80x128xf32, #tpu.memory_space<vmem>>, vector<1x16xf32>,
        %swap3A_244 = vector.shape_cast %swap3A_243 : vector<1x16xf32> to vector<16xf32>
        %swap3A_245 = vector.shape_cast %mul3A_240 : vector<16xf32> to vector<1x16xf32>
        tpu.vector_store %arg13[%swap3A_241, %swap3A_242], %swap3A_245 {strides = array<i32>} : memref<80x128xf32, #tpu.memory_space<vmem>>, vector<1x16xf32>,
        %get3A_246 = arith.index_cast %scan3A_219 : i32 to index
        %get3A_247 = arith.constant 32 : index
        %get3A_248 = tpu.vector_load %arg10[%get3A_246, %get3A_247] {strides = array<i32>} : memref<80x128xf32, #tpu.memory_space<vmem>>, vector<1x16xf32>,
        %get3A_249 = vector.shape_cast %get3A_248 : vector<1x16xf32> to vector<16xf32>
        %get3A_250 = arith.index_cast %scan3A_219 : i32 to index
        %get3A_251 = arith.constant 32 : index
        %get3A_252 = tpu.vector_load %arg11[%get3A_250, %get3A_251] {strides = array<i32>} : memref<80x128xf32, #tpu.memory_space<vmem>>, vector<1x16xf32>,
        %get3A_253 = vector.shape_cast %get3A_252 : vector<1x16xf32> to vector<16xf32>
        %mul3A_254 = arith.mulf %get3A_249, %get3A_253 : vector<16xf32>
        %swap3A_255 = arith.index_cast %scan3A_219 : i32 to index
        %swap3A_256 = arith.constant 32 : index
        %swap3A_257 = tpu.vector_load %arg13[%swap3A_255, %swap3A_256] {strides = array<i32>} : memref<80x128xf32, #tpu.memory_space<vmem>>, vector<1x16xf32>,
        %swap3A_258 = vector.shape_cast %swap3A_257 : vector<1x16xf32> to vector<16xf32>
        %swap3A_259 = vector.shape_cast %mul3A_254 : vector<16xf32> to vector<1x16xf32>
        tpu.vector_store %arg13[%swap3A_255, %swap3A_256], %swap3A_259 {strides = array<i32>} : memref<80x128xf32, #tpu.memory_space<vmem>>, vector<1x16xf32>,
        %get3A_260 = arith.index_cast %scan3A_219 : i32 to index
        %get3A_261 = arith.constant 48 : index
        %get3A_262 = tpu.vector_load %arg10[%get3A_260, %get3A_261] {strides = array<i32>} : memref<80x128xf32, #tpu.memory_space<vmem>>, vector<1x16xf32>,
        %get3A_263 = vector.shape_cast %get3A_262 : vector<1x16xf32> to vector<16xf32>
        %get3A_264 = arith.index_cast %scan3A_219 : i32 to index
        %get3A_265 = arith.constant 48 : index
        %get3A_266 = tpu.vector_load %arg11[%get3A_264, %get3A_265] {strides = array<i32>} : memref<80x128xf32, #tpu.memory_space<vmem>>, vector<1x16xf32>,
        %get3A_267 = vector.shape_cast %get3A_266 : vector<1x16xf32> to vector<16xf32>
        %mul3A_268 = arith.mulf %get3A_263, %get3A_267 : vector<16xf32>
        %swap3A_269 = arith.index_cast %scan3A_219 : i32 to index
        %swap3A_270 = arith.constant 48 : index
        %swap3A_271 = tpu.vector_load %arg13[%swap3A_269, %swap3A_270] {strides = array<i32>} : memref<80x128xf32, #tpu.memory_space<vmem>>, vector<1x16xf32>,
        %swap3A_272 = vector.shape_cast %swap3A_271 : vector<1x16xf32> to vector<16xf32>
        %swap3A_273 = vector.shape_cast %mul3A_268 : vector<16xf32> to vector<1x16xf32>
        tpu.vector_store %arg13[%swap3A_269, %swap3A_270], %swap3A_273 {strides = array<i32>} : memref<80x128xf32, #tpu.memory_space<vmem>>, vector<1x16xf32>,
        %get3A_274 = arith.index_cast %scan3A_219 : i32 to index
        %get3A_275 = arith.constant 64 : index
        %get3A_276 = tpu.vector_load %arg10[%get3A_274, %get3A_275] {strides = array<i32>} : memref<80x128xf32, #tpu.memory_space<vmem>>, vector<1x16xf32>,
        %get3A_277 = vector.shape_cast %get3A_276 : vector<1x16xf32> to vector<16xf32>
        %get3A_278 = arith.index_cast %scan3A_219 : i32 to index
        %get3A_279 = arith.constant 64 : index
        %get3A_280 = tpu.vector_load %arg11[%get3A_278, %get3A_279] {strides = array<i32>} : memref<80x128xf32, #tpu.memory_space<vmem>>, vector<1x16xf32>,
        %get3A_281 = vector.shape_cast %get3A_280 : vector<1x16xf32> to vector<16xf32>
        %mul3A_282 = arith.mulf %get3A_277, %get3A_281 : vector<16xf32>
        %swap3A_283 = arith.index_cast %scan3A_219 : i32 to index
        %swap3A_284 = arith.constant 64 : index
        %swap3A_285 = tpu.vector_load %arg13[%swap3A_283, %swap3A_284] {strides = array<i32>} : memref<80x128xf32, #tpu.memory_space<vmem>>, vector<1x16xf32>,
        %swap3A_286 = vector.shape_cast %swap3A_285 : vector<1x16xf32> to vector<16xf32>
        %swap3A_287 = vector.shape_cast %mul3A_282 : vector<16xf32> to vector<1x16xf32>
        tpu.vector_store %arg13[%swap3A_283, %swap3A_284], %swap3A_287 {strides = array<i32>} : memref<80x128xf32, #tpu.memory_space<vmem>>, vector<1x16xf32>,
        %get3A_288 = arith.index_cast %scan3A_219 : i32 to index
        %get3A_289 = arith.constant 80 : index
        %get3A_290 = tpu.vector_load %arg10[%get3A_288, %get3A_289] {strides = array<i32>} : memref<80x128xf32, #tpu.memory_space<vmem>>, vector<1x16xf32>,
        %get3A_291 = vector.shape_cast %get3A_290 : vector<1x16xf32> to vector<16xf32>
        %get3A_292 = arith.index_cast %scan3A_219 : i32 to index
        %get3A_293 = arith.constant 80 : index
        %get3A_294 = tpu.vector_load %arg11[%get3A_292, %get3A_293] {strides = array<i32>} : memref<80x128xf32, #tpu.memory_space<vmem>>, vector<1x16xf32>,
        %get3A_295 = vector.shape_cast %get3A_294 : vector<1x16xf32> to vector<16xf32>
        %mul3A_296 = arith.mulf %get3A_291, %get3A_295 : vector<16xf32>
        %swap3A_297 = arith.index_cast %scan3A_219 : i32 to index
        %swap3A_298 = arith.constant 80 : index
        %swap3A_299 = tpu.vector_load %arg13[%swap3A_297, %swap3A_298] {strides = array<i32>} : memref<80x128xf32, #tpu.memory_space<vmem>>, vector<1x16xf32>,
        %swap3A_300 = vector.shape_cast %swap3A_299 : vector<1x16xf32> to vector<16xf32>
        %swap3A_301 = vector.shape_cast %mul3A_296 : vector<16xf32> to vector<1x16xf32>
        tpu.vector_store %arg13[%swap3A_297, %swap3A_298], %swap3A_301 {strides = array<i32>} : memref<80x128xf32, #tpu.memory_space<vmem>>, vector<1x16xf32>,
        %get3A_302 = arith.index_cast %scan3A_219 : i32 to index
        %get3A_303 = arith.constant 96 : index
        %get3A_304 = tpu.vector_load %arg10[%get3A_302, %get3A_303] {strides = array<i32>} : memref<80x128xf32, #tpu.memory_space<vmem>>, vector<1x16xf32>,
        %get3A_305 = vector.shape_cast %get3A_304 : vector<1x16xf32> to vector<16xf32>
        %get3A_306 = arith.index_cast %scan3A_219 : i32 to index
        %get3A_307 = arith.constant 96 : index
        %get3A_308 = tpu.vector_load %arg11[%get3A_306, %get3A_307] {strides = array<i32>} : memref<80x128xf32, #tpu.memory_space<vmem>>, vector<1x16xf32>,
        %get3A_309 = vector.shape_cast %get3A_308 : vector<1x16xf32> to vector<16xf32>
        %mul3A_310 = arith.mulf %get3A_305, %get3A_309 : vector<16xf32>
        %swap3A_311 = arith.index_cast %scan3A_219 : i32 to index
        %swap3A_312 = arith.constant 96 : index
        %swap3A_313 = tpu.vector_load %arg13[%swap3A_311, %swap3A_312] {strides = array<i32>} : memref<80x128xf32, #tpu.memory_space<vmem>>, vector<1x16xf32>,
        %swap3A_314 = vector.shape_cast %swap3A_313 : vector<1x16xf32> to vector<16xf32>
        %swap3A_315 = vector.shape_cast %mul3A_310 : vector<16xf32> to vector<1x16xf32>
        tpu.vector_store %arg13[%swap3A_311, %swap3A_312], %swap3A_315 {strides = array<i32>} : memref<80x128xf32, #tpu.memory_space<vmem>>, vector<1x16xf32>,
        %get3A_316 = arith.index_cast %scan3A_219 : i32 to index
        %get3A_317 = arith.constant 112 : index
        %get3A_318 = tpu.vector_load %arg10[%get3A_316, %get3A_317] {strides = array<i32>} : memref<80x128xf32, #tpu.memory_space<vmem>>, vector<1x16xf32>,
        %get3A_319 = vector.shape_cast %get3A_318 : vector<1x16xf32> to vector<16xf32>
        %get3A_320 = arith.index_cast %scan3A_219 : i32 to index
        %get3A_321 = arith.constant 112 : index
        %get3A_322 = tpu.vector_load %arg11[%get3A_320, %get3A_321] {strides = array<i32>} : memref<80x128xf32, #tpu.memory_space<vmem>>, vector<1x16xf32>,
        %get3A_323 = vector.shape_cast %get3A_322 : vector<1x16xf32> to vector<16xf32>
        %mul3A_324 = arith.mulf %get3A_319, %get3A_323 : vector<16xf32>
        %swap3A_325 = arith.index_cast %scan3A_219 : i32 to index
        %swap3A_326 = arith.constant 112 : index
        %swap3A_327 = tpu.vector_load %arg13[%swap3A_325, %swap3A_326] {strides = array<i32>} : memref<80x128xf32, #tpu.memory_space<vmem>>, vector<1x16xf32>,
        %swap3A_328 = vector.shape_cast %swap3A_327 : vector<1x16xf32> to vector<16xf32>
        %swap3A_329 = vector.shape_cast %mul3A_324 : vector<16xf32> to vector<1x16xf32>
        tpu.vector_store %arg13[%swap3A_325, %swap3A_326], %swap3A_329 {strides = array<i32>} : memref<80x128xf32, #tpu.memory_space<vmem>>, vector<1x16xf32>,
      }
      %scan3A_204 = arith.constant 80 : i32
      %mul3A_205 = arith.constant 2 : i32
      %mul3A_206 = arith.muli %mul3A_205, %scan3A_113 : i32
      %add3A_207 = arith.constant 1 : i32
      %add3A_208 = arith.addi %mul3A_206, %add3A_207 : i32
      %mul3A_209 = arith.constant 4000 : i32
      %mul3A_210 = arith.muli %add3A, %mul3A_209 : i32
      %mul3A_211 = arith.constant 80 : i32
      %mul3A_212 = arith.muli %add3A_208, %mul3A_211 : i32
      %add3A_213 = arith.addi %mul3A_210, %mul3A_212 : i32
      %multiple_of3A_214 = tpu.assume_multiple %add3A_213, 8 : i32
      %dma_start3A_215 = arith.constant 0 : i32
      %dma_start3A_216 = tpu.memref_slice %arg5[%multiple_of3A_214, %dma_start3A_215] : memref<128000x128xf32, #tpu.memory_space<hbm>> -> memref<80x128xf32, #tpu.memory_space<hbm>>
      %dma_start3A_217 = arith.constant 0 : i32
      %dma_start3A_218 = tpu.memref_slice %arg5[%multiple_of3A_214, %dma_start3A_217] : memref<128000x128xf32, #tpu.memory_space<hbm>> -> memref<80x128xf32, #tpu.memory_space<hbm>>
      tpu.enqueue_dma source(%arg13 : memref<80x128xf32, #tpu.memory_space<vmem>>) target(%dma_start3A_218 : memref<80x128xf32, #tpu.memory_space<hbm>>) target_semaphore(%arg17 : memref<!tpu.dma_semaphore, #tpu.memory_space<semaphore_mem>>)
    }
    %scan3A_18 = arith.constant 24 : i32
    %dma_start3A_19 = arith.constant 49 : i32
    %dma_start3A_20 = arith.constant 0 : i32
    %dma_start3A_21 = tpu.memref_slice %arg6[%dma_start3A_19, %dma_start3A_20] : memref<50x80xi32, #tpu.memory_space<vmem>> -> memref<1x80xi32, #tpu.memory_space<vmem>>
    %dma_start3A_22 = tpu.memref_squeeze %dma_start3A_21 : memref<1x80xi32, #tpu.memory_space<vmem>> -> memref<80xi32, #tpu.memory_space<vmem>>
    %dma_start3A_23 = arith.constant 0 : i32
    %dma_start3A_24 = arith.constant 0 : i32
    %dma_start3A_25 = tpu.memref_slice %arg2[%dma_start3A_23, %dma_start3A_24] : memref<10000x128xf32, #tpu.memory_space<hbm>> -> memref<10000x128xf32, #tpu.memory_space<hbm>>
    tpu.enqueue_indirect_dma source(%dma_start3A_25 : memref<10000x128xf32, #tpu.memory_space<hbm>>) target(%arg10 : memref<80x128xf32, #tpu.memory_space<vmem>>) offsets(%dma_start3A_22 : memref<80xi32, #tpu.memory_space<vmem>>) semaphore(%arg15 : memref<!tpu.dma_semaphore, #tpu.memory_space<semaphore_mem>>)
    %dma_start3A_26 = arith.constant 49 : i32
    %dma_start3A_27 = arith.constant 0 : i32
    %dma_start3A_28 = tpu.memref_slice %arg7[%dma_start3A_26, %dma_start3A_27] : memref<50x80xi32, #tpu.memory_space<vmem>> -> memref<1x80xi32, #tpu.memory_space<vmem>>
    %dma_start3A_29 = tpu.memref_squeeze %dma_start3A_28 : memref<1x80xi32, #tpu.memory_space<vmem>> -> memref<80xi32, #tpu.memory_space<vmem>>
    %dma_start3A_30 = arith.constant 0 : i32
    %dma_start3A_31 = arith.constant 0 : i32
    %dma_start3A_32 = tpu.memref_slice %arg2[%dma_start3A_30, %dma_start3A_31] : memref<10000x128xf32, #tpu.memory_space<hbm>> -> memref<10000x128xf32, #tpu.memory_space<hbm>>
    tpu.enqueue_indirect_dma source(%dma_start3A_32 : memref<10000x128xf32, #tpu.memory_space<hbm>>) target(%arg11 : memref<80x128xf32, #tpu.memory_space<vmem>>) offsets(%dma_start3A_29 : memref<80xi32, #tpu.memory_space<vmem>>) semaphore(%arg15 : memref<!tpu.dma_semaphore, #tpu.memory_space<semaphore_mem>>)
    %dma_wait3A = arith.constant 0 : i32
    %dma_wait3A_33 = arith.constant 0 : i32
    %dma_wait3A_34 = tpu.memref_slice %arg5[%dma_wait3A, %dma_wait3A_33] : memref<128000x128xf32, #tpu.memory_space<hbm>> -> memref<80x128xf32, #tpu.memory_space<hbm>>
    %dma_wait3A_35 = arith.constant 0 : i32
    %dma_wait3A_36 = arith.constant 0 : i32
    %dma_wait3A_37 = tpu.memref_slice %arg5[%dma_wait3A_35, %dma_wait3A_36] : memref<128000x128xf32, #tpu.memory_space<hbm>> -> memref<80x128xf32, #tpu.memory_space<hbm>>
    tpu.wait_dma2 semaphore(%arg16 : memref<!tpu.dma_semaphore, #tpu.memory_space<semaphore_mem>>) src(%arg12 : memref<80x128xf32, #tpu.memory_space<vmem>>) dst(%dma_wait3A_37 : memref<80x128xf32, #tpu.memory_space<hbm>>)
    %dma_wait3A_38 = arith.constant 0 : i32
    %dma_wait3A_39 = arith.constant 0 : i32
    %dma_wait3A_40 = tpu.memref_slice %arg6[%dma_wait3A_38, %dma_wait3A_39] : memref<50x80xi32, #tpu.memory_space<vmem>> -> memref<1x80xi32, #tpu.memory_space<vmem>>
    %dma_wait3A_41 = tpu.memref_squeeze %dma_wait3A_40 : memref<1x80xi32, #tpu.memory_space<vmem>> -> memref<80xi32, #tpu.memory_space<vmem>>
    %dma_wait3A_42 = arith.constant 0 : i32
    %dma_wait3A_43 = arith.constant 0 : i32
    %dma_wait3A_44 = tpu.memref_slice %arg2[%dma_wait3A_42, %dma_wait3A_43] : memref<10000x128xf32, #tpu.memory_space<hbm>> -> memref<10000x128xf32, #tpu.memory_space<hbm>>
    tpu.wait_indirect_dma semaphore(%arg14 : memref<!tpu.dma_semaphore, #tpu.memory_space<semaphore_mem>>) src(%dma_wait3A_44 : memref<10000x128xf32, #tpu.memory_space<hbm>>) dst(%arg8 : memref<80x128xf32, #tpu.memory_space<vmem>>)
    %dma_wait3A_45 = arith.constant 0 : i32
    %dma_wait3A_46 = arith.constant 0 : i32
    %dma_wait3A_47 = tpu.memref_slice %arg7[%dma_wait3A_45, %dma_wait3A_46] : memref<50x80xi32, #tpu.memory_space<vmem>> -> memref<1x80xi32, #tpu.memory_space<vmem>>
    %dma_wait3A_48 = tpu.memref_squeeze %dma_wait3A_47 : memref<1x80xi32, #tpu.memory_space<vmem>> -> memref<80xi32, #tpu.memory_space<vmem>>
    %dma_wait3A_49 = arith.constant 0 : i32
    %dma_wait3A_50 = arith.constant 0 : i32
    %dma_wait3A_51 = tpu.memref_slice %arg2[%dma_wait3A_49, %dma_wait3A_50] : memref<10000x128xf32, #tpu.memory_space<hbm>> -> memref<10000x128xf32, #tpu.memory_space<hbm>>
    tpu.wait_indirect_dma semaphore(%arg14 : memref<!tpu.dma_semaphore, #tpu.memory_space<semaphore_mem>>) src(%dma_wait3A_51 : memref<10000x128xf32, #tpu.memory_space<hbm>>) dst(%arg9 : memref<80x128xf32, #tpu.memory_space<vmem>>)
    %scan3A_52 = arith.constant 0 : i32
    %scan3A_53 = arith.constant 0 : i32
    %scan3A_54 = arith.constant 80 : i32
    %scan3A_55 = arith.addi %scan3A_53, %scan3A_54 : i32
    %scan3A_56 = arith.constant 1 : i32
    scf.for %scan3A_113 = %scan3A_53 to %scan3A_55 step %scan3A_56  : i32 {
      %get3A = arith.index_cast %scan3A_113 : i32 to index
      %get3A_114 = arith.constant 0 : index
      %get3A_115 = tpu.vector_load %arg8[%get3A, %get3A_114] {strides = array<i32>} : memref<80x128xf32, #tpu.memory_space<vmem>>, vector<1x16xf32>,
      %get3A_116 = vector.shape_cast %get3A_115 : vector<1x16xf32> to vector<16xf32>
      %get3A_117 = arith.index_cast %scan3A_113 : i32 to index
      %get3A_118 = arith.constant 0 : index
      %get3A_119 = tpu.vector_load %arg9[%get3A_117, %get3A_118] {strides = array<i32>} : memref<80x128xf32, #tpu.memory_space<vmem>>, vector<1x16xf32>,
      %get3A_120 = vector.shape_cast %get3A_119 : vector<1x16xf32> to vector<16xf32>
      %mul3A_121 = arith.mulf %get3A_116, %get3A_120 : vector<16xf32>
      %swap3A = arith.index_cast %scan3A_113 : i32 to index
      %swap3A_122 = arith.constant 0 : index
      %swap3A_123 = tpu.vector_load %arg12[%swap3A, %swap3A_122] {strides = array<i32>} : memref<80x128xf32, #tpu.memory_space<vmem>>, vector<1x16xf32>,
      %swap3A_124 = vector.shape_cast %swap3A_123 : vector<1x16xf32> to vector<16xf32>
      %swap3A_125 = vector.shape_cast %mul3A_121 : vector<16xf32> to vector<1x16xf32>
      tpu.vector_store %arg12[%swap3A, %swap3A_122], %swap3A_125 {strides = array<i32>} : memref<80x128xf32, #tpu.memory_space<vmem>>, vector<1x16xf32>,
      %get3A_126 = arith.index_cast %scan3A_113 : i32 to index
      %get3A_127 = arith.constant 16 : index
      %get3A_128 = tpu.vector_load %arg8[%get3A_126, %get3A_127] {strides = array<i32>} : memref<80x128xf32, #tpu.memory_space<vmem>>, vector<1x16xf32>,
      %get3A_129 = vector.shape_cast %get3A_128 : vector<1x16xf32> to vector<16xf32>
      %get3A_130 = arith.index_cast %scan3A_113 : i32 to index
      %get3A_131 = arith.constant 16 : index
      %get3A_132 = tpu.vector_load %arg9[%get3A_130, %get3A_131] {strides = array<i32>} : memref<80x128xf32, #tpu.memory_space<vmem>>, vector<1x16xf32>,
      %get3A_133 = vector.shape_cast %get3A_132 : vector<1x16xf32> to vector<16xf32>
      %mul3A_134 = arith.mulf %get3A_129, %get3A_133 : vector<16xf32>
      %swap3A_135 = arith.index_cast %scan3A_113 : i32 to index
      %swap3A_136 = arith.constant 16 : index
      %swap3A_137 = tpu.vector_load %arg12[%swap3A_135, %swap3A_136] {strides = array<i32>} : memref<80x128xf32, #tpu.memory_space<vmem>>, vector<1x16xf32>,
      %swap3A_138 = vector.shape_cast %swap3A_137 : vector<1x16xf32> to vector<16xf32>
      %swap3A_139 = vector.shape_cast %mul3A_134 : vector<16xf32> to vector<1x16xf32>
      tpu.vector_store %arg12[%swap3A_135, %swap3A_136], %swap3A_139 {strides = array<i32>} : memref<80x128xf32, #tpu.memory_space<vmem>>, vector<1x16xf32>,
      %get3A_140 = arith.index_cast %scan3A_113 : i32 to index
      %get3A_141 = arith.constant 32 : index
      %get3A_142 = tpu.vector_load %arg8[%get3A_140, %get3A_141] {strides = array<i32>} : memref<80x128xf32, #tpu.memory_space<vmem>>, vector<1x16xf32>,
      %get3A_143 = vector.shape_cast %get3A_142 : vector<1x16xf32> to vector<16xf32>
      %get3A_144 = arith.index_cast %scan3A_113 : i32 to index
      %get3A_145 = arith.constant 32 : index
      %get3A_146 = tpu.vector_load %arg9[%get3A_144, %get3A_145] {strides = array<i32>} : memref<80x128xf32, #tpu.memory_space<vmem>>, vector<1x16xf32>,
      %get3A_147 = vector.shape_cast %get3A_146 : vector<1x16xf32> to vector<16xf32>
      %mul3A_148 = arith.mulf %get3A_143, %get3A_147 : vector<16xf32>
      %swap3A_149 = arith.index_cast %scan3A_113 : i32 to index
      %swap3A_150 = arith.constant 32 : index
      %swap3A_151 = tpu.vector_load %arg12[%swap3A_149, %swap3A_150] {strides = array<i32>} : memref<80x128xf32, #tpu.memory_space<vmem>>, vector<1x16xf32>,
      %swap3A_152 = vector.shape_cast %swap3A_151 : vector<1x16xf32> to vector<16xf32>
      %swap3A_153 = vector.shape_cast %mul3A_148 : vector<16xf32> to vector<1x16xf32>
      tpu.vector_store %arg12[%swap3A_149, %swap3A_150], %swap3A_153 {strides = array<i32>} : memref<80x128xf32, #tpu.memory_space<vmem>>, vector<1x16xf32>,
      %get3A_154 = arith.index_cast %scan3A_113 : i32 to index
      %get3A_155 = arith.constant 48 : index
      %get3A_156 = tpu.vector_load %arg8[%get3A_154, %get3A_155] {strides = array<i32>} : memref<80x128xf32, #tpu.memory_space<vmem>>, vector<1x16xf32>,
      %get3A_157 = vector.shape_cast %get3A_156 : vector<1x16xf32> to vector<16xf32>
      %get3A_158 = arith.index_cast %scan3A_113 : i32 to index
      %get3A_159 = arith.constant 48 : index
      %get3A_160 = tpu.vector_load %arg9[%get3A_158, %get3A_159] {strides = array<i32>} : memref<80x128xf32, #tpu.memory_space<vmem>>, vector<1x16xf32>,
      %get3A_161 = vector.shape_cast %get3A_160 : vector<1x16xf32> to vector<16xf32>
      %mul3A_162 = arith.mulf %get3A_157, %get3A_161 : vector<16xf32>
      %swap3A_163 = arith.index_cast %scan3A_113 : i32 to index
      %swap3A_164 = arith.constant 48 : index
      %swap3A_165 = tpu.vector_load %arg12[%swap3A_163, %swap3A_164] {strides = array<i32>} : memref<80x128xf32, #tpu.memory_space<vmem>>, vector<1x16xf32>,
      %swap3A_166 = vector.shape_cast %swap3A_165 : vector<1x16xf32> to vector<16xf32>
      %swap3A_167 = vector.shape_cast %mul3A_162 : vector<16xf32> to vector<1x16xf32>
      tpu.vector_store %arg12[%swap3A_163, %swap3A_164], %swap3A_167 {strides = array<i32>} : memref<80x128xf32, #tpu.memory_space<vmem>>, vector<1x16xf32>,
      %get3A_168 = arith.index_cast %scan3A_113 : i32 to index
      %get3A_169 = arith.constant 64 : index
      %get3A_170 = tpu.vector_load %arg8[%get3A_168, %get3A_169] {strides = array<i32>} : memref<80x128xf32, #tpu.memory_space<vmem>>, vector<1x16xf32>,
      %get3A_171 = vector.shape_cast %get3A_170 : vector<1x16xf32> to vector<16xf32>
      %get3A_172 = arith.index_cast %scan3A_113 : i32 to index
      %get3A_173 = arith.constant 64 : index
      %get3A_174 = tpu.vector_load %arg9[%get3A_172, %get3A_173] {strides = array<i32>} : memref<80x128xf32, #tpu.memory_space<vmem>>, vector<1x16xf32>,
      %get3A_175 = vector.shape_cast %get3A_174 : vector<1x16xf32> to vector<16xf32>
      %mul3A_176 = arith.mulf %get3A_171, %get3A_175 : vector<16xf32>
      %swap3A_177 = arith.index_cast %scan3A_113 : i32 to index
      %swap3A_178 = arith.constant 64 : index
      %swap3A_179 = tpu.vector_load %arg12[%swap3A_177, %swap3A_178] {strides = array<i32>} : memref<80x128xf32, #tpu.memory_space<vmem>>, vector<1x16xf32>,
      %swap3A_180 = vector.shape_cast %swap3A_179 : vector<1x16xf32> to vector<16xf32>
      %swap3A_181 = vector.shape_cast %mul3A_176 : vector<16xf32> to vector<1x16xf32>
      tpu.vector_store %arg12[%swap3A_177, %swap3A_178], %swap3A_181 {strides = array<i32>} : memref<80x128xf32, #tpu.memory_space<vmem>>, vector<1x16xf32>,
      %get3A_182 = arith.index_cast %scan3A_113 : i32 to index
      %get3A_183 = arith.constant 80 : index
      %get3A_184 = tpu.vector_load %arg8[%get3A_182, %get3A_183] {strides = array<i32>} : memref<80x128xf32, #tpu.memory_space<vmem>>, vector<1x16xf32>,
      %get3A_185 = vector.shape_cast %get3A_184 : vector<1x16xf32> to vector<16xf32>
      %get3A_186 = arith.index_cast %scan3A_113 : i32 to index
      %get3A_187 = arith.constant 80 : index
      %get3A_188 = tpu.vector_load %arg9[%get3A_186, %get3A_187] {strides = array<i32>} : memref<80x128xf32, #tpu.memory_space<vmem>>, vector<1x16xf32>,
      %get3A_189 = vector.shape_cast %get3A_188 : vector<1x16xf32> to vector<16xf32>
      %mul3A_190 = arith.mulf %get3A_185, %get3A_189 : vector<16xf32>
      %swap3A_191 = arith.index_cast %scan3A_113 : i32 to index
      %swap3A_192 = arith.constant 80 : index
      %swap3A_193 = tpu.vector_load %arg12[%swap3A_191, %swap3A_192] {strides = array<i32>} : memref<80x128xf32, #tpu.memory_space<vmem>>, vector<1x16xf32>,
      %swap3A_194 = vector.shape_cast %swap3A_193 : vector<1x16xf32> to vector<16xf32>
      %swap3A_195 = vector.shape_cast %mul3A_190 : vector<16xf32> to vector<1x16xf32>
      tpu.vector_store %arg12[%swap3A_191, %swap3A_192], %swap3A_195 {strides = array<i32>} : memref<80x128xf32, #tpu.memory_space<vmem>>, vector<1x16xf32>,
      %get3A_196 = arith.index_cast %scan3A_113 : i32 to index
      %get3A_197 = arith.constant 96 : index
      %get3A_198 = tpu.vector_load %arg8[%get3A_196, %get3A_197] {strides = array<i32>} : memref<80x128xf32, #tpu.memory_space<vmem>>, vector<1x16xf32>,
      %get3A_199 = vector.shape_cast %get3A_198 : vector<1x16xf32> to vector<16xf32>
      %get3A_200 = arith.index_cast %scan3A_113 : i32 to index
      %get3A_201 = arith.constant 96 : index
      %get3A_202 = tpu.vector_load %arg9[%get3A_200, %get3A_201] {strides = array<i32>} : memref<80x128xf32, #tpu.memory_space<vmem>>, vector<1x16xf32>,
      %get3A_203 = vector.shape_cast %get3A_202 : vector<1x16xf32> to vector<16xf32>
      %mul3A_204 = arith.mulf %get3A_199, %get3A_203 : vector<16xf32>
      %swap3A_205 = arith.index_cast %scan3A_113 : i32 to index
      %swap3A_206 = arith.constant 96 : index
      %swap3A_207 = tpu.vector_load %arg12[%swap3A_205, %swap3A_206] {strides = array<i32>} : memref<80x128xf32, #tpu.memory_space<vmem>>, vector<1x16xf32>,
      %swap3A_208 = vector.shape_cast %swap3A_207 : vector<1x16xf32> to vector<16xf32>
      %swap3A_209 = vector.shape_cast %mul3A_204 : vector<16xf32> to vector<1x16xf32>
      tpu.vector_store %arg12[%swap3A_205, %swap3A_206], %swap3A_209 {strides = array<i32>} : memref<80x128xf32, #tpu.memory_space<vmem>>, vector<1x16xf32>,
      %get3A_210 = arith.index_cast %scan3A_113 : i32 to index
      %get3A_211 = arith.constant 112 : index
      %get3A_212 = tpu.vector_load %arg8[%get3A_210, %get3A_211] {strides = array<i32>} : memref<80x128xf32, #tpu.memory_space<vmem>>, vector<1x16xf32>,
      %get3A_213 = vector.shape_cast %get3A_212 : vector<1x16xf32> to vector<16xf32>
      %get3A_214 = arith.index_cast %scan3A_113 : i32 to index
      %get3A_215 = arith.constant 112 : index
      %get3A_216 = tpu.vector_load %arg9[%get3A_214, %get3A_215] {strides = array<i32>} : memref<80x128xf32, #tpu.memory_space<vmem>>, vector<1x16xf32>,
      %get3A_217 = vector.shape_cast %get3A_216 : vector<1x16xf32> to vector<16xf32>
      %mul3A_218 = arith.mulf %get3A_213, %get3A_217 : vector<16xf32>
      %swap3A_219 = arith.index_cast %scan3A_113 : i32 to index
      %swap3A_220 = arith.constant 112 : index
      %swap3A_221 = tpu.vector_load %arg12[%swap3A_219, %swap3A_220] {strides = array<i32>} : memref<80x128xf32, #tpu.memory_space<vmem>>, vector<1x16xf32>,
      %swap3A_222 = vector.shape_cast %swap3A_221 : vector<1x16xf32> to vector<16xf32>
      %swap3A_223 = vector.shape_cast %mul3A_218 : vector<16xf32> to vector<1x16xf32>
      tpu.vector_store %arg12[%swap3A_219, %swap3A_220], %swap3A_223 {strides = array<i32>} : memref<80x128xf32, #tpu.memory_space<vmem>>, vector<1x16xf32>,
    }
    %scan3A_57 = arith.constant 80 : i32
    %mul3A_58 = arith.constant 4000 : i32
    %mul3A_59 = arith.muli %add3A, %mul3A_58 : i32
    %add3A_60 = arith.constant 3840 : i32
    %add3A_61 = arith.addi %mul3A_59, %add3A_60 : i32
    %multiple_of3A = tpu.assume_multiple %add3A_61, 8 : i32
    %dma_start3A_62 = arith.constant 0 : i32
    %dma_start3A_63 = tpu.memref_slice %arg5[%multiple_of3A, %dma_start3A_62] : memref<128000x128xf32, #tpu.memory_space<hbm>> -> memref<80x128xf32, #tpu.memory_space<hbm>>
    %dma_start3A_64 = arith.constant 0 : i32
    %dma_start3A_65 = tpu.memref_slice %arg5[%multiple_of3A, %dma_start3A_64] : memref<128000x128xf32, #tpu.memory_space<hbm>> -> memref<80x128xf32, #tpu.memory_space<hbm>>
    tpu.enqueue_dma source(%arg12 : memref<80x128xf32, #tpu.memory_space<vmem>>) target(%dma_start3A_65 : memref<80x128xf32, #tpu.memory_space<hbm>>) target_semaphore(%arg16 : memref<!tpu.dma_semaphore, #tpu.memory_space<semaphore_mem>>)
    %dma_wait3A_66 = arith.constant 0 : i32
    %dma_wait3A_67 = arith.constant 0 : i32
    %dma_wait3A_68 = tpu.memref_slice %arg5[%dma_wait3A_66, %dma_wait3A_67] : memref<128000x128xf32, #tpu.memory_space<hbm>> -> memref<80x128xf32, #tpu.memory_space<hbm>>
    %dma_wait3A_69 = arith.constant 0 : i32
    %dma_wait3A_70 = arith.constant 0 : i32
    %dma_wait3A_71 = tpu.memref_slice %arg5[%dma_wait3A_69, %dma_wait3A_70] : memref<128000x128xf32, #tpu.memory_space<hbm>> -> memref<80x128xf32, #tpu.memory_space<hbm>>
    tpu.wait_dma2 semaphore(%arg17 : memref<!tpu.dma_semaphore, #tpu.memory_space<semaphore_mem>>) src(%arg13 : memref<80x128xf32, #tpu.memory_space<vmem>>) dst(%dma_wait3A_71 : memref<80x128xf32, #tpu.memory_space<hbm>>)
    %dma_wait3A_72 = arith.constant 0 : i32
    %dma_wait3A_73 = arith.constant 0 : i32
    %dma_wait3A_74 = tpu.memref_slice %arg6[%dma_wait3A_72, %dma_wait3A_73] : memref<50x80xi32, #tpu.memory_space<vmem>> -> memref<1x80xi32, #tpu.memory_space<vmem>>
    %dma_wait3A_75 = tpu.memref_squeeze %dma_wait3A_74 : memref<1x80xi32, #tpu.memory_space<vmem>> -> memref<80xi32, #tpu.memory_space<vmem>>
    %dma_wait3A_76 = arith.constant 0 : i32
    %dma_wait3A_77 = arith.constant 0 : i32
    %dma_wait3A_78 = tpu.memref_slice %arg2[%dma_wait3A_76, %dma_wait3A_77] : memref<10000x128xf32, #tpu.memory_space<hbm>> -> memref<10000x128xf32, #tpu.memory_space<hbm>>
    tpu.wait_indirect_dma semaphore(%arg15 : memref<!tpu.dma_semaphore, #tpu.memory_space<semaphore_mem>>) src(%dma_wait3A_78 : memref<10000x128xf32, #tpu.memory_space<hbm>>) dst(%arg10 : memref<80x128xf32, #tpu.memory_space<vmem>>)
    %dma_wait3A_79 = arith.constant 0 : i32
    %dma_wait3A_80 = arith.constant 0 : i32
    %dma_wait3A_81 = tpu.memref_slice %arg7[%dma_wait3A_79, %dma_wait3A_80] : memref<50x80xi32, #tpu.memory_space<vmem>> -> memref<1x80xi32, #tpu.memory_space<vmem>>
    %dma_wait3A_82 = tpu.memref_squeeze %dma_wait3A_81 : memref<1x80xi32, #tpu.memory_space<vmem>> -> memref<80xi32, #tpu.memory_space<vmem>>
    %dma_wait3A_83 = arith.constant 0 : i32
    %dma_wait3A_84 = arith.constant 0 : i32
    %dma_wait3A_85 = tpu.memref_slice %arg2[%dma_wait3A_83, %dma_wait3A_84] : memref<10000x128xf32, #tpu.memory_space<hbm>> -> memref<10000x128xf32, #tpu.memory_space<hbm>>
    tpu.wait_indirect_dma semaphore(%arg15 : memref<!tpu.dma_semaphore, #tpu.memory_space<semaphore_mem>>) src(%dma_wait3A_85 : memref<10000x128xf32, #tpu.memory_space<hbm>>) dst(%arg11 : memref<80x128xf32, #tpu.memory_space<vmem>>)
    %scan3A_86 = arith.constant 0 : i32
    %scan3A_87 = arith.constant 0 : i32
    %scan3A_88 = arith.constant 80 : i32
    %scan3A_89 = arith.addi %scan3A_87, %scan3A_88 : i32
    %scan3A_90 = arith.constant 1 : i32
    scf.for %scan3A_113 = %scan3A_87 to %scan3A_89 step %scan3A_90  : i32 {
      %get3A = arith.index_cast %scan3A_113 : i32 to index
      %get3A_114 = arith.constant 0 : index
      %get3A_115 = tpu.vector_load %arg10[%get3A, %get3A_114] {strides = array<i32>} : memref<80x128xf32, #tpu.memory_space<vmem>>, vector<1x16xf32>,
      %get3A_116 = vector.shape_cast %get3A_115 : vector<1x16xf32> to vector<16xf32>
      %get3A_117 = arith.index_cast %scan3A_113 : i32 to index
      %get3A_118 = arith.constant 0 : index
      %get3A_119 = tpu.vector_load %arg11[%get3A_117, %get3A_118] {strides = array<i32>} : memref<80x128xf32, #tpu.memory_space<vmem>>, vector<1x16xf32>,
      %get3A_120 = vector.shape_cast %get3A_119 : vector<1x16xf32> to vector<16xf32>
      %mul3A_121 = arith.mulf %get3A_116, %get3A_120 : vector<16xf32>
      %swap3A = arith.index_cast %scan3A_113 : i32 to index
      %swap3A_122 = arith.constant 0 : index
      %swap3A_123 = tpu.vector_load %arg13[%swap3A, %swap3A_122] {strides = array<i32>} : memref<80x128xf32, #tpu.memory_space<vmem>>, vector<1x16xf32>,
      %swap3A_124 = vector.shape_cast %swap3A_123 : vector<1x16xf32> to vector<16xf32>
      %swap3A_125 = vector.shape_cast %mul3A_121 : vector<16xf32> to vector<1x16xf32>
      tpu.vector_store %arg13[%swap3A, %swap3A_122], %swap3A_125 {strides = array<i32>} : memref<80x128xf32, #tpu.memory_space<vmem>>, vector<1x16xf32>,
      %get3A_126 = arith.index_cast %scan3A_113 : i32 to index
      %get3A_127 = arith.constant 16 : index
      %get3A_128 = tpu.vector_load %arg10[%get3A_126, %get3A_127] {strides = array<i32>} : memref<80x128xf32, #tpu.memory_space<vmem>>, vector<1x16xf32>,
      %get3A_129 = vector.shape_cast %get3A_128 : vector<1x16xf32> to vector<16xf32>
      %get3A_130 = arith.index_cast %scan3A_113 : i32 to index
      %get3A_131 = arith.constant 16 : index
      %get3A_132 = tpu.vector_load %arg11[%get3A_130, %get3A_131] {strides = array<i32>} : memref<80x128xf32, #tpu.memory_space<vmem>>, vector<1x16xf32>,
      %get3A_133 = vector.shape_cast %get3A_132 : vector<1x16xf32> to vector<16xf32>
      %mul3A_134 = arith.mulf %get3A_129, %get3A_133 : vector<16xf32>
      %swap3A_135 = arith.index_cast %scan3A_113 : i32 to index
      %swap3A_136 = arith.constant 16 : index
      %swap3A_137 = tpu.vector_load %arg13[%swap3A_135, %swap3A_136] {strides = array<i32>} : memref<80x128xf32, #tpu.memory_space<vmem>>, vector<1x16xf32>,
      %swap3A_138 = vector.shape_cast %swap3A_137 : vector<1x16xf32> to vector<16xf32>
      %swap3A_139 = vector.shape_cast %mul3A_134 : vector<16xf32> to vector<1x16xf32>
      tpu.vector_store %arg13[%swap3A_135, %swap3A_136], %swap3A_139 {strides = array<i32>} : memref<80x128xf32, #tpu.memory_space<vmem>>, vector<1x16xf32>,
      %get3A_140 = arith.index_cast %scan3A_113 : i32 to index
      %get3A_141 = arith.constant 32 : index
      %get3A_142 = tpu.vector_load %arg10[%get3A_140, %get3A_141] {strides = array<i32>} : memref<80x128xf32, #tpu.memory_space<vmem>>, vector<1x16xf32>,
      %get3A_143 = vector.shape_cast %get3A_142 : vector<1x16xf32> to vector<16xf32>
      %get3A_144 = arith.index_cast %scan3A_113 : i32 to index
      %get3A_145 = arith.constant 32 : index
      %get3A_146 = tpu.vector_load %arg11[%get3A_144, %get3A_145] {strides = array<i32>} : memref<80x128xf32, #tpu.memory_space<vmem>>, vector<1x16xf32>,
      %get3A_147 = vector.shape_cast %get3A_146 : vector<1x16xf32> to vector<16xf32>
      %mul3A_148 = arith.mulf %get3A_143, %get3A_147 : vector<16xf32>
      %swap3A_149 = arith.index_cast %scan3A_113 : i32 to index
      %swap3A_150 = arith.constant 32 : index
      %swap3A_151 = tpu.vector_load %arg13[%swap3A_149, %swap3A_150] {strides = array<i32>} : memref<80x128xf32, #tpu.memory_space<vmem>>, vector<1x16xf32>,
      %swap3A_152 = vector.shape_cast %swap3A_151 : vector<1x16xf32> to vector<16xf32>
      %swap3A_153 = vector.shape_cast %mul3A_148 : vector<16xf32> to vector<1x16xf32>
      tpu.vector_store %arg13[%swap3A_149, %swap3A_150], %swap3A_153 {strides = array<i32>} : memref<80x128xf32, #tpu.memory_space<vmem>>, vector<1x16xf32>,
      %get3A_154 = arith.index_cast %scan3A_113 : i32 to index
      %get3A_155 = arith.constant 48 : index
      %get3A_156 = tpu.vector_load %arg10[%get3A_154, %get3A_155] {strides = array<i32>} : memref<80x128xf32, #tpu.memory_space<vmem>>, vector<1x16xf32>,
      %get3A_157 = vector.shape_cast %get3A_156 : vector<1x16xf32> to vector<16xf32>
      %get3A_158 = arith.index_cast %scan3A_113 : i32 to index
      %get3A_159 = arith.constant 48 : index
      %get3A_160 = tpu.vector_load %arg11[%get3A_158, %get3A_159] {strides = array<i32>} : memref<80x128xf32, #tpu.memory_space<vmem>>, vector<1x16xf32>,
      %get3A_161 = vector.shape_cast %get3A_160 : vector<1x16xf32> to vector<16xf32>
      %mul3A_162 = arith.mulf %get3A_157, %get3A_161 : vector<16xf32>
      %swap3A_163 = arith.index_cast %scan3A_113 : i32 to index
      %swap3A_164 = arith.constant 48 : index
      %swap3A_165 = tpu.vector_load %arg13[%swap3A_163, %swap3A_164] {strides = array<i32>} : memref<80x128xf32, #tpu.memory_space<vmem>>, vector<1x16xf32>,
      %swap3A_166 = vector.shape_cast %swap3A_165 : vector<1x16xf32> to vector<16xf32>
      %swap3A_167 = vector.shape_cast %mul3A_162 : vector<16xf32> to vector<1x16xf32>
      tpu.vector_store %arg13[%swap3A_163, %swap3A_164], %swap3A_167 {strides = array<i32>} : memref<80x128xf32, #tpu.memory_space<vmem>>, vector<1x16xf32>,
      %get3A_168 = arith.index_cast %scan3A_113 : i32 to index
      %get3A_169 = arith.constant 64 : index
      %get3A_170 = tpu.vector_load %arg10[%get3A_168, %get3A_169] {strides = array<i32>} : memref<80x128xf32, #tpu.memory_space<vmem>>, vector<1x16xf32>,
      %get3A_171 = vector.shape_cast %get3A_170 : vector<1x16xf32> to vector<16xf32>
      %get3A_172 = arith.index_cast %scan3A_113 : i32 to index
      %get3A_173 = arith.constant 64 : index
      %get3A_174 = tpu.vector_load %arg11[%get3A_172, %get3A_173] {strides = array<i32>} : memref<80x128xf32, #tpu.memory_space<vmem>>, vector<1x16xf32>,
      %get3A_175 = vector.shape_cast %get3A_174 : vector<1x16xf32> to vector<16xf32>
      %mul3A_176 = arith.mulf %get3A_171, %get3A_175 : vector<16xf32>
      %swap3A_177 = arith.index_cast %scan3A_113 : i32 to index
      %swap3A_178 = arith.constant 64 : index
      %swap3A_179 = tpu.vector_load %arg13[%swap3A_177, %swap3A_178] {strides = array<i32>} : memref<80x128xf32, #tpu.memory_space<vmem>>, vector<1x16xf32>,
      %swap3A_180 = vector.shape_cast %swap3A_179 : vector<1x16xf32> to vector<16xf32>
      %swap3A_181 = vector.shape_cast %mul3A_176 : vector<16xf32> to vector<1x16xf32>
      tpu.vector_store %arg13[%swap3A_177, %swap3A_178], %swap3A_181 {strides = array<i32>} : memref<80x128xf32, #tpu.memory_space<vmem>>, vector<1x16xf32>,
      %get3A_182 = arith.index_cast %scan3A_113 : i32 to index
      %get3A_183 = arith.constant 80 : index
      %get3A_184 = tpu.vector_load %arg10[%get3A_182, %get3A_183] {strides = array<i32>} : memref<80x128xf32, #tpu.memory_space<vmem>>, vector<1x16xf32>,
      %get3A_185 = vector.shape_cast %get3A_184 : vector<1x16xf32> to vector<16xf32>
      %get3A_186 = arith.index_cast %scan3A_113 : i32 to index
      %get3A_187 = arith.constant 80 : index
      %get3A_188 = tpu.vector_load %arg11[%get3A_186, %get3A_187] {strides = array<i32>} : memref<80x128xf32, #tpu.memory_space<vmem>>, vector<1x16xf32>,
      %get3A_189 = vector.shape_cast %get3A_188 : vector<1x16xf32> to vector<16xf32>
      %mul3A_190 = arith.mulf %get3A_185, %get3A_189 : vector<16xf32>
      %swap3A_191 = arith.index_cast %scan3A_113 : i32 to index
      %swap3A_192 = arith.constant 80 : index
      %swap3A_193 = tpu.vector_load %arg13[%swap3A_191, %swap3A_192] {strides = array<i32>} : memref<80x128xf32, #tpu.memory_space<vmem>>, vector<1x16xf32>,
      %swap3A_194 = vector.shape_cast %swap3A_193 : vector<1x16xf32> to vector<16xf32>
      %swap3A_195 = vector.shape_cast %mul3A_190 : vector<16xf32> to vector<1x16xf32>
      tpu.vector_store %arg13[%swap3A_191, %swap3A_192], %swap3A_195 {strides = array<i32>} : memref<80x128xf32, #tpu.memory_space<vmem>>, vector<1x16xf32>,
      %get3A_196 = arith.index_cast %scan3A_113 : i32 to index
      %get3A_197 = arith.constant 96 : index
      %get3A_198 = tpu.vector_load %arg10[%get3A_196, %get3A_197] {strides = array<i32>} : memref<80x128xf32, #tpu.memory_space<vmem>>, vector<1x16xf32>,
      %get3A_199 = vector.shape_cast %get3A_198 : vector<1x16xf32> to vector<16xf32>
      %get3A_200 = arith.index_cast %scan3A_113 : i32 to index
      %get3A_201 = arith.constant 96 : index
      %get3A_202 = tpu.vector_load %arg11[%get3A_200, %get3A_201] {strides = array<i32>} : memref<80x128xf32, #tpu.memory_space<vmem>>, vector<1x16xf32>,
      %get3A_203 = vector.shape_cast %get3A_202 : vector<1x16xf32> to vector<16xf32>
      %mul3A_204 = arith.mulf %get3A_199, %get3A_203 : vector<16xf32>
      %swap3A_205 = arith.index_cast %scan3A_113 : i32 to index
      %swap3A_206 = arith.constant 96 : index
      %swap3A_207 = tpu.vector_load %arg13[%swap3A_205, %swap3A_206] {strides = array<i32>} : memref<80x128xf32, #tpu.memory_space<vmem>>, vector<1x16xf32>,
      %swap3A_208 = vector.shape_cast %swap3A_207 : vector<1x16xf32> to vector<16xf32>
      %swap3A_209 = vector.shape_cast %mul3A_204 : vector<16xf32> to vector<1x16xf32>
      tpu.vector_store %arg13[%swap3A_205, %swap3A_206], %swap3A_209 {strides = array<i32>} : memref<80x128xf32, #tpu.memory_space<vmem>>, vector<1x16xf32>,
      %get3A_210 = arith.index_cast %scan3A_113 : i32 to index
      %get3A_211 = arith.constant 112 : index
      %get3A_212 = tpu.vector_load %arg10[%get3A_210, %get3A_211] {strides = array<i32>} : memref<80x128xf32, #tpu.memory_space<vmem>>, vector<1x16xf32>,
      %get3A_213 = vector.shape_cast %get3A_212 : vector<1x16xf32> to vector<16xf32>
      %get3A_214 = arith.index_cast %scan3A_113 : i32 to index
      %get3A_215 = arith.constant 112 : index
      %get3A_216 = tpu.vector_load %arg11[%get3A_214, %get3A_215] {strides = array<i32>} : memref<80x128xf32, #tpu.memory_space<vmem>>, vector<1x16xf32>,
      %get3A_217 = vector.shape_cast %get3A_216 : vector<1x16xf32> to vector<16xf32>
      %mul3A_218 = arith.mulf %get3A_213, %get3A_217 : vector<16xf32>
      %swap3A_219 = arith.index_cast %scan3A_113 : i32 to index
      %swap3A_220 = arith.constant 112 : index
      %swap3A_221 = tpu.vector_load %arg13[%swap3A_219, %swap3A_220] {strides = array<i32>} : memref<80x128xf32, #tpu.memory_space<vmem>>, vector<1x16xf32>,
      %swap3A_222 = vector.shape_cast %swap3A_221 : vector<1x16xf32> to vector<16xf32>
      %swap3A_223 = vector.shape_cast %mul3A_218 : vector<16xf32> to vector<1x16xf32>
      tpu.vector_store %arg13[%swap3A_219, %swap3A_220], %swap3A_223 {strides = array<i32>} : memref<80x128xf32, #tpu.memory_space<vmem>>, vector<1x16xf32>,
    }
    %scan3A_91 = arith.constant 80 : i32
    %mul3A_92 = arith.constant 4000 : i32
    %mul3A_93 = arith.muli %add3A, %mul3A_92 : i32
    %add3A_94 = arith.constant 3920 : i32
    %add3A_95 = arith.addi %mul3A_93, %add3A_94 : i32
    %multiple_of3A_96 = tpu.assume_multiple %add3A_95, 8 : i32
    %dma_start3A_97 = arith.constant 0 : i32
    %dma_start3A_98 = tpu.memref_slice %arg5[%multiple_of3A_96, %dma_start3A_97] : memref<128000x128xf32, #tpu.memory_space<hbm>> -> memref<80x128xf32, #tpu.memory_space<hbm>>
    %dma_start3A_99 = arith.constant 0 : i32
    %dma_start3A_100 = tpu.memref_slice %arg5[%multiple_of3A_96, %dma_start3A_99] : memref<128000x128xf32, #tpu.memory_space<hbm>> -> memref<80x128xf32, #tpu.memory_space<hbm>>
    tpu.enqueue_dma source(%arg13 : memref<80x128xf32, #tpu.memory_space<vmem>>) target(%dma_start3A_100 : memref<80x128xf32, #tpu.memory_space<hbm>>) target_semaphore(%arg17 : memref<!tpu.dma_semaphore, #tpu.memory_space<semaphore_mem>>)
    %dma_wait3A_101 = arith.constant 0 : i32
    %dma_wait3A_102 = arith.constant 0 : i32
    %dma_wait3A_103 = tpu.memref_slice %arg5[%dma_wait3A_101, %dma_wait3A_102] : memref<128000x128xf32, #tpu.memory_space<hbm>> -> memref<80x128xf32, #tpu.memory_space<hbm>>
    %dma_wait3A_104 = arith.constant 0 : i32
    %dma_wait3A_105 = arith.constant 0 : i32
    %dma_wait3A_106 = tpu.memref_slice %arg5[%dma_wait3A_104, %dma_wait3A_105] : memref<128000x128xf32, #tpu.memory_space<hbm>> -> memref<80x128xf32, #tpu.memory_space<hbm>>
    tpu.wait_dma2 semaphore(%arg16 : memref<!tpu.dma_semaphore, #tpu.memory_space<semaphore_mem>>) src(%arg12 : memref<80x128xf32, #tpu.memory_space<vmem>>) dst(%dma_wait3A_106 : memref<80x128xf32, #tpu.memory_space<hbm>>)
    %dma_wait3A_107 = arith.constant 0 : i32
    %dma_wait3A_108 = arith.constant 0 : i32
    %dma_wait3A_109 = tpu.memref_slice %arg5[%dma_wait3A_107, %dma_wait3A_108] : memref<128000x128xf32, #tpu.memory_space<hbm>> -> memref<80x128xf32, #tpu.memory_space<hbm>>
    %dma_wait3A_110 = arith.constant 0 : i32
    %dma_wait3A_111 = arith.constant 0 : i32
    %dma_wait3A_112 = tpu.memref_slice %arg5[%dma_wait3A_110, %dma_wait3A_111] : memref<128000x128xf32, #tpu.memory_space<hbm>> -> memref<80x128xf32, #tpu.memory_space<hbm>>
    tpu.wait_dma2 semaphore(%arg17 : memref<!tpu.dma_semaphore, #tpu.memory_space<semaphore_mem>>) src(%arg13 : memref<80x128xf32, #tpu.memory_space<vmem>>) dst(%dma_wait3A_112 : memref<80x128xf32, #tpu.memory_space<hbm>>)
    return
  }
}

#map = affine_map<(d0, d1) -> (0, 0)>
#map1 = affine_map<(d0, d1) -> (0, 0, 0)>
module attributes {stable_mosaic.version = 14 : i64} {
  func.func @k(%arg0: i32, %arg1: i32, %arg2: memref<192000x128xf32, #tpu.memory_space<hbm>>, %arg3: memref<32x75x80xi32, #tpu.memory_space<hbm>>, %arg4: memref<10000x128xf32, #tpu.memory_space<hbm>>, %arg5: memref<20000x128xf32, #tpu.memory_space<hbm>>, %arg6: memref<75x80xi32, #tpu.memory_space<vmem>>, %arg7: memref<80x128xf32, #tpu.memory_space<vmem>>, %arg8: memref<80x128xf32, #tpu.memory_space<vmem>>, %arg9: memref<10000x128xf32, #tpu.memory_space<vmem_shared>>, %arg10: memref<!tpu.dma_semaphore, #tpu.memory_space<semaphore_mem>>, %arg11: memref<!tpu.dma_semaphore, #tpu.memory_space<semaphore_mem>>) attributes {dimension_semantics = [#tpu.dimension_semantics<core_parallel>, #tpu.dimension_semantics<subcore_parallel>], iteration_bounds = array<i64: 2, 16>, scalar_prefetch = 0 : i64, scratch_operands = 6 : i64, tpu.core_type = #tpu.core_type<sc_vector_subcore>, window_params = [{transform_indices = #map}, {transform_indices = #map1}, {transform_indices = #map}, {transform_indices = #map}]} {
    %mul3A = arith.constant 16 : i32
    %mul3A_0 = arith.muli %arg0, %mul3A : i32
    %add3A = arith.addi %mul3A_0, %arg1 : i32
    %eq3A = arith.constant 15 : i32
    %eq3A_1 = arith.cmpi eq, %arg1, %eq3A : i32
    %mul3A_2 = arith.constant 632 : i32
    %mul3A_3 = arith.muli %arg1, %mul3A_2 : i32
    %jit3A = arith.constant 9368 : i32
    %select_n3A = arith.select %eq3A_1, %jit3A, %mul3A_3 : i32
    %multiple_of3A = tpu.assume_multiple %select_n3A, 8 : i32
    "tpu.region"() ({
      %run_scoped3A_27 = tpu.sem_alloc : memref<!tpu.dma_semaphore, #tpu.memory_space<semaphore_mem>>
      %dma_start3A_28 = arith.constant 0 : i32
      %dma_start3A_29 = tpu.memref_slice %arg9[%multiple_of3A, %dma_start3A_28] : memref<10000x128xf32, #tpu.memory_space<vmem_shared>> -> memref<632x128xf32, #tpu.memory_space<vmem_shared>>
      %dma_start3A_30 = arith.constant 0 : i32
      %dma_start3A_31 = tpu.memref_slice %arg4[%multiple_of3A, %dma_start3A_30] : memref<10000x128xf32, #tpu.memory_space<hbm>> -> memref<632x128xf32, #tpu.memory_space<hbm>>
      tpu.enqueue_dma source(%dma_start3A_31 : memref<632x128xf32, #tpu.memory_space<hbm>>) target(%dma_start3A_29 : memref<632x128xf32, #tpu.memory_space<vmem_shared>>) target_semaphore(%run_scoped3A_27 : memref<!tpu.dma_semaphore, #tpu.memory_space<semaphore_mem>>)
      %dma_wait3A_32 = arith.constant 0 : i32
      %dma_wait3A_33 = tpu.memref_slice %arg9[%multiple_of3A, %dma_wait3A_32] : memref<10000x128xf32, #tpu.memory_space<vmem_shared>> -> memref<632x128xf32, #tpu.memory_space<vmem_shared>>
      %dma_wait3A_34 = arith.constant 0 : i32
      %dma_wait3A_35 = tpu.memref_slice %arg4[%multiple_of3A, %dma_wait3A_34] : memref<10000x128xf32, #tpu.memory_space<hbm>> -> memref<632x128xf32, #tpu.memory_space<hbm>>
      tpu.wait_dma2 semaphore(%run_scoped3A_27 : memref<!tpu.dma_semaphore, #tpu.memory_space<semaphore_mem>>) src(%dma_wait3A_35 : memref<632x128xf32, #tpu.memory_space<hbm>>) dst(%dma_wait3A_33 : memref<632x128xf32, #tpu.memory_space<vmem_shared>>)
      tpu.yield
    }) : () -> ()
    %barrier3A = arith.constant 0 : index
    tpu.barrier barrier_id(%barrier3A)
    "tpu.region"() ({
      %run_scoped3A_27 = tpu.sem_alloc : memref<!tpu.dma_semaphore, #tpu.memory_space<semaphore_mem>>
      %dma_start3A_28 = arith.constant 0 : i32
      %dma_start3A_29 = arith.constant 0 : i32
      %dma_start3A_30 = tpu.memref_slice %arg3[%add3A, %dma_start3A_28, %dma_start3A_29] : memref<32x75x80xi32, #tpu.memory_space<hbm>> -> memref<1x75x80xi32, #tpu.memory_space<hbm>>
      %dma_start3A_31 = tpu.memref_squeeze %dma_start3A_30 : memref<1x75x80xi32, #tpu.memory_space<hbm>> -> memref<75x80xi32, #tpu.memory_space<hbm>>
      %dma_start3A_32 = arith.constant 0 : i32
      %dma_start3A_33 = arith.constant 0 : i32
      %dma_start3A_34 = tpu.memref_slice %arg3[%add3A, %dma_start3A_32, %dma_start3A_33] : memref<32x75x80xi32, #tpu.memory_space<hbm>> -> memref<1x75x80xi32, #tpu.memory_space<hbm>>
      %dma_start3A_35 = tpu.memref_squeeze %dma_start3A_34 : memref<1x75x80xi32, #tpu.memory_space<hbm>> -> memref<75x80xi32, #tpu.memory_space<hbm>>
      tpu.enqueue_dma source(%dma_start3A_35 : memref<75x80xi32, #tpu.memory_space<hbm>>) target(%arg6 : memref<75x80xi32, #tpu.memory_space<vmem>>) target_semaphore(%run_scoped3A_27 : memref<!tpu.dma_semaphore, #tpu.memory_space<semaphore_mem>>)
      %dma_wait3A_36 = arith.constant 0 : i32
      %dma_wait3A_37 = arith.constant 0 : i32
      %dma_wait3A_38 = tpu.memref_slice %arg3[%add3A, %dma_wait3A_36, %dma_wait3A_37] : memref<32x75x80xi32, #tpu.memory_space<hbm>> -> memref<1x75x80xi32, #tpu.memory_space<hbm>>
      %dma_wait3A_39 = tpu.memref_squeeze %dma_wait3A_38 : memref<1x75x80xi32, #tpu.memory_space<hbm>> -> memref<75x80xi32, #tpu.memory_space<hbm>>
      %dma_wait3A_40 = arith.constant 0 : i32
      %dma_wait3A_41 = arith.constant 0 : i32
      %dma_wait3A_42 = tpu.memref_slice %arg3[%add3A, %dma_wait3A_40, %dma_wait3A_41] : memref<32x75x80xi32, #tpu.memory_space<hbm>> -> memref<1x75x80xi32, #tpu.memory_space<hbm>>
      %dma_wait3A_43 = tpu.memref_squeeze %dma_wait3A_42 : memref<1x75x80xi32, #tpu.memory_space<hbm>> -> memref<75x80xi32, #tpu.memory_space<hbm>>
      tpu.wait_dma2 semaphore(%run_scoped3A_27 : memref<!tpu.dma_semaphore, #tpu.memory_space<semaphore_mem>>) src(%dma_wait3A_43 : memref<75x80xi32, #tpu.memory_space<hbm>>) dst(%arg6 : memref<75x80xi32, #tpu.memory_space<vmem>>)
      tpu.yield
    }) : () -> ()
    %mul3A_4 = arith.constant 6000 : i32
    %mul3A_5 = arith.muli %add3A, %mul3A_4 : i32
    %add3A_6 = arith.constant 0 : i32
    %add3A_7 = arith.addi %mul3A_5, %add3A_6 : i32
    %multiple_of3A_8 = tpu.assume_multiple %add3A_7, 8 : i32
    %dma_start3A = arith.constant 0 : i32
    %dma_start3A_9 = tpu.memref_slice %arg2[%multiple_of3A_8, %dma_start3A] : memref<192000x128xf32, #tpu.memory_space<hbm>> -> memref<80x128xf32, #tpu.memory_space<hbm>>
    %dma_start3A_10 = arith.constant 0 : i32
    %dma_start3A_11 = tpu.memref_slice %arg2[%multiple_of3A_8, %dma_start3A_10] : memref<192000x128xf32, #tpu.memory_space<hbm>> -> memref<80x128xf32, #tpu.memory_space<hbm>>
    tpu.enqueue_dma source(%dma_start3A_11 : memref<80x128xf32, #tpu.memory_space<hbm>>) target(%arg7 : memref<80x128xf32, #tpu.memory_space<vmem>>) target_semaphore(%arg10 : memref<!tpu.dma_semaphore, #tpu.memory_space<semaphore_mem>>)
    %scan3A = arith.constant 0 : i32
    %scan3A_12 = arith.constant 0 : i32
    %scan3A_13 = arith.constant 37 : i32
    %scan3A_14 = arith.addi %scan3A_12, %scan3A_13 : i32
    %scan3A_15 = arith.constant 1 : i32
    scf.for %scan3A_27 = %scan3A_12 to %scan3A_14 step %scan3A_15  : i32 {
      %dma_wait3A_28 = arith.constant 0 : i32
      %dma_wait3A_29 = arith.constant 0 : i32
      %dma_wait3A_30 = tpu.memref_slice %arg2[%dma_wait3A_28, %dma_wait3A_29] : memref<192000x128xf32, #tpu.memory_space<hbm>> -> memref<80x128xf32, #tpu.memory_space<hbm>>
      %dma_wait3A_31 = arith.constant 0 : i32
      %dma_wait3A_32 = arith.constant 0 : i32
      %dma_wait3A_33 = tpu.memref_slice %arg2[%dma_wait3A_31, %dma_wait3A_32] : memref<192000x128xf32, #tpu.memory_space<hbm>> -> memref<80x128xf32, #tpu.memory_space<hbm>>
      tpu.wait_dma2 semaphore(%arg10 : memref<!tpu.dma_semaphore, #tpu.memory_space<semaphore_mem>>) src(%dma_wait3A_33 : memref<80x128xf32, #tpu.memory_space<hbm>>) dst(%arg7 : memref<80x128xf32, #tpu.memory_space<vmem>>)
      %mul3A_34 = arith.constant 2 : i32
      %mul3A_35 = arith.muli %mul3A_34, %scan3A_27 : i32
      %add3A_36 = arith.constant 1 : i32
      %add3A_37 = arith.addi %mul3A_35, %add3A_36 : i32
      %mul3A_38 = arith.constant 6000 : i32
      %mul3A_39 = arith.muli %add3A, %mul3A_38 : i32
      %mul3A_40 = arith.constant 80 : i32
      %mul3A_41 = arith.muli %add3A_37, %mul3A_40 : i32
      %add3A_42 = arith.addi %mul3A_39, %mul3A_41 : i32
      %multiple_of3A_43 = tpu.assume_multiple %add3A_42, 8 : i32
      %dma_start3A_44 = arith.constant 0 : i32
      %dma_start3A_45 = tpu.memref_slice %arg2[%multiple_of3A_43, %dma_start3A_44] : memref<192000x128xf32, #tpu.memory_space<hbm>> -> memref<80x128xf32, #tpu.memory_space<hbm>>
      %dma_start3A_46 = arith.constant 0 : i32
      %dma_start3A_47 = tpu.memref_slice %arg2[%multiple_of3A_43, %dma_start3A_46] : memref<192000x128xf32, #tpu.memory_space<hbm>> -> memref<80x128xf32, #tpu.memory_space<hbm>>
      tpu.enqueue_dma source(%dma_start3A_47 : memref<80x128xf32, #tpu.memory_space<hbm>>) target(%arg8 : memref<80x128xf32, #tpu.memory_space<vmem>>) target_semaphore(%arg11 : memref<!tpu.dma_semaphore, #tpu.memory_space<semaphore_mem>>)
      %mul3A_48 = arith.constant 2 : i32
      %mul3A_49 = arith.muli %mul3A_48, %scan3A_27 : i32
      "tpu.region"() ({
        %run_scoped3A_74 = tpu.sem_alloc : memref<!tpu.dma_semaphore, #tpu.memory_space<semaphore_mem>>
        %dma_start3A_75 = arith.constant 0 : i32
        %dma_start3A_76 = tpu.memref_slice %arg6[%mul3A_49, %dma_start3A_75] : memref<75x80xi32, #tpu.memory_space<vmem>> -> memref<1x80xi32, #tpu.memory_space<vmem>>
        %dma_start3A_77 = tpu.memref_squeeze %dma_start3A_76 : memref<1x80xi32, #tpu.memory_space<vmem>> -> memref<80xi32, #tpu.memory_space<vmem>>
        %dma_start3A_78 = arith.constant 0 : i32
        %dma_start3A_79 = arith.constant 0 : i32
        %dma_start3A_80 = tpu.memref_slice %arg9[%dma_start3A_78, %dma_start3A_79] : memref<10000x128xf32, #tpu.memory_space<vmem_shared>> -> memref<10000x128xf32, #tpu.memory_space<vmem_shared>>
        tpu.enqueue_indirect_dma source(%arg7 : memref<80x128xf32, #tpu.memory_space<vmem>>) target(%dma_start3A_80 : memref<10000x128xf32, #tpu.memory_space<vmem_shared>>) offsets(%dma_start3A_77 : memref<80xi32, #tpu.memory_space<vmem>>) semaphore(%run_scoped3A_74 : memref<!tpu.dma_semaphore, #tpu.memory_space<semaphore_mem>>) {add = true}
        %dma_wait3A_81 = arith.constant 0 : i32
        %dma_wait3A_82 = tpu.memref_slice %arg6[%mul3A_49, %dma_wait3A_81] : memref<75x80xi32, #tpu.memory_space<vmem>> -> memref<1x80xi32, #tpu.memory_space<vmem>>
        %dma_wait3A_83 = tpu.memref_squeeze %dma_wait3A_82 : memref<1x80xi32, #tpu.memory_space<vmem>> -> memref<80xi32, #tpu.memory_space<vmem>>
        %dma_wait3A_84 = arith.constant 0 : i32
        %dma_wait3A_85 = arith.constant 0 : i32
        %dma_wait3A_86 = tpu.memref_slice %arg9[%dma_wait3A_84, %dma_wait3A_85] : memref<10000x128xf32, #tpu.memory_space<vmem_shared>> -> memref<10000x128xf32, #tpu.memory_space<vmem_shared>>
        tpu.wait_indirect_dma semaphore(%run_scoped3A_74 : memref<!tpu.dma_semaphore, #tpu.memory_space<semaphore_mem>>) src(%arg7 : memref<80x128xf32, #tpu.memory_space<vmem>>) dst(%dma_wait3A_86 : memref<10000x128xf32, #tpu.memory_space<vmem_shared>>)
        tpu.yield
      }) : () -> ()
      %mul3A_50 = arith.constant 2 : i32
      %mul3A_51 = arith.muli %mul3A_50, %scan3A_27 : i32
      %add3A_52 = arith.constant 2 : i32
      %add3A_53 = arith.addi %mul3A_51, %add3A_52 : i32
      %mul3A_54 = arith.constant 6000 : i32
      %mul3A_55 = arith.muli %add3A, %mul3A_54 : i32
      %mul3A_56 = arith.constant 80 : i32
      %mul3A_57 = arith.muli %add3A_53, %mul3A_56 : i32
      %add3A_58 = arith.addi %mul3A_55, %mul3A_57 : i32
      %multiple_of3A_59 = tpu.assume_multiple %add3A_58, 8 : i32
      %dma_start3A_60 = arith.constant 0 : i32
      %dma_start3A_61 = tpu.memref_slice %arg2[%multiple_of3A_59, %dma_start3A_60] : memref<192000x128xf32, #tpu.memory_space<hbm>> -> memref<80x128xf32, #tpu.memory_space<hbm>>
      %dma_start3A_62 = arith.constant 0 : i32
      %dma_start3A_63 = tpu.memref_slice %arg2[%multiple_of3A_59, %dma_start3A_62] : memref<192000x128xf32, #tpu.memory_space<hbm>> -> memref<80x128xf32, #tpu.memory_space<hbm>>
      tpu.enqueue_dma source(%dma_start3A_63 : memref<80x128xf32, #tpu.memory_space<hbm>>) target(%arg7 : memref<80x128xf32, #tpu.memory_space<vmem>>) target_semaphore(%arg10 : memref<!tpu.dma_semaphore, #tpu.memory_space<semaphore_mem>>)
      %dma_wait3A_64 = arith.constant 0 : i32
      %dma_wait3A_65 = arith.constant 0 : i32
      %dma_wait3A_66 = tpu.memref_slice %arg2[%dma_wait3A_64, %dma_wait3A_65] : memref<192000x128xf32, #tpu.memory_space<hbm>> -> memref<80x128xf32, #tpu.memory_space<hbm>>
      %dma_wait3A_67 = arith.constant 0 : i32
      %dma_wait3A_68 = arith.constant 0 : i32
      %dma_wait3A_69 = tpu.memref_slice %arg2[%dma_wait3A_67, %dma_wait3A_68] : memref<192000x128xf32, #tpu.memory_space<hbm>> -> memref<80x128xf32, #tpu.memory_space<hbm>>
      tpu.wait_dma2 semaphore(%arg11 : memref<!tpu.dma_semaphore, #tpu.memory_space<semaphore_mem>>) src(%dma_wait3A_69 : memref<80x128xf32, #tpu.memory_space<hbm>>) dst(%arg8 : memref<80x128xf32, #tpu.memory_space<vmem>>)
      %mul3A_70 = arith.constant 2 : i32
      %mul3A_71 = arith.muli %mul3A_70, %scan3A_27 : i32
      %add3A_72 = arith.constant 1 : i32
      %add3A_73 = arith.addi %mul3A_71, %add3A_72 : i32
      "tpu.region"() ({
        %run_scoped3A_74 = tpu.sem_alloc : memref<!tpu.dma_semaphore, #tpu.memory_space<semaphore_mem>>
        %dma_start3A_75 = arith.constant 0 : i32
        %dma_start3A_76 = tpu.memref_slice %arg6[%add3A_73, %dma_start3A_75] : memref<75x80xi32, #tpu.memory_space<vmem>> -> memref<1x80xi32, #tpu.memory_space<vmem>>
        %dma_start3A_77 = tpu.memref_squeeze %dma_start3A_76 : memref<1x80xi32, #tpu.memory_space<vmem>> -> memref<80xi32, #tpu.memory_space<vmem>>
        %dma_start3A_78 = arith.constant 0 : i32
        %dma_start3A_79 = arith.constant 0 : i32
        %dma_start3A_80 = tpu.memref_slice %arg9[%dma_start3A_78, %dma_start3A_79] : memref<10000x128xf32, #tpu.memory_space<vmem_shared>> -> memref<10000x128xf32, #tpu.memory_space<vmem_shared>>
        tpu.enqueue_indirect_dma source(%arg8 : memref<80x128xf32, #tpu.memory_space<vmem>>) target(%dma_start3A_80 : memref<10000x128xf32, #tpu.memory_space<vmem_shared>>) offsets(%dma_start3A_77 : memref<80xi32, #tpu.memory_space<vmem>>) semaphore(%run_scoped3A_74 : memref<!tpu.dma_semaphore, #tpu.memory_space<semaphore_mem>>) {add = true}
        %dma_wait3A_81 = arith.constant 0 : i32
        %dma_wait3A_82 = tpu.memref_slice %arg6[%add3A_73, %dma_wait3A_81] : memref<75x80xi32, #tpu.memory_space<vmem>> -> memref<1x80xi32, #tpu.memory_space<vmem>>
        %dma_wait3A_83 = tpu.memref_squeeze %dma_wait3A_82 : memref<1x80xi32, #tpu.memory_space<vmem>> -> memref<80xi32, #tpu.memory_space<vmem>>
        %dma_wait3A_84 = arith.constant 0 : i32
        %dma_wait3A_85 = arith.constant 0 : i32
        %dma_wait3A_86 = tpu.memref_slice %arg9[%dma_wait3A_84, %dma_wait3A_85] : memref<10000x128xf32, #tpu.memory_space<vmem_shared>> -> memref<10000x128xf32, #tpu.memory_space<vmem_shared>>
        tpu.wait_indirect_dma semaphore(%run_scoped3A_74 : memref<!tpu.dma_semaphore, #tpu.memory_space<semaphore_mem>>) src(%arg8 : memref<80x128xf32, #tpu.memory_space<vmem>>) dst(%dma_wait3A_86 : memref<10000x128xf32, #tpu.memory_space<vmem_shared>>)
        tpu.yield
      }) : () -> ()
    }
    %scan3A_16 = arith.constant 37 : i32
    %dma_wait3A = arith.constant 0 : i32
    %dma_wait3A_17 = arith.constant 0 : i32
    %dma_wait3A_18 = tpu.memref_slice %arg2[%dma_wait3A, %dma_wait3A_17] : memref<192000x128xf32, #tpu.memory_space<hbm>> -> memref<80x128xf32, #tpu.memory_space<hbm>>
    %dma_wait3A_19 = arith.constant 0 : i32
    %dma_wait3A_20 = arith.constant 0 : i32
    %dma_wait3A_21 = tpu.memref_slice %arg2[%dma_wait3A_19, %dma_wait3A_20] : memref<192000x128xf32, #tpu.memory_space<hbm>> -> memref<80x128xf32, #tpu.memory_space<hbm>>
    tpu.wait_dma2 semaphore(%arg10 : memref<!tpu.dma_semaphore, #tpu.memory_space<semaphore_mem>>) src(%dma_wait3A_21 : memref<80x128xf32, #tpu.memory_space<hbm>>) dst(%arg7 : memref<80x128xf32, #tpu.memory_space<vmem>>)
    %run_scoped3A = arith.constant 74 : i32
    "tpu.region"() ({
      %run_scoped3A_27 = tpu.sem_alloc : memref<!tpu.dma_semaphore, #tpu.memory_space<semaphore_mem>>
      %dma_start3A_28 = arith.constant 0 : i32
      %dma_start3A_29 = tpu.memref_slice %arg6[%run_scoped3A, %dma_start3A_28] : memref<75x80xi32, #tpu.memory_space<vmem>> -> memref<1x80xi32, #tpu.memory_space<vmem>>
      %dma_start3A_30 = tpu.memref_squeeze %dma_start3A_29 : memref<1x80xi32, #tpu.memory_space<vmem>> -> memref<80xi32, #tpu.memory_space<vmem>>
      %dma_start3A_31 = arith.constant 0 : i32
      %dma_start3A_32 = arith.constant 0 : i32
      %dma_start3A_33 = tpu.memref_slice %arg9[%dma_start3A_31, %dma_start3A_32] : memref<10000x128xf32, #tpu.memory_space<vmem_shared>> -> memref<10000x128xf32, #tpu.memory_space<vmem_shared>>
      tpu.enqueue_indirect_dma source(%arg7 : memref<80x128xf32, #tpu.memory_space<vmem>>) target(%dma_start3A_33 : memref<10000x128xf32, #tpu.memory_space<vmem_shared>>) offsets(%dma_start3A_30 : memref<80xi32, #tpu.memory_space<vmem>>) semaphore(%run_scoped3A_27 : memref<!tpu.dma_semaphore, #tpu.memory_space<semaphore_mem>>) {add = true}
      %dma_wait3A_34 = arith.constant 0 : i32
      %dma_wait3A_35 = tpu.memref_slice %arg6[%run_scoped3A, %dma_wait3A_34] : memref<75x80xi32, #tpu.memory_space<vmem>> -> memref<1x80xi32, #tpu.memory_space<vmem>>
      %dma_wait3A_36 = tpu.memref_squeeze %dma_wait3A_35 : memref<1x80xi32, #tpu.memory_space<vmem>> -> memref<80xi32, #tpu.memory_space<vmem>>
      %dma_wait3A_37 = arith.constant 0 : i32
      %dma_wait3A_38 = arith.constant 0 : i32
      %dma_wait3A_39 = tpu.memref_slice %arg9[%dma_wait3A_37, %dma_wait3A_38] : memref<10000x128xf32, #tpu.memory_space<vmem_shared>> -> memref<10000x128xf32, #tpu.memory_space<vmem_shared>>
      tpu.wait_indirect_dma semaphore(%run_scoped3A_27 : memref<!tpu.dma_semaphore, #tpu.memory_space<semaphore_mem>>) src(%arg7 : memref<80x128xf32, #tpu.memory_space<vmem>>) dst(%dma_wait3A_39 : memref<10000x128xf32, #tpu.memory_space<vmem_shared>>)
      tpu.yield
    }) : () -> ()
    %barrier3A_22 = arith.constant 0 : index
    tpu.barrier barrier_id(%barrier3A_22)
    %mul3A_23 = arith.constant 10000 : i32
    %mul3A_24 = arith.muli %arg0, %mul3A_23 : i32
    %add3A_25 = arith.addi %mul3A_24, %multiple_of3A : i32
    %multiple_of3A_26 = tpu.assume_multiple %add3A_25, 8 : i32
    "tpu.region"() ({
      %run_scoped3A_27 = tpu.sem_alloc : memref<!tpu.dma_semaphore, #tpu.memory_space<semaphore_mem>>
      %dma_start3A_28 = arith.constant 0 : i32
      %dma_start3A_29 = tpu.memref_slice %arg5[%multiple_of3A_26, %dma_start3A_28] : memref<20000x128xf32, #tpu.memory_space<hbm>> -> memref<632x128xf32, #tpu.memory_space<hbm>>
      %dma_start3A_30 = arith.constant 0 : i32
      %dma_start3A_31 = tpu.memref_slice %arg9[%multiple_of3A, %dma_start3A_30] : memref<10000x128xf32, #tpu.memory_space<vmem_shared>> -> memref<632x128xf32, #tpu.memory_space<vmem_shared>>
      tpu.enqueue_dma source(%dma_start3A_31 : memref<632x128xf32, #tpu.memory_space<vmem_shared>>) target(%dma_start3A_29 : memref<632x128xf32, #tpu.memory_space<hbm>>) target_semaphore(%run_scoped3A_27 : memref<!tpu.dma_semaphore, #tpu.memory_space<semaphore_mem>>)
      %dma_wait3A_32 = arith.constant 0 : i32
      %dma_wait3A_33 = tpu.memref_slice %arg5[%multiple_of3A_26, %dma_wait3A_32] : memref<20000x128xf32, #tpu.memory_space<hbm>> -> memref<632x128xf32, #tpu.memory_space<hbm>>
      %dma_wait3A_34 = arith.constant 0 : i32
      %dma_wait3A_35 = tpu.memref_slice %arg9[%multiple_of3A, %dma_wait3A_34] : memref<10000x128xf32, #tpu.memory_space<vmem_shared>> -> memref<632x128xf32, #tpu.memory_space<vmem_shared>>
      tpu.wait_dma2 semaphore(%run_scoped3A_27 : memref<!tpu.dma_semaphore, #tpu.memory_space<semaphore_mem>>) src(%dma_wait3A_35 : memref<632x128xf32, #tpu.memory_space<vmem_shared>>) dst(%dma_wait3A_33 : memref<632x128xf32, #tpu.memory_space<hbm>>)
      tpu.yield
    }) : () -> ()
    return
  }
}

#map = affine_map<(d0, d1) -> (0, 0)>
#map1 = affine_map<(d0, d1) -> (0, 0, 0)>
module attributes {stable_mosaic.version = 14 : i64} {
  func.func @k(%arg0: i32, %arg1: i32, %arg2: memref<10000x128xf32, #tpu.memory_space<hbm>>, %arg3: memref<32x75x80xi32, #tpu.memory_space<hbm>>, %arg4: memref<32x75x80xi32, #tpu.memory_space<hbm>>, %arg5: memref<192000x128xf32, #tpu.memory_space<hbm>>, %arg6: memref<75x80xi32, #tpu.memory_space<vmem>>, %arg7: memref<75x80xi32, #tpu.memory_space<vmem>>, %arg8: memref<80x128xf32, #tpu.memory_space<vmem>>, %arg9: memref<80x128xf32, #tpu.memory_space<vmem>>, %arg10: memref<80x128xf32, #tpu.memory_space<vmem>>, %arg11: memref<80x128xf32, #tpu.memory_space<vmem>>, %arg12: memref<80x128xf32, #tpu.memory_space<vmem>>, %arg13: memref<80x128xf32, #tpu.memory_space<vmem>>, %arg14: memref<!tpu.dma_semaphore, #tpu.memory_space<semaphore_mem>>, %arg15: memref<!tpu.dma_semaphore, #tpu.memory_space<semaphore_mem>>, %arg16: memref<!tpu.dma_semaphore, #tpu.memory_space<semaphore_mem>>, %arg17: memref<!tpu.dma_semaphore, #tpu.memory_space<semaphore_mem>>) attributes {dimension_semantics = [#tpu.dimension_semantics<core_parallel>, #tpu.dimension_semantics<subcore_parallel>], iteration_bounds = array<i64: 2, 16>, scalar_prefetch = 0 : i64, scratch_operands = 12 : i64, tpu.core_type = #tpu.core_type<sc_vector_subcore>, window_params = [{transform_indices = #map}, {transform_indices = #map1}, {transform_indices = #map1}, {transform_indices = #map}]} {
    %mul3A = arith.constant 16 : i32
    %mul3A_0 = arith.muli %arg0, %mul3A : i32
    %add3A = arith.addi %mul3A_0, %arg1 : i32
    "tpu.region"() ({
      %run_scoped3A = tpu.sem_alloc : memref<!tpu.dma_semaphore, #tpu.memory_space<semaphore_mem>>
      %dma_start3A_64 = arith.constant 0 : i32
      %dma_start3A_65 = arith.constant 0 : i32
      %dma_start3A_66 = tpu.memref_slice %arg3[%add3A, %dma_start3A_64, %dma_start3A_65] : memref<32x75x80xi32, #tpu.memory_space<hbm>> -> memref<1x75x80xi32, #tpu.memory_space<hbm>>
      %dma_start3A_67 = tpu.memref_squeeze %dma_start3A_66 : memref<1x75x80xi32, #tpu.memory_space<hbm>> -> memref<75x80xi32, #tpu.memory_space<hbm>>
      %dma_start3A_68 = arith.constant 0 : i32
      %dma_start3A_69 = arith.constant 0 : i32
      %dma_start3A_70 = tpu.memref_slice %arg3[%add3A, %dma_start3A_68, %dma_start3A_69] : memref<32x75x80xi32, #tpu.memory_space<hbm>> -> memref<1x75x80xi32, #tpu.memory_space<hbm>>
      %dma_start3A_71 = tpu.memref_squeeze %dma_start3A_70 : memref<1x75x80xi32, #tpu.memory_space<hbm>> -> memref<75x80xi32, #tpu.memory_space<hbm>>
      tpu.enqueue_dma source(%dma_start3A_71 : memref<75x80xi32, #tpu.memory_space<hbm>>) target(%arg6 : memref<75x80xi32, #tpu.memory_space<vmem>>) target_semaphore(%run_scoped3A : memref<!tpu.dma_semaphore, #tpu.memory_space<semaphore_mem>>)
      %dma_wait3A_72 = arith.constant 0 : i32
      %dma_wait3A_73 = arith.constant 0 : i32
      %dma_wait3A_74 = tpu.memref_slice %arg3[%add3A, %dma_wait3A_72, %dma_wait3A_73] : memref<32x75x80xi32, #tpu.memory_space<hbm>> -> memref<1x75x80xi32, #tpu.memory_space<hbm>>
      %dma_wait3A_75 = tpu.memref_squeeze %dma_wait3A_74 : memref<1x75x80xi32, #tpu.memory_space<hbm>> -> memref<75x80xi32, #tpu.memory_space<hbm>>
      %dma_wait3A_76 = arith.constant 0 : i32
      %dma_wait3A_77 = arith.constant 0 : i32
      %dma_wait3A_78 = tpu.memref_slice %arg3[%add3A, %dma_wait3A_76, %dma_wait3A_77] : memref<32x75x80xi32, #tpu.memory_space<hbm>> -> memref<1x75x80xi32, #tpu.memory_space<hbm>>
      %dma_wait3A_79 = tpu.memref_squeeze %dma_wait3A_78 : memref<1x75x80xi32, #tpu.memory_space<hbm>> -> memref<75x80xi32, #tpu.memory_space<hbm>>
      tpu.wait_dma2 semaphore(%run_scoped3A : memref<!tpu.dma_semaphore, #tpu.memory_space<semaphore_mem>>) src(%dma_wait3A_79 : memref<75x80xi32, #tpu.memory_space<hbm>>) dst(%arg6 : memref<75x80xi32, #tpu.memory_space<vmem>>)
      tpu.yield
    }) : () -> ()
    "tpu.region"() ({
      %run_scoped3A = tpu.sem_alloc : memref<!tpu.dma_semaphore, #tpu.memory_space<semaphore_mem>>
      %dma_start3A_64 = arith.constant 0 : i32
      %dma_start3A_65 = arith.constant 0 : i32
      %dma_start3A_66 = tpu.memref_slice %arg4[%add3A, %dma_start3A_64, %dma_start3A_65] : memref<32x75x80xi32, #tpu.memory_space<hbm>> -> memref<1x75x80xi32, #tpu.memory_space<hbm>>
      %dma_start3A_67 = tpu.memref_squeeze %dma_start3A_66 : memref<1x75x80xi32, #tpu.memory_space<hbm>> -> memref<75x80xi32, #tpu.memory_space<hbm>>
      %dma_start3A_68 = arith.constant 0 : i32
      %dma_start3A_69 = arith.constant 0 : i32
      %dma_start3A_70 = tpu.memref_slice %arg4[%add3A, %dma_start3A_68, %dma_start3A_69] : memref<32x75x80xi32, #tpu.memory_space<hbm>> -> memref<1x75x80xi32, #tpu.memory_space<hbm>>
      %dma_start3A_71 = tpu.memref_squeeze %dma_start3A_70 : memref<1x75x80xi32, #tpu.memory_space<hbm>> -> memref<75x80xi32, #tpu.memory_space<hbm>>
      tpu.enqueue_dma source(%dma_start3A_71 : memref<75x80xi32, #tpu.memory_space<hbm>>) target(%arg7 : memref<75x80xi32, #tpu.memory_space<vmem>>) target_semaphore(%run_scoped3A : memref<!tpu.dma_semaphore, #tpu.memory_space<semaphore_mem>>)
      %dma_wait3A_72 = arith.constant 0 : i32
      %dma_wait3A_73 = arith.constant 0 : i32
      %dma_wait3A_74 = tpu.memref_slice %arg4[%add3A, %dma_wait3A_72, %dma_wait3A_73] : memref<32x75x80xi32, #tpu.memory_space<hbm>> -> memref<1x75x80xi32, #tpu.memory_space<hbm>>
      %dma_wait3A_75 = tpu.memref_squeeze %dma_wait3A_74 : memref<1x75x80xi32, #tpu.memory_space<hbm>> -> memref<75x80xi32, #tpu.memory_space<hbm>>
      %dma_wait3A_76 = arith.constant 0 : i32
      %dma_wait3A_77 = arith.constant 0 : i32
      %dma_wait3A_78 = tpu.memref_slice %arg4[%add3A, %dma_wait3A_76, %dma_wait3A_77] : memref<32x75x80xi32, #tpu.memory_space<hbm>> -> memref<1x75x80xi32, #tpu.memory_space<hbm>>
      %dma_wait3A_79 = tpu.memref_squeeze %dma_wait3A_78 : memref<1x75x80xi32, #tpu.memory_space<hbm>> -> memref<75x80xi32, #tpu.memory_space<hbm>>
      tpu.wait_dma2 semaphore(%run_scoped3A : memref<!tpu.dma_semaphore, #tpu.memory_space<semaphore_mem>>) src(%dma_wait3A_79 : memref<75x80xi32, #tpu.memory_space<hbm>>) dst(%arg7 : memref<75x80xi32, #tpu.memory_space<vmem>>)
      tpu.yield
    }) : () -> ()
    %dma_start3A = arith.constant 0 : i32
    %dma_start3A_1 = arith.constant 0 : i32
    %dma_start3A_2 = tpu.memref_slice %arg6[%dma_start3A, %dma_start3A_1] : memref<75x80xi32, #tpu.memory_space<vmem>> -> memref<1x80xi32, #tpu.memory_space<vmem>>
    %dma_start3A_3 = tpu.memref_squeeze %dma_start3A_2 : memref<1x80xi32, #tpu.memory_space<vmem>> -> memref<80xi32, #tpu.memory_space<vmem>>
    %dma_start3A_4 = arith.constant 0 : i32
    %dma_start3A_5 = arith.constant 0 : i32
    %dma_start3A_6 = tpu.memref_slice %arg2[%dma_start3A_4, %dma_start3A_5] : memref<10000x128xf32, #tpu.memory_space<hbm>> -> memref<10000x128xf32, #tpu.memory_space<hbm>>
    tpu.enqueue_indirect_dma source(%dma_start3A_6 : memref<10000x128xf32, #tpu.memory_space<hbm>>) target(%arg8 : memref<80x128xf32, #tpu.memory_space<vmem>>) offsets(%dma_start3A_3 : memref<80xi32, #tpu.memory_space<vmem>>) semaphore(%arg14 : memref<!tpu.dma_semaphore, #tpu.memory_space<semaphore_mem>>)
    %dma_start3A_7 = arith.constant 0 : i32
    %dma_start3A_8 = arith.constant 0 : i32
    %dma_start3A_9 = tpu.memref_slice %arg7[%dma_start3A_7, %dma_start3A_8] : memref<75x80xi32, #tpu.memory_space<vmem>> -> memref<1x80xi32, #tpu.memory_space<vmem>>
    %dma_start3A_10 = tpu.memref_squeeze %dma_start3A_9 : memref<1x80xi32, #tpu.memory_space<vmem>> -> memref<80xi32, #tpu.memory_space<vmem>>
    %dma_start3A_11 = arith.constant 0 : i32
    %dma_start3A_12 = arith.constant 0 : i32
    %dma_start3A_13 = tpu.memref_slice %arg2[%dma_start3A_11, %dma_start3A_12] : memref<10000x128xf32, #tpu.memory_space<hbm>> -> memref<10000x128xf32, #tpu.memory_space<hbm>>
    tpu.enqueue_indirect_dma source(%dma_start3A_13 : memref<10000x128xf32, #tpu.memory_space<hbm>>) target(%arg9 : memref<80x128xf32, #tpu.memory_space<vmem>>) offsets(%dma_start3A_10 : memref<80xi32, #tpu.memory_space<vmem>>) semaphore(%arg14 : memref<!tpu.dma_semaphore, #tpu.memory_space<semaphore_mem>>)
    %scan3A = arith.constant 0 : i32
    %scan3A_14 = arith.constant 0 : i32
    %scan3A_15 = arith.constant 37 : i32
    %scan3A_16 = arith.addi %scan3A_14, %scan3A_15 : i32
    %scan3A_17 = arith.constant 1 : i32
    scf.for %scan3A_64 = %scan3A_14 to %scan3A_16 step %scan3A_17  : i32 {
      %gt3A = arith.constant 0 : i32
      %gt3A_65 = arith.cmpi sgt, %scan3A_64, %gt3A : i32
      %convert_element_type3A = arith.extui %gt3A_65 : i1 to i32
      %cond3A = arith.constant 0 : i32
      %cond3A_66 = arith.cmpi ne, %convert_element_type3A, %cond3A : i32
      scf.if %cond3A_66 {
        %dma_wait3A_170 = arith.constant 0 : i32
        %dma_wait3A_171 = arith.constant 0 : i32
        %dma_wait3A_172 = tpu.memref_slice %arg5[%dma_wait3A_170, %dma_wait3A_171] : memref<192000x128xf32, #tpu.memory_space<hbm>> -> memref<80x128xf32, #tpu.memory_space<hbm>>
        %dma_wait3A_173 = arith.constant 0 : i32
        %dma_wait3A_174 = arith.constant 0 : i32
        %dma_wait3A_175 = tpu.memref_slice %arg5[%dma_wait3A_173, %dma_wait3A_174] : memref<192000x128xf32, #tpu.memory_space<hbm>> -> memref<80x128xf32, #tpu.memory_space<hbm>>
        tpu.wait_dma2 semaphore(%arg16 : memref<!tpu.dma_semaphore, #tpu.memory_space<semaphore_mem>>) src(%arg12 : memref<80x128xf32, #tpu.memory_space<vmem>>) dst(%dma_wait3A_175 : memref<80x128xf32, #tpu.memory_space<hbm>>)
      } else {
      }
      %mul3A_67 = arith.constant 2 : i32
      %mul3A_68 = arith.muli %mul3A_67, %scan3A_64 : i32
      %add3A_69 = arith.constant 1 : i32
      %add3A_70 = arith.addi %mul3A_68, %add3A_69 : i32
      %dma_start3A_71 = arith.constant 0 : i32
      %dma_start3A_72 = tpu.memref_slice %arg6[%add3A_70, %dma_start3A_71] : memref<75x80xi32, #tpu.memory_space<vmem>> -> memref<1x80xi32, #tpu.memory_space<vmem>>
      %dma_start3A_73 = tpu.memref_squeeze %dma_start3A_72 : memref<1x80xi32, #tpu.memory_space<vmem>> -> memref<80xi32, #tpu.memory_space<vmem>>
      %dma_start3A_74 = arith.constant 0 : i32
      %dma_start3A_75 = arith.constant 0 : i32
      %dma_start3A_76 = tpu.memref_slice %arg2[%dma_start3A_74, %dma_start3A_75] : memref<10000x128xf32, #tpu.memory_space<hbm>> -> memref<10000x128xf32, #tpu.memory_space<hbm>>
      tpu.enqueue_indirect_dma source(%dma_start3A_76 : memref<10000x128xf32, #tpu.memory_space<hbm>>) target(%arg10 : memref<80x128xf32, #tpu.memory_space<vmem>>) offsets(%dma_start3A_73 : memref<80xi32, #tpu.memory_space<vmem>>) semaphore(%arg15 : memref<!tpu.dma_semaphore, #tpu.memory_space<semaphore_mem>>)
      %dma_start3A_77 = arith.constant 0 : i32
      %dma_start3A_78 = tpu.memref_slice %arg7[%add3A_70, %dma_start3A_77] : memref<75x80xi32, #tpu.memory_space<vmem>> -> memref<1x80xi32, #tpu.memory_space<vmem>>
      %dma_start3A_79 = tpu.memref_squeeze %dma_start3A_78 : memref<1x80xi32, #tpu.memory_space<vmem>> -> memref<80xi32, #tpu.memory_space<vmem>>
      %dma_start3A_80 = arith.constant 0 : i32
      %dma_start3A_81 = arith.constant 0 : i32
      %dma_start3A_82 = tpu.memref_slice %arg2[%dma_start3A_80, %dma_start3A_81] : memref<10000x128xf32, #tpu.memory_space<hbm>> -> memref<10000x128xf32, #tpu.memory_space<hbm>>
      tpu.enqueue_indirect_dma source(%dma_start3A_82 : memref<10000x128xf32, #tpu.memory_space<hbm>>) target(%arg11 : memref<80x128xf32, #tpu.memory_space<vmem>>) offsets(%dma_start3A_79 : memref<80xi32, #tpu.memory_space<vmem>>) semaphore(%arg15 : memref<!tpu.dma_semaphore, #tpu.memory_space<semaphore_mem>>)
      %dma_wait3A_83 = arith.constant 0 : i32
      %dma_wait3A_84 = arith.constant 0 : i32
      %dma_wait3A_85 = tpu.memref_slice %arg6[%dma_wait3A_83, %dma_wait3A_84] : memref<75x80xi32, #tpu.memory_space<vmem>> -> memref<1x80xi32, #tpu.memory_space<vmem>>
      %dma_wait3A_86 = tpu.memref_squeeze %dma_wait3A_85 : memref<1x80xi32, #tpu.memory_space<vmem>> -> memref<80xi32, #tpu.memory_space<vmem>>
      %dma_wait3A_87 = arith.constant 0 : i32
      %dma_wait3A_88 = arith.constant 0 : i32
      %dma_wait3A_89 = tpu.memref_slice %arg2[%dma_wait3A_87, %dma_wait3A_88] : memref<10000x128xf32, #tpu.memory_space<hbm>> -> memref<10000x128xf32, #tpu.memory_space<hbm>>
      tpu.wait_indirect_dma semaphore(%arg14 : memref<!tpu.dma_semaphore, #tpu.memory_space<semaphore_mem>>) src(%dma_wait3A_89 : memref<10000x128xf32, #tpu.memory_space<hbm>>) dst(%arg8 : memref<80x128xf32, #tpu.memory_space<vmem>>)
      %dma_wait3A_90 = arith.constant 0 : i32
      %dma_wait3A_91 = arith.constant 0 : i32
      %dma_wait3A_92 = tpu.memref_slice %arg7[%dma_wait3A_90, %dma_wait3A_91] : memref<75x80xi32, #tpu.memory_space<vmem>> -> memref<1x80xi32, #tpu.memory_space<vmem>>
      %dma_wait3A_93 = tpu.memref_squeeze %dma_wait3A_92 : memref<1x80xi32, #tpu.memory_space<vmem>> -> memref<80xi32, #tpu.memory_space<vmem>>
      %dma_wait3A_94 = arith.constant 0 : i32
      %dma_wait3A_95 = arith.constant 0 : i32
      %dma_wait3A_96 = tpu.memref_slice %arg2[%dma_wait3A_94, %dma_wait3A_95] : memref<10000x128xf32, #tpu.memory_space<hbm>> -> memref<10000x128xf32, #tpu.memory_space<hbm>>
      tpu.wait_indirect_dma semaphore(%arg14 : memref<!tpu.dma_semaphore, #tpu.memory_space<semaphore_mem>>) src(%dma_wait3A_96 : memref<10000x128xf32, #tpu.memory_space<hbm>>) dst(%arg9 : memref<80x128xf32, #tpu.memory_space<vmem>>)
      %scan3A_97 = arith.constant 0 : i32
      %scan3A_98 = arith.constant 0 : i32
      %scan3A_99 = arith.constant 80 : i32
      %scan3A_100 = arith.addi %scan3A_98, %scan3A_99 : i32
      %scan3A_101 = arith.constant 1 : i32
      scf.for %scan3A_170 = %scan3A_98 to %scan3A_100 step %scan3A_101  : i32 {
        %get3A = arith.index_cast %scan3A_170 : i32 to index
        %get3A_171 = arith.constant 0 : index
        %get3A_172 = tpu.vector_load %arg8[%get3A, %get3A_171] {strides = array<i32>} : memref<80x128xf32, #tpu.memory_space<vmem>>, vector<1x16xf32>,
        %get3A_173 = vector.shape_cast %get3A_172 : vector<1x16xf32> to vector<16xf32>
        %get3A_174 = arith.index_cast %scan3A_170 : i32 to index
        %get3A_175 = arith.constant 0 : index
        %get3A_176 = tpu.vector_load %arg9[%get3A_174, %get3A_175] {strides = array<i32>} : memref<80x128xf32, #tpu.memory_space<vmem>>, vector<1x16xf32>,
        %get3A_177 = vector.shape_cast %get3A_176 : vector<1x16xf32> to vector<16xf32>
        %mul3A_178 = arith.mulf %get3A_173, %get3A_177 : vector<16xf32>
        %swap3A = arith.index_cast %scan3A_170 : i32 to index
        %swap3A_179 = arith.constant 0 : index
        %swap3A_180 = tpu.vector_load %arg12[%swap3A, %swap3A_179] {strides = array<i32>} : memref<80x128xf32, #tpu.memory_space<vmem>>, vector<1x16xf32>,
        %swap3A_181 = vector.shape_cast %swap3A_180 : vector<1x16xf32> to vector<16xf32>
        %swap3A_182 = vector.shape_cast %mul3A_178 : vector<16xf32> to vector<1x16xf32>
        tpu.vector_store %arg12[%swap3A, %swap3A_179], %swap3A_182 {strides = array<i32>} : memref<80x128xf32, #tpu.memory_space<vmem>>, vector<1x16xf32>,
        %get3A_183 = arith.index_cast %scan3A_170 : i32 to index
        %get3A_184 = arith.constant 16 : index
        %get3A_185 = tpu.vector_load %arg8[%get3A_183, %get3A_184] {strides = array<i32>} : memref<80x128xf32, #tpu.memory_space<vmem>>, vector<1x16xf32>,
        %get3A_186 = vector.shape_cast %get3A_185 : vector<1x16xf32> to vector<16xf32>
        %get3A_187 = arith.index_cast %scan3A_170 : i32 to index
        %get3A_188 = arith.constant 16 : index
        %get3A_189 = tpu.vector_load %arg9[%get3A_187, %get3A_188] {strides = array<i32>} : memref<80x128xf32, #tpu.memory_space<vmem>>, vector<1x16xf32>,
        %get3A_190 = vector.shape_cast %get3A_189 : vector<1x16xf32> to vector<16xf32>
        %mul3A_191 = arith.mulf %get3A_186, %get3A_190 : vector<16xf32>
        %swap3A_192 = arith.index_cast %scan3A_170 : i32 to index
        %swap3A_193 = arith.constant 16 : index
        %swap3A_194 = tpu.vector_load %arg12[%swap3A_192, %swap3A_193] {strides = array<i32>} : memref<80x128xf32, #tpu.memory_space<vmem>>, vector<1x16xf32>,
        %swap3A_195 = vector.shape_cast %swap3A_194 : vector<1x16xf32> to vector<16xf32>
        %swap3A_196 = vector.shape_cast %mul3A_191 : vector<16xf32> to vector<1x16xf32>
        tpu.vector_store %arg12[%swap3A_192, %swap3A_193], %swap3A_196 {strides = array<i32>} : memref<80x128xf32, #tpu.memory_space<vmem>>, vector<1x16xf32>,
        %get3A_197 = arith.index_cast %scan3A_170 : i32 to index
        %get3A_198 = arith.constant 32 : index
        %get3A_199 = tpu.vector_load %arg8[%get3A_197, %get3A_198] {strides = array<i32>} : memref<80x128xf32, #tpu.memory_space<vmem>>, vector<1x16xf32>,
        %get3A_200 = vector.shape_cast %get3A_199 : vector<1x16xf32> to vector<16xf32>
        %get3A_201 = arith.index_cast %scan3A_170 : i32 to index
        %get3A_202 = arith.constant 32 : index
        %get3A_203 = tpu.vector_load %arg9[%get3A_201, %get3A_202] {strides = array<i32>} : memref<80x128xf32, #tpu.memory_space<vmem>>, vector<1x16xf32>,
        %get3A_204 = vector.shape_cast %get3A_203 : vector<1x16xf32> to vector<16xf32>
        %mul3A_205 = arith.mulf %get3A_200, %get3A_204 : vector<16xf32>
        %swap3A_206 = arith.index_cast %scan3A_170 : i32 to index
        %swap3A_207 = arith.constant 32 : index
        %swap3A_208 = tpu.vector_load %arg12[%swap3A_206, %swap3A_207] {strides = array<i32>} : memref<80x128xf32, #tpu.memory_space<vmem>>, vector<1x16xf32>,
        %swap3A_209 = vector.shape_cast %swap3A_208 : vector<1x16xf32> to vector<16xf32>
        %swap3A_210 = vector.shape_cast %mul3A_205 : vector<16xf32> to vector<1x16xf32>
        tpu.vector_store %arg12[%swap3A_206, %swap3A_207], %swap3A_210 {strides = array<i32>} : memref<80x128xf32, #tpu.memory_space<vmem>>, vector<1x16xf32>,
        %get3A_211 = arith.index_cast %scan3A_170 : i32 to index
        %get3A_212 = arith.constant 48 : index
        %get3A_213 = tpu.vector_load %arg8[%get3A_211, %get3A_212] {strides = array<i32>} : memref<80x128xf32, #tpu.memory_space<vmem>>, vector<1x16xf32>,
        %get3A_214 = vector.shape_cast %get3A_213 : vector<1x16xf32> to vector<16xf32>
        %get3A_215 = arith.index_cast %scan3A_170 : i32 to index
        %get3A_216 = arith.constant 48 : index
        %get3A_217 = tpu.vector_load %arg9[%get3A_215, %get3A_216] {strides = array<i32>} : memref<80x128xf32, #tpu.memory_space<vmem>>, vector<1x16xf32>,
        %get3A_218 = vector.shape_cast %get3A_217 : vector<1x16xf32> to vector<16xf32>
        %mul3A_219 = arith.mulf %get3A_214, %get3A_218 : vector<16xf32>
        %swap3A_220 = arith.index_cast %scan3A_170 : i32 to index
        %swap3A_221 = arith.constant 48 : index
        %swap3A_222 = tpu.vector_load %arg12[%swap3A_220, %swap3A_221] {strides = array<i32>} : memref<80x128xf32, #tpu.memory_space<vmem>>, vector<1x16xf32>,
        %swap3A_223 = vector.shape_cast %swap3A_222 : vector<1x16xf32> to vector<16xf32>
        %swap3A_224 = vector.shape_cast %mul3A_219 : vector<16xf32> to vector<1x16xf32>
        tpu.vector_store %arg12[%swap3A_220, %swap3A_221], %swap3A_224 {strides = array<i32>} : memref<80x128xf32, #tpu.memory_space<vmem>>, vector<1x16xf32>,
        %get3A_225 = arith.index_cast %scan3A_170 : i32 to index
        %get3A_226 = arith.constant 64 : index
        %get3A_227 = tpu.vector_load %arg8[%get3A_225, %get3A_226] {strides = array<i32>} : memref<80x128xf32, #tpu.memory_space<vmem>>, vector<1x16xf32>,
        %get3A_228 = vector.shape_cast %get3A_227 : vector<1x16xf32> to vector<16xf32>
        %get3A_229 = arith.index_cast %scan3A_170 : i32 to index
        %get3A_230 = arith.constant 64 : index
        %get3A_231 = tpu.vector_load %arg9[%get3A_229, %get3A_230] {strides = array<i32>} : memref<80x128xf32, #tpu.memory_space<vmem>>, vector<1x16xf32>,
        %get3A_232 = vector.shape_cast %get3A_231 : vector<1x16xf32> to vector<16xf32>
        %mul3A_233 = arith.mulf %get3A_228, %get3A_232 : vector<16xf32>
        %swap3A_234 = arith.index_cast %scan3A_170 : i32 to index
        %swap3A_235 = arith.constant 64 : index
        %swap3A_236 = tpu.vector_load %arg12[%swap3A_234, %swap3A_235] {strides = array<i32>} : memref<80x128xf32, #tpu.memory_space<vmem>>, vector<1x16xf32>,
        %swap3A_237 = vector.shape_cast %swap3A_236 : vector<1x16xf32> to vector<16xf32>
        %swap3A_238 = vector.shape_cast %mul3A_233 : vector<16xf32> to vector<1x16xf32>
        tpu.vector_store %arg12[%swap3A_234, %swap3A_235], %swap3A_238 {strides = array<i32>} : memref<80x128xf32, #tpu.memory_space<vmem>>, vector<1x16xf32>,
        %get3A_239 = arith.index_cast %scan3A_170 : i32 to index
        %get3A_240 = arith.constant 80 : index
        %get3A_241 = tpu.vector_load %arg8[%get3A_239, %get3A_240] {strides = array<i32>} : memref<80x128xf32, #tpu.memory_space<vmem>>, vector<1x16xf32>,
        %get3A_242 = vector.shape_cast %get3A_241 : vector<1x16xf32> to vector<16xf32>
        %get3A_243 = arith.index_cast %scan3A_170 : i32 to index
        %get3A_244 = arith.constant 80 : index
        %get3A_245 = tpu.vector_load %arg9[%get3A_243, %get3A_244] {strides = array<i32>} : memref<80x128xf32, #tpu.memory_space<vmem>>, vector<1x16xf32>,
        %get3A_246 = vector.shape_cast %get3A_245 : vector<1x16xf32> to vector<16xf32>
        %mul3A_247 = arith.mulf %get3A_242, %get3A_246 : vector<16xf32>
        %swap3A_248 = arith.index_cast %scan3A_170 : i32 to index
        %swap3A_249 = arith.constant 80 : index
        %swap3A_250 = tpu.vector_load %arg12[%swap3A_248, %swap3A_249] {strides = array<i32>} : memref<80x128xf32, #tpu.memory_space<vmem>>, vector<1x16xf32>,
        %swap3A_251 = vector.shape_cast %swap3A_250 : vector<1x16xf32> to vector<16xf32>
        %swap3A_252 = vector.shape_cast %mul3A_247 : vector<16xf32> to vector<1x16xf32>
        tpu.vector_store %arg12[%swap3A_248, %swap3A_249], %swap3A_252 {strides = array<i32>} : memref<80x128xf32, #tpu.memory_space<vmem>>, vector<1x16xf32>,
        %get3A_253 = arith.index_cast %scan3A_170 : i32 to index
        %get3A_254 = arith.constant 96 : index
        %get3A_255 = tpu.vector_load %arg8[%get3A_253, %get3A_254] {strides = array<i32>} : memref<80x128xf32, #tpu.memory_space<vmem>>, vector<1x16xf32>,
        %get3A_256 = vector.shape_cast %get3A_255 : vector<1x16xf32> to vector<16xf32>
        %get3A_257 = arith.index_cast %scan3A_170 : i32 to index
        %get3A_258 = arith.constant 96 : index
        %get3A_259 = tpu.vector_load %arg9[%get3A_257, %get3A_258] {strides = array<i32>} : memref<80x128xf32, #tpu.memory_space<vmem>>, vector<1x16xf32>,
        %get3A_260 = vector.shape_cast %get3A_259 : vector<1x16xf32> to vector<16xf32>
        %mul3A_261 = arith.mulf %get3A_256, %get3A_260 : vector<16xf32>
        %swap3A_262 = arith.index_cast %scan3A_170 : i32 to index
        %swap3A_263 = arith.constant 96 : index
        %swap3A_264 = tpu.vector_load %arg12[%swap3A_262, %swap3A_263] {strides = array<i32>} : memref<80x128xf32, #tpu.memory_space<vmem>>, vector<1x16xf32>,
        %swap3A_265 = vector.shape_cast %swap3A_264 : vector<1x16xf32> to vector<16xf32>
        %swap3A_266 = vector.shape_cast %mul3A_261 : vector<16xf32> to vector<1x16xf32>
        tpu.vector_store %arg12[%swap3A_262, %swap3A_263], %swap3A_266 {strides = array<i32>} : memref<80x128xf32, #tpu.memory_space<vmem>>, vector<1x16xf32>,
        %get3A_267 = arith.index_cast %scan3A_170 : i32 to index
        %get3A_268 = arith.constant 112 : index
        %get3A_269 = tpu.vector_load %arg8[%get3A_267, %get3A_268] {strides = array<i32>} : memref<80x128xf32, #tpu.memory_space<vmem>>, vector<1x16xf32>,
        %get3A_270 = vector.shape_cast %get3A_269 : vector<1x16xf32> to vector<16xf32>
        %get3A_271 = arith.index_cast %scan3A_170 : i32 to index
        %get3A_272 = arith.constant 112 : index
        %get3A_273 = tpu.vector_load %arg9[%get3A_271, %get3A_272] {strides = array<i32>} : memref<80x128xf32, #tpu.memory_space<vmem>>, vector<1x16xf32>,
        %get3A_274 = vector.shape_cast %get3A_273 : vector<1x16xf32> to vector<16xf32>
        %mul3A_275 = arith.mulf %get3A_270, %get3A_274 : vector<16xf32>
        %swap3A_276 = arith.index_cast %scan3A_170 : i32 to index
        %swap3A_277 = arith.constant 112 : index
        %swap3A_278 = tpu.vector_load %arg12[%swap3A_276, %swap3A_277] {strides = array<i32>} : memref<80x128xf32, #tpu.memory_space<vmem>>, vector<1x16xf32>,
        %swap3A_279 = vector.shape_cast %swap3A_278 : vector<1x16xf32> to vector<16xf32>
        %swap3A_280 = vector.shape_cast %mul3A_275 : vector<16xf32> to vector<1x16xf32>
        tpu.vector_store %arg12[%swap3A_276, %swap3A_277], %swap3A_280 {strides = array<i32>} : memref<80x128xf32, #tpu.memory_space<vmem>>, vector<1x16xf32>,
      }
      %scan3A_102 = arith.constant 80 : i32
      %mul3A_103 = arith.constant 2 : i32
      %mul3A_104 = arith.muli %mul3A_103, %scan3A_64 : i32
      %mul3A_105 = arith.constant 6000 : i32
      %mul3A_106 = arith.muli %add3A, %mul3A_105 : i32
      %mul3A_107 = arith.constant 80 : i32
      %mul3A_108 = arith.muli %mul3A_104, %mul3A_107 : i32
      %add3A_109 = arith.addi %mul3A_106, %mul3A_108 : i32
      %multiple_of3A_110 = tpu.assume_multiple %add3A_109, 8 : i32
      %dma_start3A_111 = arith.constant 0 : i32
      %dma_start3A_112 = tpu.memref_slice %arg5[%multiple_of3A_110, %dma_start3A_111] : memref<192000x128xf32, #tpu.memory_space<hbm>> -> memref<80x128xf32, #tpu.memory_space<hbm>>
      %dma_start3A_113 = arith.constant 0 : i32
      %dma_start3A_114 = tpu.memref_slice %arg5[%multiple_of3A_110, %dma_start3A_113] : memref<192000x128xf32, #tpu.memory_space<hbm>> -> memref<80x128xf32, #tpu.memory_space<hbm>>
      tpu.enqueue_dma source(%arg12 : memref<80x128xf32, #tpu.memory_space<vmem>>) target(%dma_start3A_114 : memref<80x128xf32, #tpu.memory_space<hbm>>) target_semaphore(%arg16 : memref<!tpu.dma_semaphore, #tpu.memory_space<semaphore_mem>>)
      %mul3A_115 = arith.constant 2 : i32
      %mul3A_116 = arith.muli %mul3A_115, %scan3A_64 : i32
      %add3A_117 = arith.constant 2 : i32
      %add3A_118 = arith.addi %mul3A_116, %add3A_117 : i32
      %dma_start3A_119 = arith.constant 0 : i32
      %dma_start3A_120 = tpu.memref_slice %arg6[%add3A_118, %dma_start3A_119] : memref<75x80xi32, #tpu.memory_space<vmem>> -> memref<1x80xi32, #tpu.memory_space<vmem>>
      %dma_start3A_121 = tpu.memref_squeeze %dma_start3A_120 : memref<1x80xi32, #tpu.memory_space<vmem>> -> memref<80xi32, #tpu.memory_space<vmem>>
      %dma_start3A_122 = arith.constant 0 : i32
      %dma_start3A_123 = arith.constant 0 : i32
      %dma_start3A_124 = tpu.memref_slice %arg2[%dma_start3A_122, %dma_start3A_123] : memref<10000x128xf32, #tpu.memory_space<hbm>> -> memref<10000x128xf32, #tpu.memory_space<hbm>>
      tpu.enqueue_indirect_dma source(%dma_start3A_124 : memref<10000x128xf32, #tpu.memory_space<hbm>>) target(%arg8 : memref<80x128xf32, #tpu.memory_space<vmem>>) offsets(%dma_start3A_121 : memref<80xi32, #tpu.memory_space<vmem>>) semaphore(%arg14 : memref<!tpu.dma_semaphore, #tpu.memory_space<semaphore_mem>>)
      %dma_start3A_125 = arith.constant 0 : i32
      %dma_start3A_126 = tpu.memref_slice %arg7[%add3A_118, %dma_start3A_125] : memref<75x80xi32, #tpu.memory_space<vmem>> -> memref<1x80xi32, #tpu.memory_space<vmem>>
      %dma_start3A_127 = tpu.memref_squeeze %dma_start3A_126 : memref<1x80xi32, #tpu.memory_space<vmem>> -> memref<80xi32, #tpu.memory_space<vmem>>
      %dma_start3A_128 = arith.constant 0 : i32
      %dma_start3A_129 = arith.constant 0 : i32
      %dma_start3A_130 = tpu.memref_slice %arg2[%dma_start3A_128, %dma_start3A_129] : memref<10000x128xf32, #tpu.memory_space<hbm>> -> memref<10000x128xf32, #tpu.memory_space<hbm>>
      tpu.enqueue_indirect_dma source(%dma_start3A_130 : memref<10000x128xf32, #tpu.memory_space<hbm>>) target(%arg9 : memref<80x128xf32, #tpu.memory_space<vmem>>) offsets(%dma_start3A_127 : memref<80xi32, #tpu.memory_space<vmem>>) semaphore(%arg14 : memref<!tpu.dma_semaphore, #tpu.memory_space<semaphore_mem>>)
      %gt3A_131 = arith.constant 0 : i32
      %gt3A_132 = arith.cmpi sgt, %scan3A_64, %gt3A_131 : i32
      %convert_element_type3A_133 = arith.extui %gt3A_132 : i1 to i32
      %cond3A_134 = arith.constant 0 : i32
      %cond3A_135 = arith.cmpi ne, %convert_element_type3A_133, %cond3A_134 : i32
      scf.if %cond3A_135 {
        %dma_wait3A_170 = arith.constant 0 : i32
        %dma_wait3A_171 = arith.constant 0 : i32
        %dma_wait3A_172 = tpu.memref_slice %arg5[%dma_wait3A_170, %dma_wait3A_171] : memref<192000x128xf32, #tpu.memory_space<hbm>> -> memref<80x128xf32, #tpu.memory_space<hbm>>
        %dma_wait3A_173 = arith.constant 0 : i32
        %dma_wait3A_174 = arith.constant 0 : i32
        %dma_wait3A_175 = tpu.memref_slice %arg5[%dma_wait3A_173, %dma_wait3A_174] : memref<192000x128xf32, #tpu.memory_space<hbm>> -> memref<80x128xf32, #tpu.memory_space<hbm>>
        tpu.wait_dma2 semaphore(%arg17 : memref<!tpu.dma_semaphore, #tpu.memory_space<semaphore_mem>>) src(%arg13 : memref<80x128xf32, #tpu.memory_space<vmem>>) dst(%dma_wait3A_175 : memref<80x128xf32, #tpu.memory_space<hbm>>)
      } else {
      }
      %dma_wait3A_136 = arith.constant 0 : i32
      %dma_wait3A_137 = arith.constant 0 : i32
      %dma_wait3A_138 = tpu.memref_slice %arg6[%dma_wait3A_136, %dma_wait3A_137] : memref<75x80xi32, #tpu.memory_space<vmem>> -> memref<1x80xi32, #tpu.memory_space<vmem>>
      %dma_wait3A_139 = tpu.memref_squeeze %dma_wait3A_138 : memref<1x80xi32, #tpu.memory_space<vmem>> -> memref<80xi32, #tpu.memory_space<vmem>>
      %dma_wait3A_140 = arith.constant 0 : i32
      %dma_wait3A_141 = arith.constant 0 : i32
      %dma_wait3A_142 = tpu.memref_slice %arg2[%dma_wait3A_140, %dma_wait3A_141] : memref<10000x128xf32, #tpu.memory_space<hbm>> -> memref<10000x128xf32, #tpu.memory_space<hbm>>
      tpu.wait_indirect_dma semaphore(%arg15 : memref<!tpu.dma_semaphore, #tpu.memory_space<semaphore_mem>>) src(%dma_wait3A_142 : memref<10000x128xf32, #tpu.memory_space<hbm>>) dst(%arg10 : memref<80x128xf32, #tpu.memory_space<vmem>>)
      %dma_wait3A_143 = arith.constant 0 : i32
      %dma_wait3A_144 = arith.constant 0 : i32
      %dma_wait3A_145 = tpu.memref_slice %arg7[%dma_wait3A_143, %dma_wait3A_144] : memref<75x80xi32, #tpu.memory_space<vmem>> -> memref<1x80xi32, #tpu.memory_space<vmem>>
      %dma_wait3A_146 = tpu.memref_squeeze %dma_wait3A_145 : memref<1x80xi32, #tpu.memory_space<vmem>> -> memref<80xi32, #tpu.memory_space<vmem>>
      %dma_wait3A_147 = arith.constant 0 : i32
      %dma_wait3A_148 = arith.constant 0 : i32
      %dma_wait3A_149 = tpu.memref_slice %arg2[%dma_wait3A_147, %dma_wait3A_148] : memref<10000x128xf32, #tpu.memory_space<hbm>> -> memref<10000x128xf32, #tpu.memory_space<hbm>>
      tpu.wait_indirect_dma semaphore(%arg15 : memref<!tpu.dma_semaphore, #tpu.memory_space<semaphore_mem>>) src(%dma_wait3A_149 : memref<10000x128xf32, #tpu.memory_space<hbm>>) dst(%arg11 : memref<80x128xf32, #tpu.memory_space<vmem>>)
      %scan3A_150 = arith.constant 0 : i32
      %scan3A_151 = arith.constant 0 : i32
      %scan3A_152 = arith.constant 80 : i32
      %scan3A_153 = arith.addi %scan3A_151, %scan3A_152 : i32
      %scan3A_154 = arith.constant 1 : i32
      scf.for %scan3A_170 = %scan3A_151 to %scan3A_153 step %scan3A_154  : i32 {
        %get3A = arith.index_cast %scan3A_170 : i32 to index
        %get3A_171 = arith.constant 0 : index
        %get3A_172 = tpu.vector_load %arg10[%get3A, %get3A_171] {strides = array<i32>} : memref<80x128xf32, #tpu.memory_space<vmem>>, vector<1x16xf32>,
        %get3A_173 = vector.shape_cast %get3A_172 : vector<1x16xf32> to vector<16xf32>
        %get3A_174 = arith.index_cast %scan3A_170 : i32 to index
        %get3A_175 = arith.constant 0 : index
        %get3A_176 = tpu.vector_load %arg11[%get3A_174, %get3A_175] {strides = array<i32>} : memref<80x128xf32, #tpu.memory_space<vmem>>, vector<1x16xf32>,
        %get3A_177 = vector.shape_cast %get3A_176 : vector<1x16xf32> to vector<16xf32>
        %mul3A_178 = arith.mulf %get3A_173, %get3A_177 : vector<16xf32>
        %swap3A = arith.index_cast %scan3A_170 : i32 to index
        %swap3A_179 = arith.constant 0 : index
        %swap3A_180 = tpu.vector_load %arg13[%swap3A, %swap3A_179] {strides = array<i32>} : memref<80x128xf32, #tpu.memory_space<vmem>>, vector<1x16xf32>,
        %swap3A_181 = vector.shape_cast %swap3A_180 : vector<1x16xf32> to vector<16xf32>
        %swap3A_182 = vector.shape_cast %mul3A_178 : vector<16xf32> to vector<1x16xf32>
        tpu.vector_store %arg13[%swap3A, %swap3A_179], %swap3A_182 {strides = array<i32>} : memref<80x128xf32, #tpu.memory_space<vmem>>, vector<1x16xf32>,
        %get3A_183 = arith.index_cast %scan3A_170 : i32 to index
        %get3A_184 = arith.constant 16 : index
        %get3A_185 = tpu.vector_load %arg10[%get3A_183, %get3A_184] {strides = array<i32>} : memref<80x128xf32, #tpu.memory_space<vmem>>, vector<1x16xf32>,
        %get3A_186 = vector.shape_cast %get3A_185 : vector<1x16xf32> to vector<16xf32>
        %get3A_187 = arith.index_cast %scan3A_170 : i32 to index
        %get3A_188 = arith.constant 16 : index
        %get3A_189 = tpu.vector_load %arg11[%get3A_187, %get3A_188] {strides = array<i32>} : memref<80x128xf32, #tpu.memory_space<vmem>>, vector<1x16xf32>,
        %get3A_190 = vector.shape_cast %get3A_189 : vector<1x16xf32> to vector<16xf32>
        %mul3A_191 = arith.mulf %get3A_186, %get3A_190 : vector<16xf32>
        %swap3A_192 = arith.index_cast %scan3A_170 : i32 to index
        %swap3A_193 = arith.constant 16 : index
        %swap3A_194 = tpu.vector_load %arg13[%swap3A_192, %swap3A_193] {strides = array<i32>} : memref<80x128xf32, #tpu.memory_space<vmem>>, vector<1x16xf32>,
        %swap3A_195 = vector.shape_cast %swap3A_194 : vector<1x16xf32> to vector<16xf32>
        %swap3A_196 = vector.shape_cast %mul3A_191 : vector<16xf32> to vector<1x16xf32>
        tpu.vector_store %arg13[%swap3A_192, %swap3A_193], %swap3A_196 {strides = array<i32>} : memref<80x128xf32, #tpu.memory_space<vmem>>, vector<1x16xf32>,
        %get3A_197 = arith.index_cast %scan3A_170 : i32 to index
        %get3A_198 = arith.constant 32 : index
        %get3A_199 = tpu.vector_load %arg10[%get3A_197, %get3A_198] {strides = array<i32>} : memref<80x128xf32, #tpu.memory_space<vmem>>, vector<1x16xf32>,
        %get3A_200 = vector.shape_cast %get3A_199 : vector<1x16xf32> to vector<16xf32>
        %get3A_201 = arith.index_cast %scan3A_170 : i32 to index
        %get3A_202 = arith.constant 32 : index
        %get3A_203 = tpu.vector_load %arg11[%get3A_201, %get3A_202] {strides = array<i32>} : memref<80x128xf32, #tpu.memory_space<vmem>>, vector<1x16xf32>,
        %get3A_204 = vector.shape_cast %get3A_203 : vector<1x16xf32> to vector<16xf32>
        %mul3A_205 = arith.mulf %get3A_200, %get3A_204 : vector<16xf32>
        %swap3A_206 = arith.index_cast %scan3A_170 : i32 to index
        %swap3A_207 = arith.constant 32 : index
        %swap3A_208 = tpu.vector_load %arg13[%swap3A_206, %swap3A_207] {strides = array<i32>} : memref<80x128xf32, #tpu.memory_space<vmem>>, vector<1x16xf32>,
        %swap3A_209 = vector.shape_cast %swap3A_208 : vector<1x16xf32> to vector<16xf32>
        %swap3A_210 = vector.shape_cast %mul3A_205 : vector<16xf32> to vector<1x16xf32>
        tpu.vector_store %arg13[%swap3A_206, %swap3A_207], %swap3A_210 {strides = array<i32>} : memref<80x128xf32, #tpu.memory_space<vmem>>, vector<1x16xf32>,
        %get3A_211 = arith.index_cast %scan3A_170 : i32 to index
        %get3A_212 = arith.constant 48 : index
        %get3A_213 = tpu.vector_load %arg10[%get3A_211, %get3A_212] {strides = array<i32>} : memref<80x128xf32, #tpu.memory_space<vmem>>, vector<1x16xf32>,
        %get3A_214 = vector.shape_cast %get3A_213 : vector<1x16xf32> to vector<16xf32>
        %get3A_215 = arith.index_cast %scan3A_170 : i32 to index
        %get3A_216 = arith.constant 48 : index
        %get3A_217 = tpu.vector_load %arg11[%get3A_215, %get3A_216] {strides = array<i32>} : memref<80x128xf32, #tpu.memory_space<vmem>>, vector<1x16xf32>,
        %get3A_218 = vector.shape_cast %get3A_217 : vector<1x16xf32> to vector<16xf32>
        %mul3A_219 = arith.mulf %get3A_214, %get3A_218 : vector<16xf32>
        %swap3A_220 = arith.index_cast %scan3A_170 : i32 to index
        %swap3A_221 = arith.constant 48 : index
        %swap3A_222 = tpu.vector_load %arg13[%swap3A_220, %swap3A_221] {strides = array<i32>} : memref<80x128xf32, #tpu.memory_space<vmem>>, vector<1x16xf32>,
        %swap3A_223 = vector.shape_cast %swap3A_222 : vector<1x16xf32> to vector<16xf32>
        %swap3A_224 = vector.shape_cast %mul3A_219 : vector<16xf32> to vector<1x16xf32>
        tpu.vector_store %arg13[%swap3A_220, %swap3A_221], %swap3A_224 {strides = array<i32>} : memref<80x128xf32, #tpu.memory_space<vmem>>, vector<1x16xf32>,
        %get3A_225 = arith.index_cast %scan3A_170 : i32 to index
        %get3A_226 = arith.constant 64 : index
        %get3A_227 = tpu.vector_load %arg10[%get3A_225, %get3A_226] {strides = array<i32>} : memref<80x128xf32, #tpu.memory_space<vmem>>, vector<1x16xf32>,
        %get3A_228 = vector.shape_cast %get3A_227 : vector<1x16xf32> to vector<16xf32>
        %get3A_229 = arith.index_cast %scan3A_170 : i32 to index
        %get3A_230 = arith.constant 64 : index
        %get3A_231 = tpu.vector_load %arg11[%get3A_229, %get3A_230] {strides = array<i32>} : memref<80x128xf32, #tpu.memory_space<vmem>>, vector<1x16xf32>,
        %get3A_232 = vector.shape_cast %get3A_231 : vector<1x16xf32> to vector<16xf32>
        %mul3A_233 = arith.mulf %get3A_228, %get3A_232 : vector<16xf32>
        %swap3A_234 = arith.index_cast %scan3A_170 : i32 to index
        %swap3A_235 = arith.constant 64 : index
        %swap3A_236 = tpu.vector_load %arg13[%swap3A_234, %swap3A_235] {strides = array<i32>} : memref<80x128xf32, #tpu.memory_space<vmem>>, vector<1x16xf32>,
        %swap3A_237 = vector.shape_cast %swap3A_236 : vector<1x16xf32> to vector<16xf32>
        %swap3A_238 = vector.shape_cast %mul3A_233 : vector<16xf32> to vector<1x16xf32>
        tpu.vector_store %arg13[%swap3A_234, %swap3A_235], %swap3A_238 {strides = array<i32>} : memref<80x128xf32, #tpu.memory_space<vmem>>, vector<1x16xf32>,
        %get3A_239 = arith.index_cast %scan3A_170 : i32 to index
        %get3A_240 = arith.constant 80 : index
        %get3A_241 = tpu.vector_load %arg10[%get3A_239, %get3A_240] {strides = array<i32>} : memref<80x128xf32, #tpu.memory_space<vmem>>, vector<1x16xf32>,
        %get3A_242 = vector.shape_cast %get3A_241 : vector<1x16xf32> to vector<16xf32>
        %get3A_243 = arith.index_cast %scan3A_170 : i32 to index
        %get3A_244 = arith.constant 80 : index
        %get3A_245 = tpu.vector_load %arg11[%get3A_243, %get3A_244] {strides = array<i32>} : memref<80x128xf32, #tpu.memory_space<vmem>>, vector<1x16xf32>,
        %get3A_246 = vector.shape_cast %get3A_245 : vector<1x16xf32> to vector<16xf32>
        %mul3A_247 = arith.mulf %get3A_242, %get3A_246 : vector<16xf32>
        %swap3A_248 = arith.index_cast %scan3A_170 : i32 to index
        %swap3A_249 = arith.constant 80 : index
        %swap3A_250 = tpu.vector_load %arg13[%swap3A_248, %swap3A_249] {strides = array<i32>} : memref<80x128xf32, #tpu.memory_space<vmem>>, vector<1x16xf32>,
        %swap3A_251 = vector.shape_cast %swap3A_250 : vector<1x16xf32> to vector<16xf32>
        %swap3A_252 = vector.shape_cast %mul3A_247 : vector<16xf32> to vector<1x16xf32>
        tpu.vector_store %arg13[%swap3A_248, %swap3A_249], %swap3A_252 {strides = array<i32>} : memref<80x128xf32, #tpu.memory_space<vmem>>, vector<1x16xf32>,
        %get3A_253 = arith.index_cast %scan3A_170 : i32 to index
        %get3A_254 = arith.constant 96 : index
        %get3A_255 = tpu.vector_load %arg10[%get3A_253, %get3A_254] {strides = array<i32>} : memref<80x128xf32, #tpu.memory_space<vmem>>, vector<1x16xf32>,
        %get3A_256 = vector.shape_cast %get3A_255 : vector<1x16xf32> to vector<16xf32>
        %get3A_257 = arith.index_cast %scan3A_170 : i32 to index
        %get3A_258 = arith.constant 96 : index
        %get3A_259 = tpu.vector_load %arg11[%get3A_257, %get3A_258] {strides = array<i32>} : memref<80x128xf32, #tpu.memory_space<vmem>>, vector<1x16xf32>,
        %get3A_260 = vector.shape_cast %get3A_259 : vector<1x16xf32> to vector<16xf32>
        %mul3A_261 = arith.mulf %get3A_256, %get3A_260 : vector<16xf32>
        %swap3A_262 = arith.index_cast %scan3A_170 : i32 to index
        %swap3A_263 = arith.constant 96 : index
        %swap3A_264 = tpu.vector_load %arg13[%swap3A_262, %swap3A_263] {strides = array<i32>} : memref<80x128xf32, #tpu.memory_space<vmem>>, vector<1x16xf32>,
        %swap3A_265 = vector.shape_cast %swap3A_264 : vector<1x16xf32> to vector<16xf32>
        %swap3A_266 = vector.shape_cast %mul3A_261 : vector<16xf32> to vector<1x16xf32>
        tpu.vector_store %arg13[%swap3A_262, %swap3A_263], %swap3A_266 {strides = array<i32>} : memref<80x128xf32, #tpu.memory_space<vmem>>, vector<1x16xf32>,
        %get3A_267 = arith.index_cast %scan3A_170 : i32 to index
        %get3A_268 = arith.constant 112 : index
        %get3A_269 = tpu.vector_load %arg10[%get3A_267, %get3A_268] {strides = array<i32>} : memref<80x128xf32, #tpu.memory_space<vmem>>, vector<1x16xf32>,
        %get3A_270 = vector.shape_cast %get3A_269 : vector<1x16xf32> to vector<16xf32>
        %get3A_271 = arith.index_cast %scan3A_170 : i32 to index
        %get3A_272 = arith.constant 112 : index
        %get3A_273 = tpu.vector_load %arg11[%get3A_271, %get3A_272] {strides = array<i32>} : memref<80x128xf32, #tpu.memory_space<vmem>>, vector<1x16xf32>,
        %get3A_274 = vector.shape_cast %get3A_273 : vector<1x16xf32> to vector<16xf32>
        %mul3A_275 = arith.mulf %get3A_270, %get3A_274 : vector<16xf32>
        %swap3A_276 = arith.index_cast %scan3A_170 : i32 to index
        %swap3A_277 = arith.constant 112 : index
        %swap3A_278 = tpu.vector_load %arg13[%swap3A_276, %swap3A_277] {strides = array<i32>} : memref<80x128xf32, #tpu.memory_space<vmem>>, vector<1x16xf32>,
        %swap3A_279 = vector.shape_cast %swap3A_278 : vector<1x16xf32> to vector<16xf32>
        %swap3A_280 = vector.shape_cast %mul3A_275 : vector<16xf32> to vector<1x16xf32>
        tpu.vector_store %arg13[%swap3A_276, %swap3A_277], %swap3A_280 {strides = array<i32>} : memref<80x128xf32, #tpu.memory_space<vmem>>, vector<1x16xf32>,
      }
      %scan3A_155 = arith.constant 80 : i32
      %mul3A_156 = arith.constant 2 : i32
      %mul3A_157 = arith.muli %mul3A_156, %scan3A_64 : i32
      %add3A_158 = arith.constant 1 : i32
      %add3A_159 = arith.addi %mul3A_157, %add3A_158 : i32
      %mul3A_160 = arith.constant 6000 : i32
      %mul3A_161 = arith.muli %add3A, %mul3A_160 : i32
      %mul3A_162 = arith.constant 80 : i32
      %mul3A_163 = arith.muli %add3A_159, %mul3A_162 : i32
      %add3A_164 = arith.addi %mul3A_161, %mul3A_163 : i32
      %multiple_of3A_165 = tpu.assume_multiple %add3A_164, 8 : i32
      %dma_start3A_166 = arith.constant 0 : i32
      %dma_start3A_167 = tpu.memref_slice %arg5[%multiple_of3A_165, %dma_start3A_166] : memref<192000x128xf32, #tpu.memory_space<hbm>> -> memref<80x128xf32, #tpu.memory_space<hbm>>
      %dma_start3A_168 = arith.constant 0 : i32
      %dma_start3A_169 = tpu.memref_slice %arg5[%multiple_of3A_165, %dma_start3A_168] : memref<192000x128xf32, #tpu.memory_space<hbm>> -> memref<80x128xf32, #tpu.memory_space<hbm>>
      tpu.enqueue_dma source(%arg13 : memref<80x128xf32, #tpu.memory_space<vmem>>) target(%dma_start3A_169 : memref<80x128xf32, #tpu.memory_space<hbm>>) target_semaphore(%arg17 : memref<!tpu.dma_semaphore, #tpu.memory_space<semaphore_mem>>)
    }
    %scan3A_18 = arith.constant 37 : i32
    %dma_wait3A = arith.constant 0 : i32
    %dma_wait3A_19 = arith.constant 0 : i32
    %dma_wait3A_20 = tpu.memref_slice %arg5[%dma_wait3A, %dma_wait3A_19] : memref<192000x128xf32, #tpu.memory_space<hbm>> -> memref<80x128xf32, #tpu.memory_space<hbm>>
    %dma_wait3A_21 = arith.constant 0 : i32
    %dma_wait3A_22 = arith.constant 0 : i32
    %dma_wait3A_23 = tpu.memref_slice %arg5[%dma_wait3A_21, %dma_wait3A_22] : memref<192000x128xf32, #tpu.memory_space<hbm>> -> memref<80x128xf32, #tpu.memory_space<hbm>>
    tpu.wait_dma2 semaphore(%arg17 : memref<!tpu.dma_semaphore, #tpu.memory_space<semaphore_mem>>) src(%arg13 : memref<80x128xf32, #tpu.memory_space<vmem>>) dst(%dma_wait3A_23 : memref<80x128xf32, #tpu.memory_space<hbm>>)
    %dma_wait3A_24 = arith.constant 0 : i32
    %dma_wait3A_25 = arith.constant 0 : i32
    %dma_wait3A_26 = tpu.memref_slice %arg5[%dma_wait3A_24, %dma_wait3A_25] : memref<192000x128xf32, #tpu.memory_space<hbm>> -> memref<80x128xf32, #tpu.memory_space<hbm>>
    %dma_wait3A_27 = arith.constant 0 : i32
    %dma_wait3A_28 = arith.constant 0 : i32
    %dma_wait3A_29 = tpu.memref_slice %arg5[%dma_wait3A_27, %dma_wait3A_28] : memref<192000x128xf32, #tpu.memory_space<hbm>> -> memref<80x128xf32, #tpu.memory_space<hbm>>
    tpu.wait_dma2 semaphore(%arg16 : memref<!tpu.dma_semaphore, #tpu.memory_space<semaphore_mem>>) src(%arg12 : memref<80x128xf32, #tpu.memory_space<vmem>>) dst(%dma_wait3A_29 : memref<80x128xf32, #tpu.memory_space<hbm>>)
    %dma_wait3A_30 = arith.constant 0 : i32
    %dma_wait3A_31 = arith.constant 0 : i32
    %dma_wait3A_32 = tpu.memref_slice %arg6[%dma_wait3A_30, %dma_wait3A_31] : memref<75x80xi32, #tpu.memory_space<vmem>> -> memref<1x80xi32, #tpu.memory_space<vmem>>
    %dma_wait3A_33 = tpu.memref_squeeze %dma_wait3A_32 : memref<1x80xi32, #tpu.memory_space<vmem>> -> memref<80xi32, #tpu.memory_space<vmem>>
    %dma_wait3A_34 = arith.constant 0 : i32
    %dma_wait3A_35 = arith.constant 0 : i32
    %dma_wait3A_36 = tpu.memref_slice %arg2[%dma_wait3A_34, %dma_wait3A_35] : memref<10000x128xf32, #tpu.memory_space<hbm>> -> memref<10000x128xf32, #tpu.memory_space<hbm>>
    tpu.wait_indirect_dma semaphore(%arg14 : memref<!tpu.dma_semaphore, #tpu.memory_space<semaphore_mem>>) src(%dma_wait3A_36 : memref<10000x128xf32, #tpu.memory_space<hbm>>) dst(%arg8 : memref<80x128xf32, #tpu.memory_space<vmem>>)
    %dma_wait3A_37 = arith.constant 0 : i32
    %dma_wait3A_38 = arith.constant 0 : i32
    %dma_wait3A_39 = tpu.memref_slice %arg7[%dma_wait3A_37, %dma_wait3A_38] : memref<75x80xi32, #tpu.memory_space<vmem>> -> memref<1x80xi32, #tpu.memory_space<vmem>>
    %dma_wait3A_40 = tpu.memref_squeeze %dma_wait3A_39 : memref<1x80xi32, #tpu.memory_space<vmem>> -> memref<80xi32, #tpu.memory_space<vmem>>
    %dma_wait3A_41 = arith.constant 0 : i32
    %dma_wait3A_42 = arith.constant 0 : i32
    %dma_wait3A_43 = tpu.memref_slice %arg2[%dma_wait3A_41, %dma_wait3A_42] : memref<10000x128xf32, #tpu.memory_space<hbm>> -> memref<10000x128xf32, #tpu.memory_space<hbm>>
    tpu.wait_indirect_dma semaphore(%arg14 : memref<!tpu.dma_semaphore, #tpu.memory_space<semaphore_mem>>) src(%dma_wait3A_43 : memref<10000x128xf32, #tpu.memory_space<hbm>>) dst(%arg9 : memref<80x128xf32, #tpu.memory_space<vmem>>)
    %scan3A_44 = arith.constant 0 : i32
    %scan3A_45 = arith.constant 0 : i32
    %scan3A_46 = arith.constant 80 : i32
    %scan3A_47 = arith.addi %scan3A_45, %scan3A_46 : i32
    %scan3A_48 = arith.constant 1 : i32
    scf.for %scan3A_64 = %scan3A_45 to %scan3A_47 step %scan3A_48  : i32 {
      %get3A = arith.index_cast %scan3A_64 : i32 to index
      %get3A_65 = arith.constant 0 : index
      %get3A_66 = tpu.vector_load %arg8[%get3A, %get3A_65] {strides = array<i32>} : memref<80x128xf32, #tpu.memory_space<vmem>>, vector<1x16xf32>,
      %get3A_67 = vector.shape_cast %get3A_66 : vector<1x16xf32> to vector<16xf32>
      %get3A_68 = arith.index_cast %scan3A_64 : i32 to index
      %get3A_69 = arith.constant 0 : index
      %get3A_70 = tpu.vector_load %arg9[%get3A_68, %get3A_69] {strides = array<i32>} : memref<80x128xf32, #tpu.memory_space<vmem>>, vector<1x16xf32>,
      %get3A_71 = vector.shape_cast %get3A_70 : vector<1x16xf32> to vector<16xf32>
      %mul3A_72 = arith.mulf %get3A_67, %get3A_71 : vector<16xf32>
      %swap3A = arith.index_cast %scan3A_64 : i32 to index
      %swap3A_73 = arith.constant 0 : index
      %swap3A_74 = tpu.vector_load %arg12[%swap3A, %swap3A_73] {strides = array<i32>} : memref<80x128xf32, #tpu.memory_space<vmem>>, vector<1x16xf32>,
      %swap3A_75 = vector.shape_cast %swap3A_74 : vector<1x16xf32> to vector<16xf32>
      %swap3A_76 = vector.shape_cast %mul3A_72 : vector<16xf32> to vector<1x16xf32>
      tpu.vector_store %arg12[%swap3A, %swap3A_73], %swap3A_76 {strides = array<i32>} : memref<80x128xf32, #tpu.memory_space<vmem>>, vector<1x16xf32>,
      %get3A_77 = arith.index_cast %scan3A_64 : i32 to index
      %get3A_78 = arith.constant 16 : index
      %get3A_79 = tpu.vector_load %arg8[%get3A_77, %get3A_78] {strides = array<i32>} : memref<80x128xf32, #tpu.memory_space<vmem>>, vector<1x16xf32>,
      %get3A_80 = vector.shape_cast %get3A_79 : vector<1x16xf32> to vector<16xf32>
      %get3A_81 = arith.index_cast %scan3A_64 : i32 to index
      %get3A_82 = arith.constant 16 : index
      %get3A_83 = tpu.vector_load %arg9[%get3A_81, %get3A_82] {strides = array<i32>} : memref<80x128xf32, #tpu.memory_space<vmem>>, vector<1x16xf32>,
      %get3A_84 = vector.shape_cast %get3A_83 : vector<1x16xf32> to vector<16xf32>
      %mul3A_85 = arith.mulf %get3A_80, %get3A_84 : vector<16xf32>
      %swap3A_86 = arith.index_cast %scan3A_64 : i32 to index
      %swap3A_87 = arith.constant 16 : index
      %swap3A_88 = tpu.vector_load %arg12[%swap3A_86, %swap3A_87] {strides = array<i32>} : memref<80x128xf32, #tpu.memory_space<vmem>>, vector<1x16xf32>,
      %swap3A_89 = vector.shape_cast %swap3A_88 : vector<1x16xf32> to vector<16xf32>
      %swap3A_90 = vector.shape_cast %mul3A_85 : vector<16xf32> to vector<1x16xf32>
      tpu.vector_store %arg12[%swap3A_86, %swap3A_87], %swap3A_90 {strides = array<i32>} : memref<80x128xf32, #tpu.memory_space<vmem>>, vector<1x16xf32>,
      %get3A_91 = arith.index_cast %scan3A_64 : i32 to index
      %get3A_92 = arith.constant 32 : index
      %get3A_93 = tpu.vector_load %arg8[%get3A_91, %get3A_92] {strides = array<i32>} : memref<80x128xf32, #tpu.memory_space<vmem>>, vector<1x16xf32>,
      %get3A_94 = vector.shape_cast %get3A_93 : vector<1x16xf32> to vector<16xf32>
      %get3A_95 = arith.index_cast %scan3A_64 : i32 to index
      %get3A_96 = arith.constant 32 : index
      %get3A_97 = tpu.vector_load %arg9[%get3A_95, %get3A_96] {strides = array<i32>} : memref<80x128xf32, #tpu.memory_space<vmem>>, vector<1x16xf32>,
      %get3A_98 = vector.shape_cast %get3A_97 : vector<1x16xf32> to vector<16xf32>
      %mul3A_99 = arith.mulf %get3A_94, %get3A_98 : vector<16xf32>
      %swap3A_100 = arith.index_cast %scan3A_64 : i32 to index
      %swap3A_101 = arith.constant 32 : index
      %swap3A_102 = tpu.vector_load %arg12[%swap3A_100, %swap3A_101] {strides = array<i32>} : memref<80x128xf32, #tpu.memory_space<vmem>>, vector<1x16xf32>,
      %swap3A_103 = vector.shape_cast %swap3A_102 : vector<1x16xf32> to vector<16xf32>
      %swap3A_104 = vector.shape_cast %mul3A_99 : vector<16xf32> to vector<1x16xf32>
      tpu.vector_store %arg12[%swap3A_100, %swap3A_101], %swap3A_104 {strides = array<i32>} : memref<80x128xf32, #tpu.memory_space<vmem>>, vector<1x16xf32>,
      %get3A_105 = arith.index_cast %scan3A_64 : i32 to index
      %get3A_106 = arith.constant 48 : index
      %get3A_107 = tpu.vector_load %arg8[%get3A_105, %get3A_106] {strides = array<i32>} : memref<80x128xf32, #tpu.memory_space<vmem>>, vector<1x16xf32>,
      %get3A_108 = vector.shape_cast %get3A_107 : vector<1x16xf32> to vector<16xf32>
      %get3A_109 = arith.index_cast %scan3A_64 : i32 to index
      %get3A_110 = arith.constant 48 : index
      %get3A_111 = tpu.vector_load %arg9[%get3A_109, %get3A_110] {strides = array<i32>} : memref<80x128xf32, #tpu.memory_space<vmem>>, vector<1x16xf32>,
      %get3A_112 = vector.shape_cast %get3A_111 : vector<1x16xf32> to vector<16xf32>
      %mul3A_113 = arith.mulf %get3A_108, %get3A_112 : vector<16xf32>
      %swap3A_114 = arith.index_cast %scan3A_64 : i32 to index
      %swap3A_115 = arith.constant 48 : index
      %swap3A_116 = tpu.vector_load %arg12[%swap3A_114, %swap3A_115] {strides = array<i32>} : memref<80x128xf32, #tpu.memory_space<vmem>>, vector<1x16xf32>,
      %swap3A_117 = vector.shape_cast %swap3A_116 : vector<1x16xf32> to vector<16xf32>
      %swap3A_118 = vector.shape_cast %mul3A_113 : vector<16xf32> to vector<1x16xf32>
      tpu.vector_store %arg12[%swap3A_114, %swap3A_115], %swap3A_118 {strides = array<i32>} : memref<80x128xf32, #tpu.memory_space<vmem>>, vector<1x16xf32>,
      %get3A_119 = arith.index_cast %scan3A_64 : i32 to index
      %get3A_120 = arith.constant 64 : index
      %get3A_121 = tpu.vector_load %arg8[%get3A_119, %get3A_120] {strides = array<i32>} : memref<80x128xf32, #tpu.memory_space<vmem>>, vector<1x16xf32>,
      %get3A_122 = vector.shape_cast %get3A_121 : vector<1x16xf32> to vector<16xf32>
      %get3A_123 = arith.index_cast %scan3A_64 : i32 to index
      %get3A_124 = arith.constant 64 : index
      %get3A_125 = tpu.vector_load %arg9[%get3A_123, %get3A_124] {strides = array<i32>} : memref<80x128xf32, #tpu.memory_space<vmem>>, vector<1x16xf32>,
      %get3A_126 = vector.shape_cast %get3A_125 : vector<1x16xf32> to vector<16xf32>
      %mul3A_127 = arith.mulf %get3A_122, %get3A_126 : vector<16xf32>
      %swap3A_128 = arith.index_cast %scan3A_64 : i32 to index
      %swap3A_129 = arith.constant 64 : index
      %swap3A_130 = tpu.vector_load %arg12[%swap3A_128, %swap3A_129] {strides = array<i32>} : memref<80x128xf32, #tpu.memory_space<vmem>>, vector<1x16xf32>,
      %swap3A_131 = vector.shape_cast %swap3A_130 : vector<1x16xf32> to vector<16xf32>
      %swap3A_132 = vector.shape_cast %mul3A_127 : vector<16xf32> to vector<1x16xf32>
      tpu.vector_store %arg12[%swap3A_128, %swap3A_129], %swap3A_132 {strides = array<i32>} : memref<80x128xf32, #tpu.memory_space<vmem>>, vector<1x16xf32>,
      %get3A_133 = arith.index_cast %scan3A_64 : i32 to index
      %get3A_134 = arith.constant 80 : index
      %get3A_135 = tpu.vector_load %arg8[%get3A_133, %get3A_134] {strides = array<i32>} : memref<80x128xf32, #tpu.memory_space<vmem>>, vector<1x16xf32>,
      %get3A_136 = vector.shape_cast %get3A_135 : vector<1x16xf32> to vector<16xf32>
      %get3A_137 = arith.index_cast %scan3A_64 : i32 to index
      %get3A_138 = arith.constant 80 : index
      %get3A_139 = tpu.vector_load %arg9[%get3A_137, %get3A_138] {strides = array<i32>} : memref<80x128xf32, #tpu.memory_space<vmem>>, vector<1x16xf32>,
      %get3A_140 = vector.shape_cast %get3A_139 : vector<1x16xf32> to vector<16xf32>
      %mul3A_141 = arith.mulf %get3A_136, %get3A_140 : vector<16xf32>
      %swap3A_142 = arith.index_cast %scan3A_64 : i32 to index
      %swap3A_143 = arith.constant 80 : index
      %swap3A_144 = tpu.vector_load %arg12[%swap3A_142, %swap3A_143] {strides = array<i32>} : memref<80x128xf32, #tpu.memory_space<vmem>>, vector<1x16xf32>,
      %swap3A_145 = vector.shape_cast %swap3A_144 : vector<1x16xf32> to vector<16xf32>
      %swap3A_146 = vector.shape_cast %mul3A_141 : vector<16xf32> to vector<1x16xf32>
      tpu.vector_store %arg12[%swap3A_142, %swap3A_143], %swap3A_146 {strides = array<i32>} : memref<80x128xf32, #tpu.memory_space<vmem>>, vector<1x16xf32>,
      %get3A_147 = arith.index_cast %scan3A_64 : i32 to index
      %get3A_148 = arith.constant 96 : index
      %get3A_149 = tpu.vector_load %arg8[%get3A_147, %get3A_148] {strides = array<i32>} : memref<80x128xf32, #tpu.memory_space<vmem>>, vector<1x16xf32>,
      %get3A_150 = vector.shape_cast %get3A_149 : vector<1x16xf32> to vector<16xf32>
      %get3A_151 = arith.index_cast %scan3A_64 : i32 to index
      %get3A_152 = arith.constant 96 : index
      %get3A_153 = tpu.vector_load %arg9[%get3A_151, %get3A_152] {strides = array<i32>} : memref<80x128xf32, #tpu.memory_space<vmem>>, vector<1x16xf32>,
      %get3A_154 = vector.shape_cast %get3A_153 : vector<1x16xf32> to vector<16xf32>
      %mul3A_155 = arith.mulf %get3A_150, %get3A_154 : vector<16xf32>
      %swap3A_156 = arith.index_cast %scan3A_64 : i32 to index
      %swap3A_157 = arith.constant 96 : index
      %swap3A_158 = tpu.vector_load %arg12[%swap3A_156, %swap3A_157] {strides = array<i32>} : memref<80x128xf32, #tpu.memory_space<vmem>>, vector<1x16xf32>,
      %swap3A_159 = vector.shape_cast %swap3A_158 : vector<1x16xf32> to vector<16xf32>
      %swap3A_160 = vector.shape_cast %mul3A_155 : vector<16xf32> to vector<1x16xf32>
      tpu.vector_store %arg12[%swap3A_156, %swap3A_157], %swap3A_160 {strides = array<i32>} : memref<80x128xf32, #tpu.memory_space<vmem>>, vector<1x16xf32>,
      %get3A_161 = arith.index_cast %scan3A_64 : i32 to index
      %get3A_162 = arith.constant 112 : index
      %get3A_163 = tpu.vector_load %arg8[%get3A_161, %get3A_162] {strides = array<i32>} : memref<80x128xf32, #tpu.memory_space<vmem>>, vector<1x16xf32>,
      %get3A_164 = vector.shape_cast %get3A_163 : vector<1x16xf32> to vector<16xf32>
      %get3A_165 = arith.index_cast %scan3A_64 : i32 to index
      %get3A_166 = arith.constant 112 : index
      %get3A_167 = tpu.vector_load %arg9[%get3A_165, %get3A_166] {strides = array<i32>} : memref<80x128xf32, #tpu.memory_space<vmem>>, vector<1x16xf32>,
      %get3A_168 = vector.shape_cast %get3A_167 : vector<1x16xf32> to vector<16xf32>
      %mul3A_169 = arith.mulf %get3A_164, %get3A_168 : vector<16xf32>
      %swap3A_170 = arith.index_cast %scan3A_64 : i32 to index
      %swap3A_171 = arith.constant 112 : index
      %swap3A_172 = tpu.vector_load %arg12[%swap3A_170, %swap3A_171] {strides = array<i32>} : memref<80x128xf32, #tpu.memory_space<vmem>>, vector<1x16xf32>,
      %swap3A_173 = vector.shape_cast %swap3A_172 : vector<1x16xf32> to vector<16xf32>
      %swap3A_174 = vector.shape_cast %mul3A_169 : vector<16xf32> to vector<1x16xf32>
      tpu.vector_store %arg12[%swap3A_170, %swap3A_171], %swap3A_174 {strides = array<i32>} : memref<80x128xf32, #tpu.memory_space<vmem>>, vector<1x16xf32>,
    }
    %scan3A_49 = arith.constant 80 : i32
    %mul3A_50 = arith.constant 6000 : i32
    %mul3A_51 = arith.muli %add3A, %mul3A_50 : i32
    %add3A_52 = arith.constant 5920 : i32
    %add3A_53 = arith.addi %mul3A_51, %add3A_52 : i32
    %multiple_of3A = tpu.assume_multiple %add3A_53, 8 : i32
    %dma_start3A_54 = arith.constant 0 : i32
    %dma_start3A_55 = tpu.memref_slice %arg5[%multiple_of3A, %dma_start3A_54] : memref<192000x128xf32, #tpu.memory_space<hbm>> -> memref<80x128xf32, #tpu.memory_space<hbm>>
    %dma_start3A_56 = arith.constant 0 : i32
    %dma_start3A_57 = tpu.memref_slice %arg5[%multiple_of3A, %dma_start3A_56] : memref<192000x128xf32, #tpu.memory_space<hbm>> -> memref<80x128xf32, #tpu.memory_space<hbm>>
    tpu.enqueue_dma source(%arg12 : memref<80x128xf32, #tpu.memory_space<vmem>>) target(%dma_start3A_57 : memref<80x128xf32, #tpu.memory_space<hbm>>) target_semaphore(%arg16 : memref<!tpu.dma_semaphore, #tpu.memory_space<semaphore_mem>>)
    %dma_wait3A_58 = arith.constant 0 : i32
    %dma_wait3A_59 = arith.constant 0 : i32
    %dma_wait3A_60 = tpu.memref_slice %arg5[%dma_wait3A_58, %dma_wait3A_59] : memref<192000x128xf32, #tpu.memory_space<hbm>> -> memref<80x128xf32, #tpu.memory_space<hbm>>
    %dma_wait3A_61 = arith.constant 0 : i32
    %dma_wait3A_62 = arith.constant 0 : i32
    %dma_wait3A_63 = tpu.memref_slice %arg5[%dma_wait3A_61, %dma_wait3A_62] : memref<192000x128xf32, #tpu.memory_space<hbm>> -> memref<80x128xf32, #tpu.memory_space<hbm>>
    tpu.wait_dma2 semaphore(%arg16 : memref<!tpu.dma_semaphore, #tpu.memory_space<semaphore_mem>>) src(%arg12 : memref<80x128xf32, #tpu.memory_space<vmem>>) dst(%dma_wait3A_63 : memref<80x128xf32, #tpu.memory_space<hbm>>)
    return
  }
}

module attributes {stable_mosaic.version = 14 : i64} {
  func.func @body(%arg0: i32, %arg1: memref<8000x128xf32, #tpu.memory_space<vmem>>, %arg2: memref<8000x16xf32, #tpu.memory_space<vmem>>, %arg3: memref<128x256xbf16, #tpu.memory_space<vmem>>, %arg4: memref<16x256xf32, #tpu.memory_space<vmem>>, %arg5: memref<256x128xbf16, #tpu.memory_space<vmem>>, %arg6: memref<8000x128xf32, #tpu.memory_space<vmem>>) attributes {dimension_semantics = [#tpu.dimension_semantics<arbitrary>], iteration_bounds = array<i64: 24>, scalar_prefetch = 0 : i64, scratch_operands = 0 : i64, tpu.core_type = #tpu.core_type<tc>, window_params = [{transform_indices = @transform_0, window_bounds = array<i64: 8000, 128>}, {transform_indices = @transform_1, window_bounds = array<i64: 8000, 16>}, {pipeline_mode = #tpu.pipeline_mode<synchronous>, transform_indices = @transform_2, window_bounds = array<i64: 128, 256>}, {pipeline_mode = #tpu.pipeline_mode<synchronous>, transform_indices = @transform_3, window_bounds = array<i64: 16, 256>}, {pipeline_mode = #tpu.pipeline_mode<synchronous>, transform_indices = @transform_4, window_bounds = array<i64: 256, 128>}, {transform_indices = @transform_5, window_bounds = array<i64: 8000, 128>}]} {
    %get3A = arith.constant 0 : index
    %get3A_0 = arith.constant 0 : index
    %get3A_1 = vector.load %arg1[%get3A, %get3A_0] : memref<8000x128xf32, #tpu.memory_space<vmem>>, vector<8000x128xf32>
    %convert_element_type3A = arith.truncf %get3A_1 : vector<8000x128xf32> to vector<8000x128xbf16>
    %get3A_2 = arith.constant 0 : index
    %get3A_3 = arith.constant 0 : index
    %get3A_4 = vector.load %arg3[%get3A_2, %get3A_3] : memref<128x256xbf16, #tpu.memory_space<vmem>>, vector<128x256xbf16>
    %dot_general3A = arith.constant dense<0.000000e+00> : vector<8000x256xf32>
    %dot_general3A_5 = tpu.matmul %convert_element_type3A, %get3A_4, %dot_general3A {dimension_numbers = #tpu.dot_dimension_numbers<[1], [0], [0], [1], [0, 0, 1, 1], [], []>, transpose_lhs_hint = false} : vector<8000x128xbf16>, vector<128x256xbf16>, vector<8000x256xf32> -> vector<8000x256xf32>
    %get3A_6 = arith.constant 0 : index
    %get3A_7 = arith.constant 0 : index
    %get3A_8 = vector.load %arg2[%get3A_6, %get3A_7] : memref<8000x16xf32, #tpu.memory_space<vmem>>, vector<8000x16xf32>
    %get3A_9 = arith.constant 0 : index
    %get3A_10 = arith.constant 0 : index
    %get3A_11 = vector.load %arg4[%get3A_9, %get3A_10] : memref<16x256xf32, #tpu.memory_space<vmem>>, vector<16x256xf32>
    %dot_general3A_12 = arith.constant dense<0.000000e+00> : vector<8000x256xf32>
    %dot_general3A_13 = tpu.matmul %get3A_8, %get3A_11, %dot_general3A_12 {dimension_numbers = #tpu.dot_dimension_numbers<[1], [0], [0], [1], [0, 0, 1, 1], [], []>, transpose_lhs_hint = false} : vector<8000x16xf32>, vector<16x256xf32>, vector<8000x256xf32> -> vector<8000x256xf32>
    %mul3A = arith.mulf %dot_general3A_5, %dot_general3A_13 : vector<8000x256xf32>
    %neg3A = arith.constant 0.000000e+00 : f32
    %neg3A_14 = vector.broadcast %neg3A : f32 to vector<8000x256xf32>
    %neg3A_15 = arith.subf %neg3A_14, %mul3A : vector<8000x256xf32>
    %exp3A = math.exp %neg3A_15 : vector<8000x256xf32>
    %add3A = arith.constant 1.000000e+00 : f32
    %add3A_16 = vector.broadcast %add3A : f32 to vector<8000x256xf32>
    %add3A_17 = arith.addf %add3A_16, %exp3A : vector<8000x256xf32>
    %div3A = arith.constant 1.000000e+00 : f32
    %div3A_18 = vector.broadcast %div3A : f32 to vector<8000x256xf32>
    %div3A_19 = arith.divf %div3A_18, %add3A_17 : vector<8000x256xf32>
    %mul3A_20 = arith.mulf %mul3A, %div3A_19 : vector<8000x256xf32>
    %convert_element_type3A_21 = arith.truncf %mul3A_20 : vector<8000x256xf32> to vector<8000x256xbf16>
    %get3A_22 = arith.constant 0 : index
    %get3A_23 = arith.constant 0 : index
    %get3A_24 = vector.load %arg5[%get3A_22, %get3A_23] : memref<256x128xbf16, #tpu.memory_space<vmem>>, vector<256x128xbf16>
    %dot_general3A_25 = arith.constant dense<0.000000e+00> : vector<8000x128xf32>
    %dot_general3A_26 = tpu.matmul %convert_element_type3A_21, %get3A_24, %dot_general3A_25 {dimension_numbers = #tpu.dot_dimension_numbers<[1], [0], [0], [1], [0, 0, 1, 1], [], []>, transpose_lhs_hint = false} : vector<8000x256xbf16>, vector<256x128xbf16>, vector<8000x128xf32> -> vector<8000x128xf32>
    %swap3A = arith.constant 0 : index
    %swap3A_27 = arith.constant 0 : index
    %swap3A_28 = vector.load %arg6[%swap3A, %swap3A_27] : memref<8000x128xf32, #tpu.memory_space<vmem>>, vector<8000x128xf32>
    tpu.vector_store %arg6[%swap3A, %swap3A_27], %dot_general3A_26 {strides = array<i32>} : memref<8000x128xf32, #tpu.memory_space<vmem>>, vector<8000x128xf32>,
    return
  }
  func.func @transform_0(%arg0: i32) -> (i32, i32) {
    %c0_i32 = arith.constant 0 : i32
    %c0_i32_0 = arith.constant 0 : i32
    return %arg0, %c0_i32 : i32, i32
  }
  func.func @transform_1(%arg0: i32) -> (i32, i32) {
    %add3A = arith.constant 16 : i32
    %add3A_0 = arith.addi %arg0, %add3A : i32
    %c0_i32 = arith.constant 0 : i32
    %c0_i32_1 = arith.constant 0 : i32
    return %add3A_0, %c0_i32 : i32, i32
  }
  func.func @transform_2(%arg0: i32) -> (i32, i32) {
    %c0_i32 = arith.constant 0 : i32
    %c0_i32_0 = arith.constant 0 : i32
    %c0_i32_1 = arith.constant 0 : i32
    return %c0_i32, %c0_i32_0 : i32, i32
  }
  func.func @transform_3(%arg0: i32) -> (i32, i32) {
    %c0_i32 = arith.constant 0 : i32
    %c0_i32_0 = arith.constant 0 : i32
    %c0_i32_1 = arith.constant 0 : i32
    return %c0_i32, %c0_i32_0 : i32, i32
  }
  func.func @transform_4(%arg0: i32) -> (i32, i32) {
    %c0_i32 = arith.constant 0 : i32
    %c0_i32_0 = arith.constant 0 : i32
    %c0_i32_1 = arith.constant 0 : i32
    return %c0_i32, %c0_i32_0 : i32, i32
  }
  func.func @transform_5(%arg0: i32) -> (i32, i32) {
    %c0_i32 = arith.constant 0 : i32
    %c0_i32_0 = arith.constant 0 : i32
    return %arg0, %c0_i32 : i32, i32
  }
}

module attributes {stable_mosaic.version = 14 : i64} {
  func.func @body(%arg0: i32, %arg1: memref<8000x128xf32, #tpu.memory_space<vmem>>, %arg2: memref<8000x16xf32, #tpu.memory_space<vmem>>, %arg3: memref<128x256xbf16, #tpu.memory_space<vmem>>, %arg4: memref<16x256xf32, #tpu.memory_space<vmem>>, %arg5: memref<256x128xbf16, #tpu.memory_space<vmem>>, %arg6: memref<8000x128xf32, #tpu.memory_space<vmem>>) attributes {dimension_semantics = [#tpu.dimension_semantics<arbitrary>], iteration_bounds = array<i64: 16>, scalar_prefetch = 0 : i64, scratch_operands = 0 : i64, tpu.core_type = #tpu.core_type<tc>, window_params = [{transform_indices = @transform_0, window_bounds = array<i64: 8000, 128>}, {transform_indices = @transform_1, window_bounds = array<i64: 8000, 16>}, {pipeline_mode = #tpu.pipeline_mode<synchronous>, transform_indices = @transform_2, window_bounds = array<i64: 128, 256>}, {pipeline_mode = #tpu.pipeline_mode<synchronous>, transform_indices = @transform_3, window_bounds = array<i64: 16, 256>}, {pipeline_mode = #tpu.pipeline_mode<synchronous>, transform_indices = @transform_4, window_bounds = array<i64: 256, 128>}, {transform_indices = @transform_5, window_bounds = array<i64: 8000, 128>}]} {
    %get3A = arith.constant 0 : index
    %get3A_0 = arith.constant 0 : index
    %get3A_1 = vector.load %arg1[%get3A, %get3A_0] : memref<8000x128xf32, #tpu.memory_space<vmem>>, vector<8000x128xf32>
    %convert_element_type3A = arith.truncf %get3A_1 : vector<8000x128xf32> to vector<8000x128xbf16>
    %get3A_2 = arith.constant 0 : index
    %get3A_3 = arith.constant 0 : index
    %get3A_4 = vector.load %arg3[%get3A_2, %get3A_3] : memref<128x256xbf16, #tpu.memory_space<vmem>>, vector<128x256xbf16>
    %dot_general3A = arith.constant dense<0.000000e+00> : vector<8000x256xf32>
    %dot_general3A_5 = tpu.matmul %convert_element_type3A, %get3A_4, %dot_general3A {dimension_numbers = #tpu.dot_dimension_numbers<[1], [0], [0], [1], [0, 0, 1, 1], [], []>, transpose_lhs_hint = false} : vector<8000x128xbf16>, vector<128x256xbf16>, vector<8000x256xf32> -> vector<8000x256xf32>
    %get3A_6 = arith.constant 0 : index
    %get3A_7 = arith.constant 0 : index
    %get3A_8 = vector.load %arg2[%get3A_6, %get3A_7] : memref<8000x16xf32, #tpu.memory_space<vmem>>, vector<8000x16xf32>
    %get3A_9 = arith.constant 0 : index
    %get3A_10 = arith.constant 0 : index
    %get3A_11 = vector.load %arg4[%get3A_9, %get3A_10] : memref<16x256xf32, #tpu.memory_space<vmem>>, vector<16x256xf32>
    %dot_general3A_12 = arith.constant dense<0.000000e+00> : vector<8000x256xf32>
    %dot_general3A_13 = tpu.matmul %get3A_8, %get3A_11, %dot_general3A_12 {dimension_numbers = #tpu.dot_dimension_numbers<[1], [0], [0], [1], [0, 0, 1, 1], [], []>, transpose_lhs_hint = false} : vector<8000x16xf32>, vector<16x256xf32>, vector<8000x256xf32> -> vector<8000x256xf32>
    %mul3A = arith.mulf %dot_general3A_5, %dot_general3A_13 : vector<8000x256xf32>
    %neg3A = arith.constant 0.000000e+00 : f32
    %neg3A_14 = vector.broadcast %neg3A : f32 to vector<8000x256xf32>
    %neg3A_15 = arith.subf %neg3A_14, %mul3A : vector<8000x256xf32>
    %exp3A = math.exp %neg3A_15 : vector<8000x256xf32>
    %add3A = arith.constant 1.000000e+00 : f32
    %add3A_16 = vector.broadcast %add3A : f32 to vector<8000x256xf32>
    %add3A_17 = arith.addf %add3A_16, %exp3A : vector<8000x256xf32>
    %div3A = arith.constant 1.000000e+00 : f32
    %div3A_18 = vector.broadcast %div3A : f32 to vector<8000x256xf32>
    %div3A_19 = arith.divf %div3A_18, %add3A_17 : vector<8000x256xf32>
    %mul3A_20 = arith.mulf %mul3A, %div3A_19 : vector<8000x256xf32>
    %convert_element_type3A_21 = arith.truncf %mul3A_20 : vector<8000x256xf32> to vector<8000x256xbf16>
    %get3A_22 = arith.constant 0 : index
    %get3A_23 = arith.constant 0 : index
    %get3A_24 = vector.load %arg5[%get3A_22, %get3A_23] : memref<256x128xbf16, #tpu.memory_space<vmem>>, vector<256x128xbf16>
    %dot_general3A_25 = arith.constant dense<0.000000e+00> : vector<8000x128xf32>
    %dot_general3A_26 = tpu.matmul %convert_element_type3A_21, %get3A_24, %dot_general3A_25 {dimension_numbers = #tpu.dot_dimension_numbers<[1], [0], [0], [1], [0, 0, 1, 1], [], []>, transpose_lhs_hint = false} : vector<8000x256xbf16>, vector<256x128xbf16>, vector<8000x128xf32> -> vector<8000x128xf32>
    %swap3A = arith.constant 0 : index
    %swap3A_27 = arith.constant 0 : index
    %swap3A_28 = vector.load %arg6[%swap3A, %swap3A_27] : memref<8000x128xf32, #tpu.memory_space<vmem>>, vector<8000x128xf32>
    tpu.vector_store %arg6[%swap3A, %swap3A_27], %dot_general3A_26 {strides = array<i32>} : memref<8000x128xf32, #tpu.memory_space<vmem>>, vector<8000x128xf32>,
    return
  }
  func.func @transform_0(%arg0: i32) -> (i32, i32) {
    %c0_i32 = arith.constant 0 : i32
    %c0_i32_0 = arith.constant 0 : i32
    return %arg0, %c0_i32 : i32, i32
  }
  func.func @transform_1(%arg0: i32) -> (i32, i32) {
    %add3A = arith.constant 0 : i32
    %add3A_0 = arith.addi %arg0, %add3A : i32
    %c0_i32 = arith.constant 0 : i32
    %c0_i32_1 = arith.constant 0 : i32
    return %add3A_0, %c0_i32 : i32, i32
  }
  func.func @transform_2(%arg0: i32) -> (i32, i32) {
    %c0_i32 = arith.constant 0 : i32
    %c0_i32_0 = arith.constant 0 : i32
    %c0_i32_1 = arith.constant 0 : i32
    return %c0_i32, %c0_i32_0 : i32, i32
  }
  func.func @transform_3(%arg0: i32) -> (i32, i32) {
    %c0_i32 = arith.constant 0 : i32
    %c0_i32_0 = arith.constant 0 : i32
    %c0_i32_1 = arith.constant 0 : i32
    return %c0_i32, %c0_i32_0 : i32, i32
  }
  func.func @transform_4(%arg0: i32) -> (i32, i32) {
    %c0_i32 = arith.constant 0 : i32
    %c0_i32_0 = arith.constant 0 : i32
    %c0_i32_1 = arith.constant 0 : i32
    return %c0_i32, %c0_i32_0 : i32, i32
  }
  func.func @transform_5(%arg0: i32) -> (i32, i32) {
    %c0_i32 = arith.constant 0 : i32
    %c0_i32_0 = arith.constant 0 : i32
    return %arg0, %c0_i32 : i32, i32
  }
}

module attributes {stable_mosaic.version = 14 : i64} {
  func.func @body(%arg0: i32, %arg1: memref<1000x128xf32, #tpu.memory_space<vmem>>, %arg2: memref<1000x128xf32, #tpu.memory_space<vmem>>, %arg3: memref<1000x128xf32, #tpu.memory_space<vmem>>, %arg4: memref<1000x128xf32, #tpu.memory_space<vmem>>, %arg5: memref<1000x128xf32, #tpu.memory_space<vmem>>, %arg6: memref<128x256xf32, #tpu.memory_space<vmem>>, %arg7: memref<128x256xf32, #tpu.memory_space<vmem>>, %arg8: memref<256x128xf32, #tpu.memory_space<vmem>>, %arg9: memref<1000x128xf32, #tpu.memory_space<vmem>>) attributes {dimension_semantics = [#tpu.dimension_semantics<arbitrary>], iteration_bounds = array<i64: 10>, scalar_prefetch = 0 : i64, scratch_operands = 0 : i64, tpu.core_type = #tpu.core_type<tc>, window_params = [{transform_indices = @transform_0, window_bounds = array<i64: 1000, 128>}, {transform_indices = @transform_1, window_bounds = array<i64: 1000, 128>}, {transform_indices = @transform_2, window_bounds = array<i64: 1000, 128>}, {transform_indices = @transform_3, window_bounds = array<i64: 1000, 128>}, {transform_indices = @transform_4, window_bounds = array<i64: 1000, 128>}, {pipeline_mode = #tpu.pipeline_mode<synchronous>, transform_indices = @transform_5, window_bounds = array<i64: 128, 256>}, {pipeline_mode = #tpu.pipeline_mode<synchronous>, transform_indices = @transform_6, window_bounds = array<i64: 128, 256>}, {pipeline_mode = #tpu.pipeline_mode<synchronous>, transform_indices = @transform_7, window_bounds = array<i64: 256, 128>}, {transform_indices = @transform_8, window_bounds = array<i64: 1000, 128>}]} {
    %get3A = arith.constant 0 : index
    %get3A_0 = arith.constant 0 : index
    %get3A_1 = vector.load %arg2[%get3A, %get3A_0] : memref<1000x128xf32, #tpu.memory_space<vmem>>, vector<1000x128xf32>
    %get3A_2 = arith.constant 0 : index
    %get3A_3 = arith.constant 0 : index
    %get3A_4 = vector.load %arg3[%get3A_2, %get3A_3] : memref<1000x128xf32, #tpu.memory_space<vmem>>, vector<1000x128xf32>
    %add3A = arith.addf %get3A_1, %get3A_4 : vector<1000x128xf32>
    %get3A_5 = arith.constant 0 : index
    %get3A_6 = arith.constant 0 : index
    %get3A_7 = vector.load %arg4[%get3A_5, %get3A_6] : memref<1000x128xf32, #tpu.memory_space<vmem>>, vector<1000x128xf32>
    %get3A_8 = arith.constant 0 : index
    %get3A_9 = arith.constant 0 : index
    %get3A_10 = vector.load %arg5[%get3A_8, %get3A_9] : memref<1000x128xf32, #tpu.memory_space<vmem>>, vector<1000x128xf32>
    %add3A_11 = arith.addf %get3A_7, %get3A_10 : vector<1000x128xf32>
    %add3A_12 = arith.addf %add3A, %add3A_11 : vector<1000x128xf32>
    %get3A_13 = arith.constant 0 : index
    %get3A_14 = arith.constant 0 : index
    %get3A_15 = vector.load %arg1[%get3A_13, %get3A_14] : memref<1000x128xf32, #tpu.memory_space<vmem>>, vector<1000x128xf32>
    %get3A_16 = arith.constant 0 : index
    %get3A_17 = arith.constant 0 : index
    %get3A_18 = vector.load %arg6[%get3A_16, %get3A_17] : memref<128x256xf32, #tpu.memory_space<vmem>>, vector<128x256xf32>
    %dot_general3A = arith.constant dense<0.000000e+00> : vector<1000x256xf32>
    %dot_general3A_19 = tpu.matmul %get3A_15, %get3A_18, %dot_general3A {dimension_numbers = #tpu.dot_dimension_numbers<[1], [0], [0], [1], [0, 0, 1, 1], [], []>, transpose_lhs_hint = false} : vector<1000x128xf32>, vector<128x256xf32>, vector<1000x256xf32> -> vector<1000x256xf32>
    %get3A_20 = arith.constant 0 : index
    %get3A_21 = arith.constant 0 : index
    %get3A_22 = vector.load %arg7[%get3A_20, %get3A_21] : memref<128x256xf32, #tpu.memory_space<vmem>>, vector<128x256xf32>
    %dot_general3A_23 = arith.constant dense<0.000000e+00> : vector<1000x256xf32>
    %dot_general3A_24 = tpu.matmul %add3A_12, %get3A_22, %dot_general3A_23 {dimension_numbers = #tpu.dot_dimension_numbers<[1], [0], [0], [1], [0, 0, 1, 1], [], []>, transpose_lhs_hint = false} : vector<1000x128xf32>, vector<128x256xf32>, vector<1000x256xf32> -> vector<1000x256xf32>
    %mul3A = arith.mulf %dot_general3A_19, %dot_general3A_24 : vector<1000x256xf32>
    %neg3A = arith.constant 0.000000e+00 : f32
    %neg3A_25 = vector.broadcast %neg3A : f32 to vector<1000x256xf32>
    %neg3A_26 = arith.subf %neg3A_25, %mul3A : vector<1000x256xf32>
    %exp3A = math.exp %neg3A_26 : vector<1000x256xf32>
    %add3A_27 = arith.constant 1.000000e+00 : f32
    %add3A_28 = vector.broadcast %add3A_27 : f32 to vector<1000x256xf32>
    %add3A_29 = arith.addf %add3A_28, %exp3A : vector<1000x256xf32>
    %div3A = arith.constant 1.000000e+00 : f32
    %div3A_30 = vector.broadcast %div3A : f32 to vector<1000x256xf32>
    %div3A_31 = arith.divf %div3A_30, %add3A_29 : vector<1000x256xf32>
    %mul3A_32 = arith.mulf %mul3A, %div3A_31 : vector<1000x256xf32>
    %get3A_33 = arith.constant 0 : index
    %get3A_34 = arith.constant 0 : index
    %get3A_35 = vector.load %arg8[%get3A_33, %get3A_34] : memref<256x128xf32, #tpu.memory_space<vmem>>, vector<256x128xf32>
    %dot_general3A_36 = arith.constant dense<0.000000e+00> : vector<1000x128xf32>
    %dot_general3A_37 = tpu.matmul %mul3A_32, %get3A_35, %dot_general3A_36 {dimension_numbers = #tpu.dot_dimension_numbers<[1], [0], [0], [1], [0, 0, 1, 1], [], []>, transpose_lhs_hint = false} : vector<1000x256xf32>, vector<256x128xf32>, vector<1000x128xf32> -> vector<1000x128xf32>
    %swap3A = arith.constant 0 : index
    %swap3A_38 = arith.constant 0 : index
    %swap3A_39 = vector.load %arg9[%swap3A, %swap3A_38] : memref<1000x128xf32, #tpu.memory_space<vmem>>, vector<1000x128xf32>
    tpu.vector_store %arg9[%swap3A, %swap3A_38], %dot_general3A_37 {strides = array<i32>} : memref<1000x128xf32, #tpu.memory_space<vmem>>, vector<1000x128xf32>,
    return
  }
  func.func @transform_0(%arg0: i32) -> (i32, i32) {
    %c0_i32 = arith.constant 0 : i32
    %c0_i32_0 = arith.constant 0 : i32
    return %arg0, %c0_i32 : i32, i32
  }
  func.func @transform_1(%arg0: i32) -> (i32, i32) {
    %c0_i32 = arith.constant 0 : i32
    %c0_i32_0 = arith.constant 0 : i32
    return %arg0, %c0_i32 : i32, i32
  }
  func.func @transform_2(%arg0: i32) -> (i32, i32) {
    %add3A = arith.constant 10 : i32
    %add3A_0 = arith.addi %arg0, %add3A : i32
    %c0_i32 = arith.constant 0 : i32
    %c0_i32_1 = arith.constant 0 : i32
    return %add3A_0, %c0_i32 : i32, i32
  }
  func.func @transform_3(%arg0: i32) -> (i32, i32) {
    %c0_i32 = arith.constant 0 : i32
    %c0_i32_0 = arith.constant 0 : i32
    return %arg0, %c0_i32 : i32, i32
  }
  func.func @transform_4(%arg0: i32) -> (i32, i32) {
    %add3A = arith.constant 10 : i32
    %add3A_0 = arith.addi %arg0, %add3A : i32
    %c0_i32 = arith.constant 0 : i32
    %c0_i32_1 = arith.constant 0 : i32
    return %add3A_0, %c0_i32 : i32, i32
  }
  func.func @transform_5(%arg0: i32) -> (i32, i32) {
    %c0_i32 = arith.constant 0 : i32
    %c0_i32_0 = arith.constant 0 : i32
    %c0_i32_1 = arith.constant 0 : i32
    return %c0_i32, %c0_i32_0 : i32, i32
  }
  func.func @transform_6(%arg0: i32) -> (i32, i32) {
    %c0_i32 = arith.constant 0 : i32
    %c0_i32_0 = arith.constant 0 : i32
    %c0_i32_1 = arith.constant 0 : i32
    return %c0_i32, %c0_i32_0 : i32, i32
  }
  func.func @transform_7(%arg0: i32) -> (i32, i32) {
    %c0_i32 = arith.constant 0 : i32
    %c0_i32_0 = arith.constant 0 : i32
    %c0_i32_1 = arith.constant 0 : i32
    return %c0_i32, %c0_i32_0 : i32, i32
  }
  func.func @transform_8(%arg0: i32) -> (i32, i32) {
    %c0_i32 = arith.constant 0 : i32
    %c0_i32_0 = arith.constant 0 : i32
    return %arg0, %c0_i32 : i32, i32
  }
}

</mosaic_0001>

<sc_bundles>
// kernel: kernel.12.cloned.1.call-start
scs
__scs_entry_jumppad:
0x0: {  	(pc) =	sbr.rel $0x88, $3  }
0x1: {  	(tag) =	ssettag $0x0;
	lr =	simm.s32 $0x1  }
0x2: {  	[smem:$0x3F98] =	sst lr;
	_ =	strace $0xD0000000  }
0x3: {  	_ = 	snop  }
0x4: {  	_ = 	snop  }
0x5: {  	_ = 	snop  }
0x6: {  	_ = 	snop  }
0x7: {  	_ = 	snop  }
__scs_overlays_trampoline_lowered:
0x8: {  	[smem:$0x3FA7] =	sst s0  }
0x9: {  	[smem:$0x3FA8] =	sst s1  }
0xa: {  	[smem:$0x3FA9] =	sst s2  }
0xb: {  	[smem:$0x3FAA] =	sst s3  }
0xc: {  	[smem:$0x3FAB] =	sst s4  }
0xd: {  	[smem:$0x3FAC] =	sst s5  }
0xe: {  	[smem:$0x3FAD] =	sst s6  }
0xf: {  	[smem:$0x3FAE] =	sst s7  }
0x10: {  	[smem:$0x3FAF] =	sst s8  }
0x11: {  	[smem:$0x3FB0] =	sst s9;
	s0 =	simm.s32 @!p0 $0x0  }
0x12: {  	s1 =	sld [smem:$0x3F96];
	s0 =	simm.s32 @p0 $0x1  }
0x13: {  	[smem:$0x3FB1] =	sst s0;
	s0 =	simm.s32 @!p1 $0x0  }
0x14: {  	s2 =	sld [smem:$0x3F95];
	s0 =	simm.s32 @p1 $0x1  }
0x15: {  	[smem:$0x3FB2] =	sst s0;
	s0 =	simm.s32 @!p2 $0x0  }
0x16: {  	s3 =	sld [smem:$0x3FDB];
	s0 =	simm.s32 @p2 $0x1  }
0x17: {  	s4 =	simm.s32 $0x1BF5;
	[smem:$0x3FB4] =	sst s0  }
0x18: {  	s0 =	sld [smem:$0x3F97];
	_ =	swait.ge [sflag:s4], $0x0  }
0x19: {  	s7 =	sld [smem:$0x3F98]  }
0x1a: {  	s8 =	sadd.s32 $0xFFFFE003, lr  }
0x1b: {  	s9 =	sadd.s32 $0xFFFFFEF7, lr;
	s5 =	simm.s32 $0xFFFFFFFF;
	p2 =	slt.u32 s8, $0xFFFFF086  }
0x1c: {  	p1 =	slt.u32 s9, $0xF7A;
	s5 =	simm.s32 @!p2 $0x0  }
0x1d: {  	s5 =	simm.s32 @p1 $0x1;
	p0 =	seq.s32 s7, s2  }
0x1e: {  	s7 =	smul.u32 @!p0 $0xF7A, s2;
	p2 =	seq.s32 @!p0 s5, $0x0  }
0x1f: {  	s9 =	smul.u32 $0xF7A, s1;
	s8 =	simm.s32 @!p0 $0x1BF5;
	p2 =	por !p2, p0  }
0x20: {  	[sflag:s8] =	ssyncset.s32 @!p0 $0xFFFFF086;
	s6 =	sadd.s32 @!p0 s3, s7;
	s7 =	simm.s32 @!p0 $0x108  }
0x21: {  	s3 =	sadd.s32 s3, s9;
	s6 =	sadd.s32 @!p0 $0x88, s6;
	s7 =	simm.s32 @p2 $0x1082  }
0x22: {  	[simem:s7], [sflag:s8] =	dma.local @!p0 [hbm:s6], $0xF7A  }
0x23: {  	s9 =	sor.u32 $0xD0000000, s2;
	s6 =	simm.s32 $0x108;
	_ =	swait.ge @!p0 [sflag:s8], $0x0  }
0x24: {  	s3 =	sadd.s32 $0x88, s3;
	s6 =	simm.s32 @!p1 $0x1082;
	[sflag:s4] =	ssyncset.s32 $0xFFFFF086  }
0x25: {  	[simem:s6], [sflag:s4] =	dma.local [hbm:s3], $0xF7A  }
0x26: {  	[smem:$0x3F98] =	sst s1;
	(tag) =	ssettag s2;
	_ =	strace s9  }
0x27: {  	s1 =	sld [smem:$0x3FA8]  }
0x28: {  	s2 =	sld [smem:$0x3FA9]  }
0x29: {  	s4 =	sld [smem:$0x3FAB]  }
0x2a: {  	p0 =	seq.s32 s5, $0x0;
	s5 =	sld [smem:$0x3FAC]  }
0x2b: {  	s6 =	sld [smem:$0x3FAD]  }
0x2c: {  	s7 =	sld [smem:$0x3FAE]  }
0x2d: {  	s3 =	simm.s32 $0x108;
	s8 =	sld [smem:$0x3FAF]  }
0x2e: {  	s3 =	simm.s32 @!p0 $0x1082;
	s9 =	sld [smem:$0x3FB0]  }
0x2f: {  	lr =	sadd.s32 s0, s3;
	s0 =	sld [smem:$0x3FA7]  }
0x30: {  	s3 =	sld [smem:$0x3FAA]  }
0x31: {  	[smem:$0x3FB3] =	sst s10  }
0x32: {  	s10 =	sld [smem:$0x3FB1];
	_ =	sdelay $0x3  }
0x33: {  	p0 =	seq.s32 s10, $0x1;
	s10 =	sld [smem:$0x3FB3];
	_ =	sdelay $0x3  }
0x34: {  	[smem:$0x3FB3] =	sst s10  }
0x35: {  	s10 =	sld [smem:$0x3FB2];
	_ =	sdelay $0x3  }
0x36: {  	p1 =	seq.s32 s10, $0x1;
	s10 =	sld [smem:$0x3FB3];
	_ =	sdelay $0x3  }
0x37: {  	[smem:$0x3FB3] =	sst s10  }
0x38: {  	s10 =	sld [smem:$0x3FB4]  }
0x39: {  	_ = 	snop;
	(pc) =	sbr.ind lr, $3  }
0x3a: {  	_ = 	snop  }
0x3b: {  	_ = 	snop  }
0x3c: {  	p2 =	seq.s32 s10, $0x1;
	s10 =	sld [smem:$0x3FB3]  }
0x3d: {  	_ =	shalt  }
0x3e: {  	_ =	shalt  }
0x3f: {  	_ =	shalt  }
0x40: {  	_ =	shalt  }
0x41: {  	_ =	shalt  }
0x42: {  	_ =	shalt  }
0x43: {  	_ =	shalt  }
0x44: {  	_ =	shalt  }
0x45: {  	_ =	shalt  }
0x46: {  	_ =	shalt  }
0x47: {  	_ =	shalt  }
0x48: {  	_ =	shalt  }
0x49: {  	_ =	shalt  }
0x4a: {  	_ =	shalt  }
0x4b: {  	_ =	shalt  }
0x4c: {  	_ =	shalt  }
0x4d: {  	_ =	shalt  }
0x4e: {  	_ =	shalt  }
0x4f: {  	_ =	shalt  }
0x50: {  	_ =	shalt  }
0x51: {  	_ =	shalt  }
0x52: {  	_ =	shalt  }
0x53: {  	_ =	shalt  }
0x54: {  	_ =	shalt  }
0x55: {  	_ =	shalt  }
0x56: {  	_ =	shalt  }
0x57: {  	_ =	shalt  }
0x58: {  	_ =	shalt  }
0x59: {  	_ =	shalt  }
0x5a: {  	_ =	shalt  }
0x5b: {  	_ =	shalt  }
0x5c: {  	_ =	shalt  }
0x5d: {  	_ =	shalt  }
0x5e: {  	_ =	shalt  }
0x5f: {  	_ =	shalt  }
0x60: {  	_ =	shalt  }
0x61: {  	_ =	shalt  }
0x62: {  	_ =	shalt  }
0x63: {  	_ =	shalt  }
0x64: {  	_ =	shalt  }
0x65: {  	_ =	shalt  }
0x66: {  	_ =	shalt  }
0x67: {  	_ =	shalt  }
0x68: {  	_ =	shalt  }
0x69: {  	_ =	shalt  }
0x6a: {  	_ =	shalt  }
0x6b: {  	_ =	shalt  }
0x6c: {  	_ =	shalt  }
0x6d: {  	_ =	shalt  }
0x6e: {  	_ =	shalt  }
0x6f: {  	_ =	shalt  }
0x70: {  	_ =	shalt  }
0x71: {  	_ =	shalt  }
0x72: {  	_ =	shalt  }
0x73: {  	_ =	shalt  }
0x74: {  	_ =	shalt  }
0x75: {  	_ =	shalt  }
0x76: {  	_ =	shalt  }
0x77: {  	_ =	shalt  }
0x78: {  	_ =	shalt  }
0x79: {  	_ =	shalt  }
0x7a: {  	_ =	shalt  }
0x7b: {  	_ =	shalt  }
0x7c: {  	_ =	shalt  }
0x7d: {  	_ =	shalt  }
0x7e: {  	_ =	shalt  }
0x7f: {  	_ =	shalt  }
0x80: {  	_ =	shalt  }
0x81: {  	_ =	shalt  }
0x82: {  	_ =	shalt  }
0x83: {  	_ =	shalt  }
0x84: {  	_ =	shalt  }
0x85: {  	_ =	shalt  }
0x86: {  	_ =	shalt  }
0x87: {  	_ =	shalt  }
.Lfunc_end0:
.L_simem_size_0:
called_computation.1_lowered:
.L_overlay_start_0:
0x88: {  	s2 =	sld [smem:$0x3FD9]  }
0x89: {  	s3 =	sld [smem:$0x3FFE];
	_ =	sdelay $0x1  }
0x8a: {  	s1 =	srdreg.scid  }
0x8b: {  	s0 =	sand.u32 $0x1, s1  }
0x8c: {  	s17 =	sshll.u32 s0, $0xA;
	s2 =	sadd.s32 s3, s2  }
0x8d: {  	s2 =	sadd.s32 s2, s17  }
0x8e: {  	[smem:$0x3FBF] =	sst s2  }
0x8f: {  	_ = 	snop  }
0x90: {  	s18 =	sld [smem:$0x3FD0];
	(tm) =	ssettm $0x1  }
0x91: {  	s19 =	sld [smem:$0x3FFB];
	_ =	sdelay $0x3  }
0x92: {  	_ =	strace s19  }
0x93: {  	s2 =	sld [smem:$0x3FFC];
	_ =	sdelay $0x3  }
0x94: {  	_ =	strace s2  }
0x95: {  	s2 =	sld [smem:$0x3FFD];
	_ =	sdelay $0x3  }
0x96: {  	_ =	strace s2  }
0x97: {  	_ =	strace $0x8FFFFFFF  }
0x98: {  	s20 =	sld [smem:$0x3FDB];
	_ =	sdelay $0x1  }
0x99: {  	s4 =	simm.s32 $_scs_section_size  }
0x9a: {  	s5 =	simm.s32 $_size__tile_overlayer_lowered;
	s6 =	simm.s32 $_tile_overlayer_lowered  }
0x9b: {  	s7 =	simm.s32 $0x1BFF;
	s21 =	sshll.u32 s6, $0x1;
	s4 =	sadd.s32 s4, s20  }
0x9c: {  	s22 =	simm.s32 $0x0;
	s5 =	sshll.u32 s5, $0x1;
	s6 =	sadd.s32 s21, s4  }
0x9d: {  	[timem:s22], [sflag:s7] =	dma.local [hbm:s6], s5  }
0x9e: {  	_ =	swait.ge [sflag:s7], s5  }
0x9f: {  	s5 =	ssub.s32 $0x0, s5;
	[sflag:s7] =	ssyncset.done $0x0  }
0xa0: {  	[sflag:s7] =	ssyncadd.s32 s5;
	_ =	sdelay $0x1  }
0xa1: {  	s23 =	simm.s32 $0x1B8B  }
0xa2: {  	_ =	swait.ge [sflag:s23], $0x1  }
0xa3: {  	[sflag:s23] =	ssyncset.done $0x0  }
0xa4: {  	[sflag:s23] =	ssyncadd.s32 $0xFFFFFFFF  }
0xa5: {  	s5 =	sld [smem:$0x0]  }
0xa6: {  	s6 =	sand.u32 $0xFFFFFFFE, s1  }
0xa7: {  	p0 =	sne.s32 s1, s6  }
0xa8: {  	s6 =	sshll.u32 @p0 s6, $0xE  }
0xa9: {  	s6 =	sadd.s32 @p0 $0x11B8D, s6;
	s7 =	sshll.u32 @p0 s5, $0x11  }
0xaa: {  	s6 =	sor.u32 @p0 s7, s6  }
0xab: {  	[sflag:s6] =	ssyncadd.remote.s32 @p0 $0x1;
	_ =	sdelay $0x1  }
0xac: {  	s6 =	simm.s32 @p0 $0x1B8D  }
0xad: {  	_ =	swait.eq @p0 [sflag:s6], $0x1  }
0xae: {  	[sflag:s6] =	ssyncadd.s32 @p0 $0xFFFFFFFF  }
0xaf: {  	s7 =	sshll.u32 @!p0 s1, $0xE  }
0xb0: {  	s7 =	sor.u32 @!p0 $0x4000, s7;
	s6 =	simm.s32 @!p0 $0x1B8D  }
0xb1: {  	s5 =	sshll.u32 @!p0 s5, $0x11;
	s7 =	sadd.s32 @!p0 $0x11B8D, s7;
	_ =	swait.eq @!p0 [sflag:s6], $0x1  }
0xb2: {  	s5 =	sor.u32 @!p0 s5, s7;
	[sflag:s6] =	ssyncadd.s32 @!p0 $0xFFFFFFFF  }
0xb3: {  	s25 =	simm.s32 $0x1B8E;
	s24 =	sld [smem:$0x3FFE];
	[sflag:s5] =	ssyncadd.remote.s32 @!p0 $0x1  }
0xb4: {  	s26 =	simm.s32 $execute0_lowered;
	[smem:$0x3FD2] =	sst s25  }
0xb5: {  	s6 =	sshll.u32 s26, $0x1;
	_ =	strace $0x8000004F;
	[dreg:$0x1] =	wrdreg $0xFFFFFFFF  }
0xb6: {  	s28 =	simm.s32 $_size_execute0_lowered;
	s4 =	sadd.s32 s4, s6;
	[dreg:$0x0] =	wrdreg $0x0  }
0xb7: {  	s6 =	sshll.u32 s28, $0x1;
	[dreg:$0x2] =	wrdreg s4  }
0xb8: {  	[dreg:$0x3] =	wrdreg s6  }
0xb9: {  	[dreg:$0x4] =	wrdreg $0xC0  }
0xba: {  	_ =	task [dreg:s22], $0x5FFFF  }
0xbb: {  	[dreg:$0x1] =	wrdreg $0xFFFFFFFF  }
0xbc: {  	[dreg:$0x0] =	wrdreg $0x60  }
0xbd: {  	[dreg:$0x2] =	wrdreg s24  }
0xbe: {  	[dreg:$0x3] =	wrdreg s18  }
0xbf: {  	[dreg:$0x4] =	wrdreg $0x6C000  }
0xc0: {  	[dreg:$0x5] =	wrdreg $0x9  }
0xc1: {  	_ =	task.clear_ibuf [dreg:s22], $0x6FFFF;
	_ =	strace $0x9000004F  }
0xc2: {  	s29 =	simm.s32 $0x9;
	_ =	strace $0x80000051  }
0xc3: {  	_ =	swait.ge [sflag:s29], $0x1  }
0xc4: {  	[sflag:s29] =	ssyncadd.s32 $0xFFFFFFFF  }
0xc5: {  	_ =	strace $0x90000051  }
0xc6: {  	_ =	sfence  }
0xc7: {  	s30 =	sld [smem:$0x0];
	_ =	sdelay $0x2  }
0xc8: {  	s31 =	sshll.u32 s1, $0xD;
	s1 =	sshrl.u32 s1, $0x2  }
0xc9: {  	s4 =	sand.u32 $0x4000, s31;
	s1 =	sadd.s32 s1, s30  }
0xca: {  	s0 =	sor.u32 s4, s0;
	s1 =	sshll.u32 s1, $0x11  }
0xcb: {  	s0 =	sor.u32 s1, s0  }
0xcc: {  	s0 =	sadd.s32 $0x8F2B, s0  }
0xcd: {  	[sflag:s0] =	ssyncadd.remote.s32 $0x1  }
0xce: {  	_ =	sfence.sel $0xFFFF  }
0xcf: {  	[dreg:$0x0] =	wrdreg $0xFFFFFFFF;
	(pc) =	sbr.abs _section_cstart, $3  }
0xd0: {  	[dreg:$0x1] =	wrdreg $0xFFFFFFFF  }
0xd1: {  	_ =	task.clear_ibuf [dreg:s22], $0x2FFFF;
	_ =	strace $0x9FFFFFFF  }
0xd2: {  	(tm) =	ssettm $0x7FFFFFFF  }
0xd3: {  	_ =	shalt  }
tec
execute0_lowered:
.L_overlay_start_1:
0x0: {  	(tag) =	ssettag $0x1  }
0x1: {  	s4 =	rddreg [dreg:$0x0]  }
0x2: {  	s5 =	rddreg [dreg:$0x1]  }
0x3: {  	s2 =	rddreg [dreg:$0x2]  }
0x4: {  	s0 =	rddreg [dreg:$0x3]  }
0x5: {  	s6 =	srdreg.scid;
	s3 =	simm.s32 $0x0;
	s1 =	stileid.u32  }
0x6: {  	s16 =	simm.s32 $0x4400;
	s17 =	simm.s32 $0x50;
	s18 =	simm.s32 $0x2  }
0x7: {  	s19 =	simm.s32 $0x1800;
	s20 =	simm.s32 $0x1880;
	s21 =	simm.s32 $0x0  }
0x8: {  	s6 =	sand.u32 $0x1, s6;
	[smem:$0x7FF] =	sst s3;
	s8 =	smul.u32 $0x278, s1  }
0x9: {  	p0 =	seq.s32 s1, $0xF;
	s11 =	sadd.s32 $0x5A400, s4;
	s15 =	smul.u32 $0xFA00, s1  }
0xa: {  	s29 =	sshll.u32 s1, $0x6;
	s7 =	sshll.u32 s6, $0x4;
	s9 =	smul.u32 $0x2710, s6  }
0xb: {  	_ =	strace $0x80000050;
	s12 =	ssub.s32 $0x2, s6;
	s30 =	smul.u32 $0xFA000, s6  }
0xc: {  	s7 =	sor.u32 s1, s7;
	s8 =	simm.s32 @p0 $0x2498;
	s26 =	sshrl.u32 s12, $0x1  }
0xd: {  	s10 =	smul.u32 $0x380, s7;
	s9 =	sadd.s32 s9, s8;
	s13 =	sshll.u32 s8, $0x7  }
0xe: {  	s12 =	ssub.s32 s12, s26;
	s14 =	smul.u32 $0xFA00, s7;
	s28 =	sshll.u32 s8, $0x4  }
0xf: {  	s7 =	smul.u32 $0x7D000, s7;
	s9 =	sshll.u32 s9, $0x4;
	s13 =	sadd.s32 s13, s2  }
0x10: {  	s10 =	sadd.s32 s10, s4;
	s9 =	sadd.s32 s9, s4;
	s4 =	sadd.s32 s5, s28  }
0x11: {  	s5 =	sor.u32 $0x1C03, s29;
	s31 =	sshrl.u32 s7, $0x3;
	s7 =	sadd.s32 s11, s14  }
0x12: {  	s14 =	simm.s32 $0x1C00;
	s6 =	sadd.s32 $0x2FA200, s10;
	s10 =	sadd.s32 s11, s31  }
0x13: {  	s11 =	sadd.s32 s30, s11;
	s9 =	sadd.s32 $0x24E400, s9;
	s8 =	sadd.s32 $0xF500, s10  }
0x14: {  	s11 =	sadd.s32 s15, s11;
	s10 =	smax.u32 s12, $0x1;
	s12 =	sshrl.u32 s13, $0x3  }
0x15: {  	s13 =	simm.s32 $0x3;
	s15 =	simm.s32 $0x1;
	s11 =	sadd.s32 $0xA00, s11  }
.LBB2_1:
0x16: {  	[spmem:s12], [sflag:s5] =	dma.local [hbm:s4], $0x2780  }
0x17: {  	_ =	swait.ge [sflag:s13], $0x2780  }
0x18: {  	[sflag:s13] =	ssyncset.done $0x0  }
0x19: {  	[sflag:s13] =	ssyncadd.s32 $0xFFFFD880  }
0x1a: {  	[bflag:$0x0] =	sbarrier.arrive $0xFFFF  }
0x1b: {  	[tilespmem:s3], [sflag:$0x3] =	stream.linear.gather [hbm4b:s6+s3], $0x1900, $0x38;
	[tilespmem:$0x1A480] =	vst v63  }
0x1c: {  	_ =	swait.ge [sflag:s13], $0x1900  }
0x1d: {  	[sflag:s13] =	ssyncset.done $0x0  }
0x1e: {  	[sflag:s13] =	ssyncadd.s32 $0xFFFFE700  }
0x1f: {  	[tilespmem:s14], [sflag:$0x1] =	stream.linear.gather [hbm4b:s7+s3], $0x2800, $0x38;
	[tilespmem:$0x1A480] =	vst v63  }
0x20: {  	_ =	swait.ge [sflag:s15], $0x2800  }
0x21: {  	[sflag:s15] =	ssyncset.done $0x0  }
0x22: {  	s22 =	sadd.s32 $0xFFFFFB00, s11;
	[sflag:s15] =	ssyncadd.s32 $0xFFFFD800  }
0x23: {  	[tilespmem:s16], [sflag:$0x2] =	stream.linear.gather [hbm4b:s22+s3], $0x2800, $0x38;
	[tilespmem:$0x1A480] =	vst v63  }
0x24: {  	s30 =	simm.s32 $0x0  }
0x25: {  	[spmem:s2] =	stream.indirect.scatter.add.f32 [tilespmem:s14], [sflag:$0x3], $0x80, s30, s17, $0xb8;
	[tilespmem:$0x1A480] =	vst v63  }
0x26: {  	_ =	swait.ge [sflag:s13], $0x2800  }
0x27: {  	[sflag:s13] =	ssyncset.done $0x0  }
0x28: {  	[sflag:s13] =	ssyncadd.s32 $0xFFFFD800  }
0x29: {  	[tilespmem:s14], [sflag:$0x1] =	stream.linear.gather [hbm4b:s11+s3], $0x2800, $0x38;
	[tilespmem:$0x1A480] =	vst v63  }
0x2a: {  	_ =	swait.ge [sflag:s18], $0x2800  }
0x2b: {  	[sflag:s18] =	ssyncset.done $0x0  }
0x2c: {  	s31 =	simm.s32 $0x80;
	[sflag:s18] =	ssyncadd.s32 $0xFFFFD800  }
0x2d: {  	[spmem:s2] =	stream.indirect.scatter.add.f32 [tilespmem:s16], [sflag:$0x3], $0x80, s31, s17, $0xb8;
	[tilespmem:$0x1A480] =	vst v63  }
0x2e: {  	_ =	swait.ge [sflag:s13], $0x2800  }
0x2f: {  	s23 =	smov.u32 s11;
	s22 =	simm.s32 $0x400;
	[sflag:s13] =	ssyncset.done $0x0  }
.LBB2_2:
0x30: {  	p0 =	sne.s32 s22, $0x5C00;
	[sflag:s13] =	ssyncadd.s32 $0xFFFFD800;
	s23 =	sadd.s32 $0xA00, s23  }
0x31: {  	s24 =	smov.u32 s22;
	s22 =	sadd.s32 $0x400, s22;
	_ =	swait.ge [sflag:s15], $0x2800  }
0x32: {  	[sflag:s15] =	ssyncset.done $0x0  }
0x33: {  	s25 =	sadd.s32 $0xFFFFFB00, s23;
	[sflag:s15] =	ssyncadd.s32 $0xFFFFD800  }
0x34: {  	[tilespmem:s16], [sflag:$0x2] =	stream.linear.gather [hbm4b:s25+s3], $0x2800, $0x38;
	[tilespmem:$0x1A480] =	vst v63  }
0x35: {  	s24 =	sshra.s32 s24, $0x2  }
0x36: {  	[spmem:s2] =	stream.indirect.scatter.add.f32 [tilespmem:s14], [sflag:$0x3], $0x80, s24, s17, $0xb8;
	[tilespmem:$0x1A480] =	vst v63  }
0x37: {  	_ =	swait.ge [sflag:s13], $0x2800  }
0x38: {  	[sflag:s13] =	ssyncset.done $0x0  }
0x39: {  	[sflag:s13] =	ssyncadd.s32 $0xFFFFD800  }
0x3a: {  	[tilespmem:s14], [sflag:$0x1] =	stream.linear.gather [hbm4b:s23+s3], $0x2800, $0x38;
	[tilespmem:$0x1A480] =	vst v63  }
0x3b: {  	_ =	swait.ge [sflag:s18], $0x2800  }
.Ltmp0:
0x3c: {  	[sflag:s18] =	ssyncset.done $0x0;
	(pc) =	sbr.rel @p0 .LBB2_2-.Ltmp0, $4  }
0x3d: {  	s24 =	sadd.s32 $0x80, s24;
	[sflag:s18] =	ssyncadd.s32 $0xFFFFD800  }
0x3e: {  	[spmem:s2] =	stream.indirect.scatter.add.f32 [tilespmem:s16], [sflag:$0x3], $0x80, s24, s17, $0xb8;
	[tilespmem:$0x1A480] =	vst v63  }
0x3f: {  	_ =	swait.ge [sflag:s13], $0x2800  }
0x40: {  	[sflag:s13] =	ssyncset.done $0x0  }
0x41: {  	[sflag:s13] =	ssyncadd.s32 $0xFFFFD800  }
0x42: {  	[tilespmem:s16], [sflag:$0x2] =	stream.linear.gather [hbm4b:s8+s3], $0x2800, $0x38;
	[tilespmem:$0x1A480] =	vst v63  }
0x43: {  	_ =	swait.ge [sflag:s15], $0x2800  }
0x44: {  	[sflag:s15] =	ssyncset.done $0x0  }
0x45: {  	[sflag:s15] =	ssyncadd.s32 $0xFFFFD800  }
0x46: {  	[spmem:s2] =	stream.indirect.scatter.add.f32 [tilespmem:s14], [sflag:$0x3], $0x80, s19, s17, $0xb8;
	[tilespmem:$0x1A480] =	vst v63  }
0x47: {  	_ =	swait.ge [sflag:s13], $0x2800  }
0x48: {  	[sflag:s13] =	ssyncset.done $0x0  }
0x49: {  	[sflag:s13] =	ssyncadd.s32 $0xFFFFD800  }
0x4a: {  	_ =	swait.ge [sflag:s18], $0x2800  }
0x4b: {  	[sflag:s18] =	ssyncset.done $0x0  }
0x4c: {  	[sflag:s18] =	ssyncadd.s32 $0xFFFFD800  }
0x4d: {  	[spmem:s2] =	stream.indirect.scatter.add.f32 [tilespmem:s16], [sflag:$0x3], $0x80, s20, s17, $0xb8;
	[tilespmem:$0x1A480] =	vst v63  }
0x4e: {  	_ =	swait.ge [sflag:s13], $0x2800  }
0x4f: {  	s21 =	sadd.s32 $0x1, s21;
	[sflag:s13] =	ssyncset.done $0x0  }
0x50: {  	p0 =	sne.s32 s21, s10;
	[sflag:s13] =	ssyncadd.s32 $0xFFFFD800  }
.Ltmp1:
0x51: {  	[bflag:$0x0] =	sbarrier.arrive $0xFFFF;
	(pc) =	sbr.rel @p0 .LBB2_1-.Ltmp1, $4  }
0x52: {  	[hbm:s9], [sflag:s5] =	dma.local [spmem:s12], $0x2780  }
0x53: {  	_ =	swait.ge [sflag:s13], $0x2780  }
0x54: {  	[sflag:s13] =	ssyncset.done $0x0  }
0x55: {  	[sflag:s13] =	ssyncadd.s32 $0xFFFFD880  }
0x56: {  	_ =	sfence.sel $0x180000  }
0x57: {  	[bflag:$0x0] =	sbarrier.arrive $0xFFFF  }
0x58: {  	p0 =	sne.s32 s1, $0x0;
	_ =	strace $0x90000050  }
0x59: {  	s0 =	sadd.s32 @!p0 $0x100000, s0;
	[bflag:$0x2] =	sbarrier.arrive $0xFFFF  }
0x5a: {  	[sflag:s0] =	ssyncadd.tile.s32 @!p0 $0x1;
	_ =	shalt  }
.Lfunc_end2:
_tile_overlayer_lowered:
.L_overlay_start_2:
0x5b: {  	(tag) =	ssettag $0x2  }
0x5c: {  	s0 =	rddreg [dreg:$0x0];
	s2 =	stileid.u32  }
0x5d: {  	s1 =	rddreg [dreg:$0x1];
	p0 =	sne.s32 s2, $0x0  }
0x5e: {  	s3 =	rddreg [dreg:$0x2];
	[bflag:$0x3] =	sbarrier.arrive $0xFFFF;
	s2 =	simm.s32 @!p0 $0x1C03  }
0x5f: {  	[timem:s3], [sflag:s2] =	dma.local @!p0 [hbm:s0], s1  }
0x60: {  	s0 =	simm.s32 @!p0 $0x3  }
0x61: {  	_ =	swait.ge @!p0 [sflag:s0], s1  }
0x62: {  	s1 =	ssub.s32 @!p0 $0x0, s1;
	[sflag:s0] =	ssyncset.done @!p0 $0x0  }
0x63: {  	[sflag:s0] =	ssyncadd.s32 @!p0 s1  }
0x64: {  	[bflag:$0x3] =	sbarrier.arrive $0xFFFF  }
0x65: {  	_ =	shalt  }

// kernel: kernel.15.cloned.1.call-start
scs
__scs_entry_jumppad:
0x0: {  	(pc) =	sbr.rel $0x88, $3  }
0x1: {  	(tag) =	ssettag $0x0;
	lr =	simm.s32 $0x1  }
0x2: {  	[smem:$0x3F98] =	sst lr;
	_ =	strace $0xD0000000  }
0x3: {  	_ = 	snop  }
0x4: {  	_ = 	snop  }
0x5: {  	_ = 	snop  }
0x6: {  	_ = 	snop  }
0x7: {  	_ = 	snop  }
__scs_overlays_trampoline_lowered:
0x8: {  	[smem:$0x3FA7] =	sst s0  }
0x9: {  	[smem:$0x3FA8] =	sst s1  }
0xa: {  	[smem:$0x3FA9] =	sst s2  }
0xb: {  	[smem:$0x3FAA] =	sst s3  }
0xc: {  	[smem:$0x3FAB] =	sst s4  }
0xd: {  	[smem:$0x3FAC] =	sst s5  }
0xe: {  	[smem:$0x3FAD] =	sst s6  }
0xf: {  	[smem:$0x3FAE] =	sst s7  }
0x10: {  	[smem:$0x3FAF] =	sst s8  }
0x11: {  	[smem:$0x3FB0] =	sst s9;
	s0 =	simm.s32 @!p0 $0x0  }
0x12: {  	s1 =	sld [smem:$0x3F96];
	s0 =	simm.s32 @p0 $0x1  }
0x13: {  	[smem:$0x3FB1] =	sst s0;
	s0 =	simm.s32 @!p1 $0x0  }
0x14: {  	s2 =	sld [smem:$0x3F95];
	s0 =	simm.s32 @p1 $0x1  }
0x15: {  	[smem:$0x3FB2] =	sst s0;
	s0 =	simm.s32 @!p2 $0x0  }
0x16: {  	s3 =	sld [smem:$0x3FDB];
	s0 =	simm.s32 @p2 $0x1  }
0x17: {  	s4 =	simm.s32 $0x1BF5;
	[smem:$0x3FB4] =	sst s0  }
0x18: {  	s0 =	sld [smem:$0x3F97];
	_ =	swait.ge [sflag:s4], $0x0  }
0x19: {  	s7 =	sld [smem:$0x3F98]  }
0x1a: {  	s8 =	sadd.s32 $0xFFFFE003, lr  }
0x1b: {  	s9 =	sadd.s32 $0xFFFFFEF7, lr;
	s5 =	simm.s32 $0xFFFFFFFF;
	p2 =	slt.u32 s8, $0xFFFFF086  }
0x1c: {  	p1 =	slt.u32 s9, $0xF7A;
	s5 =	simm.s32 @!p2 $0x0  }
0x1d: {  	s5 =	simm.s32 @p1 $0x1;
	p0 =	seq.s32 s7, s2  }
0x1e: {  	s7 =	smul.u32 @!p0 $0xF7A, s2;
	p2 =	seq.s32 @!p0 s5, $0x0  }
0x1f: {  	s9 =	smul.u32 $0xF7A, s1;
	s8 =	simm.s32 @!p0 $0x1BF5;
	p2 =	por !p2, p0  }
0x20: {  	[sflag:s8] =	ssyncset.s32 @!p0 $0xFFFFF086;
	s6 =	sadd.s32 @!p0 s3, s7;
	s7 =	simm.s32 @!p0 $0x108  }
0x21: {  	s3 =	sadd.s32 s3, s9;
	s6 =	sadd.s32 @!p0 $0x88, s6;
	s7 =	simm.s32 @p2 $0x1082  }
0x22: {  	[simem:s7], [sflag:s8] =	dma.local @!p0 [hbm:s6], $0xF7A  }
0x23: {  	s9 =	sor.u32 $0xD0000000, s2;
	s6 =	simm.s32 $0x108;
	_ =	swait.ge @!p0 [sflag:s8], $0x0  }
0x24: {  	s3 =	sadd.s32 $0x88, s3;
	s6 =	simm.s32 @!p1 $0x1082;
	[sflag:s4] =	ssyncset.s32 $0xFFFFF086  }
0x25: {  	[simem:s6], [sflag:s4] =	dma.local [hbm:s3], $0xF7A  }
0x26: {  	[smem:$0x3F98] =	sst s1;
	(tag) =	ssettag s2;
	_ =	strace s9  }
0x27: {  	s1 =	sld [smem:$0x3FA8]  }
0x28: {  	s2 =	sld [smem:$0x3FA9]  }
0x29: {  	s4 =	sld [smem:$0x3FAB]  }
0x2a: {  	p0 =	seq.s32 s5, $0x0;
	s5 =	sld [smem:$0x3FAC]  }
0x2b: {  	s6 =	sld [smem:$0x3FAD]  }
0x2c: {  	s7 =	sld [smem:$0x3FAE]  }
0x2d: {  	s3 =	simm.s32 $0x108;
	s8 =	sld [smem:$0x3FAF]  }
0x2e: {  	s3 =	simm.s32 @!p0 $0x1082;
	s9 =	sld [smem:$0x3FB0]  }
0x2f: {  	lr =	sadd.s32 s0, s3;
	s0 =	sld [smem:$0x3FA7]  }
0x30: {  	s3 =	sld [smem:$0x3FAA]  }
0x31: {  	[smem:$0x3FB3] =	sst s10  }
0x32: {  	s10 =	sld [smem:$0x3FB1];
	_ =	sdelay $0x3  }
0x33: {  	p0 =	seq.s32 s10, $0x1;
	s10 =	sld [smem:$0x3FB3];
	_ =	sdelay $0x3  }
0x34: {  	[smem:$0x3FB3] =	sst s10  }
0x35: {  	s10 =	sld [smem:$0x3FB2];
	_ =	sdelay $0x3  }
0x36: {  	p1 =	seq.s32 s10, $0x1;
	s10 =	sld [smem:$0x3FB3];
	_ =	sdelay $0x3  }
0x37: {  	[smem:$0x3FB3] =	sst s10  }
0x38: {  	s10 =	sld [smem:$0x3FB4]  }
0x39: {  	_ = 	snop;
	(pc) =	sbr.ind lr, $3  }
0x3a: {  	_ = 	snop  }
0x3b: {  	_ = 	snop  }
0x3c: {  	p2 =	seq.s32 s10, $0x1;
	s10 =	sld [smem:$0x3FB3]  }
0x3d: {  	_ =	shalt  }
0x3e: {  	_ =	shalt  }
0x3f: {  	_ =	shalt  }
0x40: {  	_ =	shalt  }
0x41: {  	_ =	shalt  }
0x42: {  	_ =	shalt  }
0x43: {  	_ =	shalt  }
0x44: {  	_ =	shalt  }
0x45: {  	_ =	shalt  }
0x46: {  	_ =	shalt  }
0x47: {  	_ =	shalt  }
0x48: {  	_ =	shalt  }
0x49: {  	_ =	shalt  }
0x4a: {  	_ =	shalt  }
0x4b: {  	_ =	shalt  }
0x4c: {  	_ =	shalt  }
0x4d: {  	_ =	shalt  }
0x4e: {  	_ =	shalt  }
0x4f: {  	_ =	shalt  }
0x50: {  	_ =	shalt  }
0x51: {  	_ =	shalt  }
0x52: {  	_ =	shalt  }
0x53: {  	_ =	shalt  }
0x54: {  	_ =	shalt  }
0x55: {  	_ =	shalt  }
0x56: {  	_ =	shalt  }
0x57: {  	_ =	shalt  }
0x58: {  	_ =	shalt  }
0x59: {  	_ =	shalt  }
0x5a: {  	_ =	shalt  }
0x5b: {  	_ =	shalt  }
0x5c: {  	_ =	shalt  }
0x5d: {  	_ =	shalt  }
0x5e: {  	_ =	shalt  }
0x5f: {  	_ =	shalt  }
0x60: {  	_ =	shalt  }
0x61: {  	_ =	shalt  }
0x62: {  	_ =	shalt  }
0x63: {  	_ =	shalt  }
0x64: {  	_ =	shalt  }
0x65: {  	_ =	shalt  }
0x66: {  	_ =	shalt  }
0x67: {  	_ =	shalt  }
0x68: {  	_ =	shalt  }
0x69: {  	_ =	shalt  }
0x6a: {  	_ =	shalt  }
0x6b: {  	_ =	shalt  }
0x6c: {  	_ =	shalt  }
0x6d: {  	_ =	shalt  }
0x6e: {  	_ =	shalt  }
0x6f: {  	_ =	shalt  }
0x70: {  	_ =	shalt  }
0x71: {  	_ =	shalt  }
0x72: {  	_ =	shalt  }
0x73: {  	_ =	shalt  }
0x74: {  	_ =	shalt  }
0x75: {  	_ =	shalt  }
0x76: {  	_ =	shalt  }
0x77: {  	_ =	shalt  }
0x78: {  	_ =	shalt  }
0x79: {  	_ =	shalt  }
0x7a: {  	_ =	shalt  }
0x7b: {  	_ =	shalt  }
0x7c: {  	_ =	shalt  }
0x7d: {  	_ =	shalt  }
0x7e: {  	_ =	shalt  }
0x7f: {  	_ =	shalt  }
0x80: {  	_ =	shalt  }
0x81: {  	_ =	shalt  }
0x82: {  	_ =	shalt  }
0x83: {  	_ =	shalt  }
0x84: {  	_ =	shalt  }
0x85: {  	_ =	shalt  }
0x86: {  	_ =	shalt  }
0x87: {  	_ =	shalt  }
.Lfunc_end0:
.L_simem_size_0:
called_computation.2_lowered:
.L_overlay_start_0:
0x88: {  	s2 =	sld [smem:$0x3FD9]  }
0x89: {  	s3 =	sld [smem:$0x3FFE];
	_ =	sdelay $0x1  }
0x8a: {  	s1 =	srdreg.scid  }
0x8b: {  	s0 =	sand.u32 $0x1, s1  }
0x8c: {  	s17 =	sshll.u32 s0, $0xA;
	s2 =	sadd.s32 s3, s2  }
0x8d: {  	s2 =	sadd.s32 s2, s17  }
0x8e: {  	[smem:$0x3FBF] =	sst s2  }
0x8f: {  	_ = 	snop  }
0x90: {  	s2 =	sld [smem:$0x3FC9]  }
0x91: {  	s18 =	sld [smem:$0x3FD0];
	(tm) =	ssettm $0x1  }
0x92: {  	s4 =	sld [smem:$0x3FFB];
	_ =	sdelay $0x3  }
0x93: {  	_ =	strace s4  }
0x94: {  	s4 =	sld [smem:$0x3FFC];
	_ =	sdelay $0x3  }
0x95: {  	_ =	strace s4  }
0x96: {  	s4 =	sld [smem:$0x3FFD];
	_ =	sdelay $0x3  }
0x97: {  	_ =	strace s4  }
0x98: {  	_ =	strace $0x8FFFFFFF  }
0x99: {  	s19 =	sld [smem:$0x3FDB];
	_ =	sdelay $0x1  }
0x9a: {  	s5 =	simm.s32 $_scs_section_size  }
0x9b: {  	s6 =	simm.s32 $_size__tile_overlayer_lowered;
	s7 =	simm.s32 $_tile_overlayer_lowered  }
0x9c: {  	s22 =	simm.s32 $0x1BFF;
	s21 =	sshll.u32 s7, $0x1;
	s4 =	sadd.s32 s5, s19  }
0x9d: {  	s8 =	simm.s32 $0x0;
	s20 =	sshll.u32 s6, $0x1;
	s6 =	sadd.s32 s21, s4  }
0x9e: {  	[timem:s8], [sflag:s22] =	dma.local [hbm:s6], s20  }
0x9f: {  	_ =	swait.ge [sflag:s22], s20  }
0xa0: {  	s5 =	ssub.s32 $0x0, s20;
	[sflag:s22] =	ssyncset.done $0x0  }
0xa1: {  	[sflag:s22] =	ssyncadd.s32 s5;
	_ =	sdelay $0x1  }
0xa2: {  	s23 =	simm.s32 $0x1B8B  }
0xa3: {  	_ =	swait.ge [sflag:s23], $0x1  }
0xa4: {  	[sflag:s23] =	ssyncset.done $0x0  }
0xa5: {  	s25 =	simm.s32 $0x1B8E;
	s24 =	sld [smem:$0x3FFE];
	[sflag:s23] =	ssyncadd.s32 $0xFFFFFFFF  }
0xa6: {  	s26 =	simm.s32 $execute0_lowered;
	[smem:$0x3FD2] =	sst s25  }
0xa7: {  	s6 =	sshll.u32 s26, $0x1;
	_ =	strace $0x80000046;
	[dreg:$0x1] =	wrdreg $0xFFFFFFFF  }
0xa8: {  	s28 =	simm.s32 $_size_execute0_lowered;
	s4 =	sadd.s32 s4, s6;
	[dreg:$0x0] =	wrdreg $0x0  }
0xa9: {  	s6 =	sshll.u32 s28, $0x1;
	[dreg:$0x2] =	wrdreg s4  }
0xaa: {  	[dreg:$0x3] =	wrdreg s6  }
0xab: {  	[dreg:$0x4] =	wrdreg $0xC0  }
0xac: {  	_ =	task [dreg:s8], $0x5FFFF  }
0xad: {  	[dreg:$0x1] =	wrdreg $0xFFFFFFFF  }
0xae: {  	[dreg:$0x0] =	wrdreg $0x60  }
0xaf: {  	[dreg:$0x2] =	wrdreg s2  }
0xb0: {  	[dreg:$0x3] =	wrdreg s18  }
0xb1: {  	[dreg:$0x4] =	wrdreg s24  }
0xb2: {  	[dreg:$0x5] =	wrdreg $0xA  }
0xb3: {  	_ =	task.clear_ibuf [dreg:s8], $0x6FFFF;
	_ =	strace $0x90000046  }
0xb4: {  	s29 =	simm.s32 $0xA;
	_ =	strace $0x80000048  }
0xb5: {  	_ =	swait.ge [sflag:s29], $0x1  }
0xb6: {  	[sflag:s29] =	ssyncadd.s32 $0xFFFFFFFF  }
0xb7: {  	_ =	strace $0x90000048  }
0xb8: {  	_ =	sfence  }
0xb9: {  	s30 =	sld [smem:$0x0];
	_ =	sdelay $0x2  }
0xba: {  	s31 =	sshll.u32 s1, $0xD;
	s1 =	sshrl.u32 s1, $0x2  }
0xbb: {  	s3 =	sand.u32 $0x4000, s31;
	s1 =	sadd.s32 s1, s30  }
0xbc: {  	s0 =	sor.u32 s3, s0;
	s1 =	sshll.u32 s1, $0x11  }
0xbd: {  	s0 =	sor.u32 s1, s0  }
0xbe: {  	s0 =	sadd.s32 $0x8F2B, s0  }
0xbf: {  	[sflag:s0] =	ssyncadd.remote.s32 $0x1  }
0xc0: {  	_ =	sfence.sel $0xFFFF  }
0xc1: {  	[dreg:$0x0] =	wrdreg $0xFFFFFFFF;
	(pc) =	sbr.abs _section_cstart, $3  }
0xc2: {  	[dreg:$0x1] =	wrdreg $0xFFFFFFFF  }
0xc3: {  	_ =	task.clear_ibuf [dreg:s8], $0x2FFFF;
	_ =	strace $0x9FFFFFFF  }
0xc4: {  	(tm) =	ssettm $0x7FFFFFFF  }
0xc5: {  	_ =	shalt  }
tec
execute0_lowered:
.L_overlay_start_1:
0x0: {  	(tag) =	ssettag $0x1  }
0x1: {  	s1 =	rddreg [dreg:$0x0]  }
0x2: {  	s5 =	rddreg [dreg:$0x1]  }
0x3: {  	s0 =	srdreg.scid;
	s6 =	rddreg [dreg:$0x2]  }
0x4: {  	s3 =	simm.s32 $0x0;
	s12 =	simm.s32 $0x50;
	s13 =	simm.s32 $0x5000  }
0x5: {  	s14 =	simm.s32 $0x7800;
	s15 =	simm.s32 $0xA000;
	s16 =	simm.s32 $0xC800  }
0x6: {  	s17 =	simm.s32 $0x1;
	s18 =	simm.s32 $0xF000;
	s19 =	simm.s32 $0x2  }
0x7: {  	s20 =	simm.s32 $0x11800;
	s21 =	simm.s32 $0x4;
	s4 =	sand.u32 $0x1, s0  }
0x8: {  	s22 =	simm.s32 $0x3;
	s0 =	stileid.u32;
	s2 =	sshll.u32 s4, $0x4  }
0x9: {  	s23 =	simm.s32 $0x0;
	[smem:$0x7FF] =	sst s3;
	s7 =	sor.u32 s0, s2  }
0xa: {  	s11 =	ssub.s32 $0x2, s4;
	s4 =	sadd.s32 $0xC200, s6;
	s8 =	smul.u32 $0x500, s7  }
0xb: {  	s2 =	rddreg [dreg:$0x3];
	s30 =	sshrl.u32 s11, $0x1;
	s9 =	smul.u32 $0xBB800, s7  }
0xc: {  	_ =	strace $0x80000047;
	s11 =	ssub.s32 s11, s30;
	s7 =	smul.u32 $0x1770, s7  }
0xd: {  	s10 =	sadd.s32 s8, s6;
	s9 =	sshrl.u32 s9, $0x3;
	s5 =	sadd.s32 s5, s8  }
0xe: {  	s31 =	sadd.s32 s4, s9;
	s6 =	sadd.s32 $0x2200, s10;
	s9 =	smax.u32 s11, $0x1  }
0xf: {  	s10 =	simm.s32 $0x5;
	s11 =	simm.s32 $0x2800;
	s8 =	sadd.s32 $0x17200, s31  }
.LBB2_1:
0x10: {  	[tilespmem:s3], [sflag:$0x5] =	stream.linear.gather [hbm4b:s5+s3], $0x2580, $0x38;
	[tilespmem:$0x14000] =	vst v63  }
0x11: {  	_ =	swait.ge [sflag:s10], $0x2580  }
0x12: {  	[sflag:s10] =	ssyncset.done $0x0  }
0x13: {  	[sflag:s10] =	ssyncadd.s32 $0xFFFFDA80  }
0x14: {  	[tilespmem:s11], [sflag:$0x5] =	stream.linear.gather [hbm4b:s6+s3], $0x2580, $0x38;
	[tilespmem:$0x14000] =	vst v63  }
0x15: {  	_ =	swait.ge [sflag:s10], $0x2580  }
0x16: {  	[sflag:s10] =	ssyncset.done $0x0  }
0x17: {  	[sflag:s10] =	ssyncadd.s32 $0xFFFFDA80  }
0x18: {  	[tilespmem:s13], [sflag:$0x1] =	stream.indirect.gather [hbm4b:s1+s12], $0x80, s3, s12, $0xb8;
	[tilespmem:$0x14000] =	vst v63  }
0x19: {  	s24 =	simm.s32 $0x0  }
0x1a: {  	[tilespmem:s14], [sflag:$0x1] =	stream.indirect.gather [hbm4b:s1+s12], $0x80, s11, s12, $0xb8;
	[tilespmem:$0x14000] =	vst v63  }
.LBB2_2:
0x1b: {  	p0 =	seq.s32 s24, $0x0  }
0x1c: {  	s26 =	simm.s32 @!p0 $0x3  }
0x1d: {  	_ =	swait.ge @!p0 [sflag:s26], $0x2800  }
0x1e: {  	s25 =	sshllo.u32 s24, $0x1;
	[sflag:s26] =	ssyncset.done @!p0 $0x0  }
0x1f: {  	s31 =	sshll.u32 s25, $0x7;
	[sflag:s26] =	ssyncadd.s32 @!p0 $0xFFFFD800  }
0x20: {  	[tilespmem:s15], [sflag:$0x2] =	stream.indirect.gather [hbm4b:s1+s12], $0x80, s31, s12, $0xb8;
	[tilespmem:$0x14000] =	vst v63  }
0x21: {  	s26 =	sadd.s32 $0x2800, s31  }
0x22: {  	[tilespmem:s16], [sflag:$0x2] =	stream.indirect.gather [hbm4b:s1+s12], $0x80, s26, s12, $0xb8;
	[tilespmem:$0x14000] =	vst v63  }
0x23: {  	_ =	swait.ge [sflag:s17], $0x2800  }
0x24: {  	[sflag:s17] =	ssyncset.done $0x0  }
0x25: {  	[sflag:s17] =	ssyncadd.s32 $0xFFFFD800  }
0x26: {  	_ =	swait.ge [sflag:s17], $0x2800  }
0x27: {  	[sflag:s17] =	ssyncset.done $0x0  }
0x28: {  	s26 =	simm.s32 $0x0;
	[sflag:s17] =	ssyncadd.s32 $0xFFFFD800  }
0x29: {  	v0 =	vld [tilespmem:s26+$0x5070]  }
0x2a: {  	v1 =	vld [tilespmem:s26+$0x7870]  }
0x2b: {  	v2 =	vld [tilespmem:s26+$0x5000]  }
0x2c: {  	v3 =	vld [tilespmem:s26+$0x7800]  }
0x2d: {  	v4 =	vld [tilespmem:s26+$0x5010]  }
0x2e: {  	v5 =	vld [tilespmem:s26+$0x7810]  }
0x2f: {  	v6 =	vld [tilespmem:s26+$0x5020]  }
0x30: {  	v7 =	vld [tilespmem:s26+$0x5030]  }
0x31: {  	v0 =	vmul.f32 v1, v0;
	v1 =	vld [tilespmem:s26+$0x7820]  }
0x32: {  	v8 =	vld [tilespmem:s26+$0x7830]  }
0x33: {  	v9 =	vld [tilespmem:s26+$0x7840];
	v2 =	vmul.f32 v3, v2  }
0x34: {  	[tilespmem:s26+$0xF070] =	vst v0;
	v0 =	vmul.f32 v5, v4;
	v5 =	vld [tilespmem:s26+$0x5040]  }
0x35: {  	v3 =	vld [tilespmem:s26+$0x7850];
	[tilespmem:s26+$0xF000] =	vst v2  }
0x36: {  	v2 =	vld [tilespmem:s26+$0x5050];
	[tilespmem:s26+$0xF010] =	vst v0;
	v0 =	vmul.f32 v1, v6  }
0x37: {  	v4 =	vld [tilespmem:s26+$0x7860];
	v6 =	vmul.f32 v8, v7  }
0x38: {  	s28 =	simm.s32 $0x80;
	[tilespmem:s26+$0xF020] =	vst v0;
	v0 =	vld [tilespmem:s26+$0x5060]  }
0x39: {  	s29 =	simm.s32 $0x400;
	v5 =	vmul.f32 v9, v5;
	v1 =	vld [tilespmem:s28+$0x5070];
	[tilespmem:s26+$0xF030] =	vst v6  }
.LBB2_3:
0x3a: {  	p1 =	sne.s32 s29, $0x9E00;
	v6 =	vld [tilespmem:s28+$0x7870]  }
0x3b: {  	v7 =	vld [tilespmem:s28+$0x5000];
	[tilespmem:s26+$0xF040] =	vst v5;
	v2 =	vmul.f32 v3, v2  }
0x3c: {  	v3 =	vld [tilespmem:s28+$0x7800]  }
0x3d: {  	v5 =	vld [tilespmem:s28+$0x5010];
	[tilespmem:s26+$0xF050] =	vst v2;
	v0 =	vmul.f32 v4, v0  }
0x3e: {  	v2 =	vld [tilespmem:s28+$0x7810]  }
0x3f: {  	v4 =	vld [tilespmem:s28+$0x5020];
	v1 =	vmul.f32 v6, v1;
	[tilespmem:s26+$0xF060] =	vst v0;
	s26 =	smov.u32 s28  }
0x40: {  	v0 =	vld [tilespmem:s26+$0x7820]  }
0x41: {  	v3 =	vmul.f32 v3, v7;
	v6 =	vld [tilespmem:s26+$0x5030];
	[tilespmem:s26+$0xF070] =	vst v1  }
0x42: {  	v1 =	vld [tilespmem:s26+$0x7830]  }
0x43: {  	[tilespmem:s26+$0xF000] =	vst v3;
	v2 =	vmul.f32 v2, v5;
	v5 =	vld [tilespmem:s26+$0x5040]  }
0x44: {  	v7 =	vld [tilespmem:s26+$0x7840]  }
.Ltmp0:
0x45: {  	[tilespmem:s26+$0xF010] =	vst v2;
	v0 =	vmul.f32 v0, v4;
	v2 =	vld [tilespmem:s26+$0x5050];
	(pc) =	sbr.rel @p1 .LBB2_3-.Ltmp0, $4  }
0x46: {  	v3 =	vld [tilespmem:s26+$0x7850]  }
0x47: {  	[tilespmem:s26+$0xF020] =	vst v0;
	v6 =	vmul.f32 v1, v6;
	v0 =	vld [tilespmem:s26+$0x5060]  }
0x48: {  	s28 =	sshra.s32 s29, $0x2;
	v4 =	vld [tilespmem:s26+$0x7860]  }
0x49: {  	s29 =	sadd.s32 $0x200, s29;
	v1 =	vld [tilespmem:s28+$0x5070];
	[tilespmem:s26+$0xF030] =	vst v6;
	v5 =	vmul.f32 v7, v5  }
0x4a: {  	v6 =	vld [tilespmem:s28+$0x7870]  }
0x4b: {  	v7 =	vld [tilespmem:s28+$0x5000];
	[tilespmem:s26+$0xF040] =	vst v5;
	v2 =	vmul.f32 v3, v2  }
0x4c: {  	v3 =	vld [tilespmem:s28+$0x7800]  }
0x4d: {  	v5 =	vld [tilespmem:s28+$0x5010];
	[tilespmem:s26+$0xF050] =	vst v2;
	v0 =	vmul.f32 v4, v0  }
0x4e: {  	v2 =	vld [tilespmem:s28+$0x7810]  }
0x4f: {  	v4 =	vld [tilespmem:s28+$0x5020];
	[tilespmem:s26+$0xF060] =	vst v0  }
0x50: {  	v0 =	vmul.f32 v6, v1;
	v1 =	vld [tilespmem:s28+$0x7820]  }
0x51: {  	v6 =	vld [tilespmem:s28+$0x5030]  }
0x52: {  	v3 =	vmul.f32 v3, v7;
	[tilespmem:s28+$0xF070] =	vst v0;
	v0 =	vld [tilespmem:s28+$0x7830]  }
0x53: {  	v7 =	vld [tilespmem:s28+$0x7860]  }
0x54: {  	[tilespmem:s28+$0xF000] =	vst v3;
	v2 =	vmul.f32 v2, v5;
	v3 =	vld [tilespmem:s28+$0x5040]  }
0x55: {  	v5 =	vld [tilespmem:s28+$0x7840]  }
0x56: {  	[tilespmem:s28+$0xF010] =	vst v2;
	v1 =	vmul.f32 v1, v4;
	v2 =	vld [tilespmem:s28+$0x5050]  }
0x57: {  	v4 =	vld [tilespmem:s28+$0x7850]  }
0x58: {  	[tilespmem:s28+$0xF020] =	vst v1;
	v1 =	vld [tilespmem:s28+$0x5060];
	_ =	sdelay $0x1  }
0x59: {  	v0 =	vmul.f32 v0, v6  }
0x5a: {  	s30 =	smul.u32 $0xA0, s24;
	v3 =	vmul.f32 v5, v3  }
0x5b: {  	[tilespmem:s28+$0xF030] =	vst v0;
	v0 =	vmul.f32 v4, v2  }
0x5c: {  	s26 =	sadd.s32 s7, s30;
	[tilespmem:s28+$0xF040] =	vst v3;
	v1 =	vmul.f32 v7, v1  }
0x5d: {  	s26 =	sshll.u32 s26, $0x4;
	[tilespmem:s28+$0xF050] =	vst v0  }
0x5e: {  	s31 =	sshll.u32 s24, $0x8;
	s26 =	sadd.s32 s4, s26;
	[tilespmem:s28+$0xF060] =	vst v1  }
0x5f: {  	[hbm4b:s26+s3] =	stream.linear.scatter [tilespmem:s18], [sflag:$0x3], $0x2800, $0x38;
	[tilespmem:$0x14000] =	vst v63  }
0x60: {  	s28 =	sadd.s32 $0x100, s31  }
0x61: {  	[tilespmem:s13], [sflag:$0x1] =	stream.indirect.gather [hbm4b:s1+s12], $0x80, s28, s12, $0xb8;
	[tilespmem:$0x14000] =	vst v63  }
0x62: {  	s26 =	sadd.s32 $0x2900, s31  }
0x63: {  	[tilespmem:s14], [sflag:$0x1] =	stream.indirect.gather [hbm4b:s1+s12], $0x80, s26, s12, $0xb8;
	[tilespmem:$0x14000] =	vst v63  }
0x64: {  	s26 =	simm.s32 @!p0 $0x4  }
0x65: {  	_ =	swait.ge @!p0 [sflag:s26], $0x2800  }
0x66: {  	[sflag:s26] =	ssyncset.done @!p0 $0x0  }
0x67: {  	[sflag:s26] =	ssyncadd.s32 @!p0 $0xFFFFD800  }
0x68: {  	_ =	swait.ge [sflag:s19], $0x2800  }
0x69: {  	[sflag:s19] =	ssyncset.done $0x0  }
0x6a: {  	[sflag:s19] =	ssyncadd.s32 $0xFFFFD800  }
0x6b: {  	_ =	swait.ge [sflag:s19], $0x2800  }
0x6c: {  	[sflag:s19] =	ssyncset.done $0x0  }
0x6d: {  	s26 =	simm.s32 $0x0;
	[sflag:s19] =	ssyncadd.s32 $0xFFFFD800  }
0x6e: {  	v0 =	vld [tilespmem:s26+$0xA070]  }
0x6f: {  	v1 =	vld [tilespmem:s26+$0xC870]  }
0x70: {  	v2 =	vld [tilespmem:s26+$0xA000]  }
0x71: {  	v3 =	vld [tilespmem:s26+$0xC800]  }
0x72: {  	v4 =	vld [tilespmem:s26+$0xA010]  }
0x73: {  	v5 =	vld [tilespmem:s26+$0xC810]  }
0x74: {  	v6 =	vld [tilespmem:s26+$0xA020]  }
0x75: {  	v7 =	vld [tilespmem:s26+$0xA030]  }
0x76: {  	v0 =	vmul.f32 v1, v0;
	v1 =	vld [tilespmem:s26+$0xC820]  }
0x77: {  	v8 =	vld [tilespmem:s26+$0xC830]  }
0x78: {  	v9 =	vld [tilespmem:s26+$0xC840];
	v2 =	vmul.f32 v3, v2  }
0x79: {  	[tilespmem:s26+$0x11870] =	vst v0;
	v0 =	vmul.f32 v5, v4;
	v5 =	vld [tilespmem:s26+$0xA040]  }
0x7a: {  	v3 =	vld [tilespmem:s26+$0xC850];
	[tilespmem:s26+$0x11800] =	vst v2  }
0x7b: {  	v2 =	vld [tilespmem:s26+$0xA050];
	[tilespmem:s26+$0x11810] =	vst v0;
	v0 =	vmul.f32 v1, v6  }
0x7c: {  	v4 =	vld [tilespmem:s26+$0xC860];
	v6 =	vmul.f32 v8, v7  }
0x7d: {  	s28 =	simm.s32 $0x80;
	[tilespmem:s26+$0x11820] =	vst v0;
	v0 =	vld [tilespmem:s26+$0xA060]  }
0x7e: {  	s29 =	simm.s32 $0x400;
	v5 =	vmul.f32 v9, v5;
	v1 =	vld [tilespmem:s28+$0xA070];
	[tilespmem:s26+$0x11830] =	vst v6  }
.LBB2_5:
0x7f: {  	p0 =	sne.s32 s29, $0x9E00;
	v6 =	vld [tilespmem:s28+$0xC870]  }
0x80: {  	v7 =	vld [tilespmem:s28+$0xA000];
	[tilespmem:s26+$0x11840] =	vst v5;
	v2 =	vmul.f32 v3, v2  }
0x81: {  	v3 =	vld [tilespmem:s28+$0xC800]  }
0x82: {  	v5 =	vld [tilespmem:s28+$0xA010];
	[tilespmem:s26+$0x11850] =	vst v2;
	v0 =	vmul.f32 v4, v0  }
0x83: {  	v2 =	vld [tilespmem:s28+$0xC810]  }
0x84: {  	v4 =	vld [tilespmem:s28+$0xA020];
	v1 =	vmul.f32 v6, v1;
	[tilespmem:s26+$0x11860] =	vst v0;
	s26 =	smov.u32 s28  }
0x85: {  	v0 =	vld [tilespmem:s26+$0xC820]  }
0x86: {  	v3 =	vmul.f32 v3, v7;
	v6 =	vld [tilespmem:s26+$0xA030];
	[tilespmem:s26+$0x11870] =	vst v1  }
0x87: {  	v1 =	vld [tilespmem:s26+$0xC830]  }
0x88: {  	[tilespmem:s26+$0x11800] =	vst v3;
	v2 =	vmul.f32 v2, v5;
	v5 =	vld [tilespmem:s26+$0xA040]  }
0x89: {  	v7 =	vld [tilespmem:s26+$0xC840]  }
.Ltmp1:
0x8a: {  	[tilespmem:s26+$0x11810] =	vst v2;
	v0 =	vmul.f32 v0, v4;
	v2 =	vld [tilespmem:s26+$0xA050];
	(pc) =	sbr.rel @p0 .LBB2_5-.Ltmp1, $4  }
0x8b: {  	v3 =	vld [tilespmem:s26+$0xC850]  }
0x8c: {  	[tilespmem:s26+$0x11820] =	vst v0;
	v6 =	vmul.f32 v1, v6;
	v0 =	vld [tilespmem:s26+$0xA060]  }
0x8d: {  	s28 =	sshra.s32 s29, $0x2;
	v4 =	vld [tilespmem:s26+$0xC860]  }
0x8e: {  	s29 =	sadd.s32 $0x200, s29;
	v1 =	vld [tilespmem:s28+$0xA070];
	[tilespmem:s26+$0x11830] =	vst v6;
	v5 =	vmul.f32 v7, v5  }
0x8f: {  	v6 =	vld [tilespmem:s28+$0xC870]  }
0x90: {  	v7 =	vld [tilespmem:s28+$0xA000];
	[tilespmem:s26+$0x11840] =	vst v5;
	v2 =	vmul.f32 v3, v2  }
0x91: {  	v51 =	vld [tilespmem:s28+$0xC800]  }
0x92: {  	v5 =	vld [tilespmem:s28+$0xA010];
	[tilespmem:s26+$0x11850] =	vst v2;
	v0 =	vmul.f32 v4, v0  }
0x93: {  	v2 =	vld [tilespmem:s28+$0xC810]  }
0x94: {  	v52 =	vld [tilespmem:s28+$0xA020];
	[tilespmem:s26+$0x11860] =	vst v0  }
0x95: {  	v54 =	vld [tilespmem:s28+$0xC820]  }
0x96: {  	v55 =	vld [tilespmem:s28+$0xA030]  }
0x97: {  	v56 =	vld [tilespmem:s28+$0xC830]  }
0x98: {  	v57 =	vld [tilespmem:s28+$0xA040]  }
0x99: {  	v58 =	vld [tilespmem:s28+$0xC840]  }
0x9a: {  	v59 =	vld [tilespmem:s28+$0xA050]  }
0x9b: {  	v53 =	vmul.f32 v6, v1;
	v60 =	vld [tilespmem:s28+$0xC850]  }
0x9c: {  	v61 =	vld [tilespmem:s28+$0xA060];
	v3 =	vmul.f32 v51, v7  }
0x9d: {  	v62 =	vld [tilespmem:s28+$0xC860];
	[tilespmem:s28+$0x11870] =	vst v53;
	v2 =	vmul.f32 v2, v5  }
0x9e: {  	[tilespmem:s28+$0x11800] =	vst v3;
	v1 =	vmul.f32 v54, v52  }
0x9f: {  	s24 =	sadd.s32 $0x1, s24;
	[tilespmem:s28+$0x11810] =	vst v2;
	v0 =	vmul.f32 v56, v55  }
0xa0: {  	s25 =	smul.u32 $0x50, s25;
	p0 =	sne.s32 s24, $0x25;
	v3 =	vmul.f32 v58, v57;
	[tilespmem:s28+$0x11820] =	vst v1  }
.Ltmp2:
0xa1: {  	v63 =	vmul.f32 v60, v59;
	[tilespmem:s28+$0x11830] =	vst v0;
	(pc) =	sbr.rel @p0 .LBB2_2-.Ltmp2, $4  }
0xa2: {  	s25 =	sadd.s32 s7, s25;
	[tilespmem:s28+$0x11840] =	vst v3;
	v1 =	vmul.f32 v62, v61  }
0xa3: {  	s25 =	sshll.u32 s25, $0x4;
	[tilespmem:s28+$0x11850] =	vst v63  }
0xa4: {  	s25 =	sadd.s32 s4, s25;
	[tilespmem:s28+$0x11860] =	vst v1  }
0xa5: {  	[hbm4b:s25+s3] =	stream.linear.scatter [tilespmem:s20], [sflag:$0x4], $0x2800, $0x38;
	[tilespmem:$0x14000] =	vst v63  }
0xa6: {  	_ =	swait.ge [sflag:s21], $0x2800  }
0xa7: {  	[sflag:s21] =	ssyncset.done $0x0  }
0xa8: {  	[sflag:s21] =	ssyncadd.s32 $0xFFFFD800  }
0xa9: {  	_ =	swait.ge [sflag:s22], $0x2800  }
0xaa: {  	[sflag:s22] =	ssyncset.done $0x0  }
0xab: {  	[sflag:s22] =	ssyncadd.s32 $0xFFFFD800  }
0xac: {  	_ =	swait.ge [sflag:s17], $0x2800  }
0xad: {  	[sflag:s17] =	ssyncset.done $0x0  }
0xae: {  	[sflag:s17] =	ssyncadd.s32 $0xFFFFD800  }
0xaf: {  	_ =	swait.ge [sflag:s17], $0x2800  }
0xb0: {  	[sflag:s17] =	ssyncset.done $0x0  }
0xb1: {  	s24 =	simm.s32 $0x0;
	[sflag:s17] =	ssyncadd.s32 $0xFFFFD800  }
0xb2: {  	v0 =	vld [tilespmem:s24+$0x5070]  }
0xb3: {  	v1 =	vld [tilespmem:s24+$0x7870]  }
0xb4: {  	v2 =	vld [tilespmem:s24+$0x5000]  }
0xb5: {  	v3 =	vld [tilespmem:s24+$0x7800]  }
0xb6: {  	v4 =	vld [tilespmem:s24+$0x5010]  }
0xb7: {  	v5 =	vld [tilespmem:s24+$0x7810]  }
0xb8: {  	v6 =	vld [tilespmem:s24+$0x5020]  }
0xb9: {  	v7 =	vld [tilespmem:s24+$0x5030]  }
0xba: {  	v0 =	vmul.f32 v1, v0;
	v1 =	vld [tilespmem:s24+$0x7820]  }
0xbb: {  	v8 =	vld [tilespmem:s24+$0x7830]  }
0xbc: {  	v9 =	vld [tilespmem:s24+$0x7840];
	v2 =	vmul.f32 v3, v2  }
0xbd: {  	[tilespmem:s24+$0xF070] =	vst v0;
	v0 =	vmul.f32 v5, v4;
	v5 =	vld [tilespmem:s24+$0x5040]  }
0xbe: {  	v3 =	vld [tilespmem:s24+$0x7850];
	[tilespmem:s24+$0xF000] =	vst v2  }
0xbf: {  	v2 =	vld [tilespmem:s24+$0x5050];
	[tilespmem:s24+$0xF010] =	vst v0;
	v0 =	vmul.f32 v1, v6  }
0xc0: {  	v4 =	vld [tilespmem:s24+$0x7860];
	v6 =	vmul.f32 v8, v7  }
0xc1: {  	s25 =	simm.s32 $0x80;
	[tilespmem:s24+$0xF020] =	vst v0;
	v0 =	vld [tilespmem:s24+$0x5060]  }
0xc2: {  	s26 =	simm.s32 $0x400;
	v5 =	vmul.f32 v9, v5;
	v1 =	vld [tilespmem:s25+$0x5070];
	[tilespmem:s24+$0xF030] =	vst v6  }
.LBB2_8:
0xc3: {  	p0 =	sne.s32 s26, $0x9E00;
	v6 =	vld [tilespmem:s25+$0x7870]  }
0xc4: {  	v7 =	vld [tilespmem:s25+$0x5000];
	[tilespmem:s24+$0xF040] =	vst v5;
	v2 =	vmul.f32 v3, v2  }
0xc5: {  	v3 =	vld [tilespmem:s25+$0x7800]  }
0xc6: {  	v5 =	vld [tilespmem:s25+$0x5010];
	[tilespmem:s24+$0xF050] =	vst v2;
	v0 =	vmul.f32 v4, v0  }
0xc7: {  	v2 =	vld [tilespmem:s25+$0x7810]  }
0xc8: {  	v4 =	vld [tilespmem:s25+$0x5020];
	v1 =	vmul.f32 v6, v1;
	[tilespmem:s24+$0xF060] =	vst v0;
	s24 =	smov.u32 s25  }
0xc9: {  	v0 =	vld [tilespmem:s24+$0x7820]  }
0xca: {  	v3 =	vmul.f32 v3, v7;
	v6 =	vld [tilespmem:s24+$0x5030];
	[tilespmem:s24+$0xF070] =	vst v1  }
0xcb: {  	v1 =	vld [tilespmem:s24+$0x7830]  }
0xcc: {  	[tilespmem:s24+$0xF000] =	vst v3;
	v2 =	vmul.f32 v2, v5;
	v5 =	vld [tilespmem:s24+$0x5040]  }
0xcd: {  	v7 =	vld [tilespmem:s24+$0x7840]  }
.Ltmp3:
0xce: {  	[tilespmem:s24+$0xF010] =	vst v2;
	v0 =	vmul.f32 v0, v4;
	v2 =	vld [tilespmem:s24+$0x5050];
	(pc) =	sbr.rel @p0 .LBB2_8-.Ltmp3, $4  }
0xcf: {  	v3 =	vld [tilespmem:s24+$0x7850]  }
0xd0: {  	[tilespmem:s24+$0xF020] =	vst v0;
	v6 =	vmul.f32 v1, v6;
	v0 =	vld [tilespmem:s24+$0x5060]  }
0xd1: {  	s25 =	sshra.s32 s26, $0x2;
	v4 =	vld [tilespmem:s24+$0x7860]  }
0xd2: {  	s26 =	sadd.s32 $0x200, s26;
	v1 =	vld [tilespmem:s25+$0x5070];
	[tilespmem:s24+$0xF030] =	vst v6;
	v5 =	vmul.f32 v7, v5  }
0xd3: {  	v6 =	vld [tilespmem:s25+$0x7870]  }
0xd4: {  	v7 =	vld [tilespmem:s25+$0x5000];
	[tilespmem:s24+$0xF040] =	vst v5;
	v2 =	vmul.f32 v3, v2  }
0xd5: {  	v51 =	vld [tilespmem:s25+$0x7800]  }
0xd6: {  	v5 =	vld [tilespmem:s25+$0x5010];
	[tilespmem:s24+$0xF050] =	vst v2;
	v0 =	vmul.f32 v4, v0  }
0xd7: {  	v2 =	vld [tilespmem:s25+$0x7810]  }
0xd8: {  	v52 =	vld [tilespmem:s25+$0x5020];
	[tilespmem:s24+$0xF060] =	vst v0  }
0xd9: {  	v54 =	vld [tilespmem:s25+$0x7820]  }
0xda: {  	v55 =	vld [tilespmem:s25+$0x5030]  }
0xdb: {  	v56 =	vld [tilespmem:s25+$0x7830]  }
0xdc: {  	v57 =	vld [tilespmem:s25+$0x5040]  }
0xdd: {  	v58 =	vld [tilespmem:s25+$0x7840]  }
0xde: {  	v59 =	vld [tilespmem:s25+$0x5050]  }
0xdf: {  	v53 =	vmul.f32 v6, v1;
	v60 =	vld [tilespmem:s25+$0x7850]  }
0xe0: {  	v61 =	vld [tilespmem:s25+$0x5060];
	v3 =	vmul.f32 v51, v7  }
0xe1: {  	v62 =	vld [tilespmem:s25+$0x7860];
	[tilespmem:s25+$0xF070] =	vst v53;
	v2 =	vmul.f32 v2, v5  }
0xe2: {  	[tilespmem:s25+$0xF000] =	vst v3;
	v1 =	vmul.f32 v54, v52  }
0xe3: {  	[tilespmem:s25+$0xF010] =	vst v2;
	v0 =	vmul.f32 v56, v55  }
0xe4: {  	v3 =	vmul.f32 v58, v57;
	[tilespmem:s25+$0xF020] =	vst v1  }
0xe5: {  	v63 =	vmul.f32 v60, v59;
	[tilespmem:s25+$0xF030] =	vst v0  }
0xe6: {  	s23 =	sadd.s32 $0x1, s23;
	[tilespmem:s25+$0xF040] =	vst v3;
	v1 =	vmul.f32 v62, v61  }
0xe7: {  	p0 =	sne.s32 s23, s9;
	[tilespmem:s25+$0xF050] =	vst v63  }
.Ltmp4:
0xe8: {  	[tilespmem:s25+$0xF060] =	vst v1;
	(pc) =	sbr.rel @p0 .LBB2_1-.Ltmp4, $4  }
0xe9: {  	[hbm4b:s8+s3] =	stream.linear.scatter [tilespmem:s18], [sflag:$0x3], $0x2800, $0x38;
	[tilespmem:$0x14000] =	vst v63  }
0xea: {  	_ =	swait.ge [sflag:s22], $0x2800  }
0xeb: {  	[sflag:s22] =	ssyncset.done $0x0  }
0xec: {  	[sflag:s22] =	ssyncadd.s32 $0xFFFFD800  }
0xed: {  	_ =	sfence.sel $0x180000  }
0xee: {  	[bflag:$0x0] =	sbarrier.arrive $0xFFFF  }
0xef: {  	p0 =	sne.s32 s0, $0x0;
	_ =	strace $0x90000047  }
0xf0: {  	s0 =	sadd.s32 @!p0 $0x100000, s2;
	[bflag:$0x2] =	sbarrier.arrive $0xFFFF  }
0xf1: {  	[sflag:s0] =	ssyncadd.tile.s32 @!p0 $0x1;
	_ =	shalt  }
.Lfunc_end2:
_tile_overlayer_lowered:
.L_overlay_start_2:
0xf2: {  	(tag) =	ssettag $0x2  }
0xf3: {  	s0 =	rddreg [dreg:$0x0];
	s2 =	stileid.u32  }
0xf4: {  	s1 =	rddreg [dreg:$0x1];
	p0 =	sne.s32 s2, $0x0  }
0xf5: {  	s3 =	rddreg [dreg:$0x2];
	[bflag:$0x3] =	sbarrier.arrive $0xFFFF;
	s2 =	simm.s32 @!p0 $0x1C05  }
0xf6: {  	[timem:s3], [sflag:s2] =	dma.local @!p0 [hbm:s0], s1  }
0xf7: {  	s0 =	simm.s32 @!p0 $0x5  }
0xf8: {  	_ =	swait.ge @!p0 [sflag:s0], s1  }
0xf9: {  	s1 =	ssub.s32 @!p0 $0x0, s1;
	[sflag:s0] =	ssyncset.done @!p0 $0x0  }
0xfa: {  	[sflag:s0] =	ssyncadd.s32 @!p0 s1  }
0xfb: {  	[bflag:$0x3] =	sbarrier.arrive $0xFFFF  }
0xfc: {  	_ =	shalt  }

// kernel: kernel.18.cloned.1.call-start
scs
__scs_entry_jumppad:
0x0: {  	(pc) =	sbr.rel $0x88, $3  }
0x1: {  	(tag) =	ssettag $0x0;
	lr =	simm.s32 $0x1  }
0x2: {  	[smem:$0x3F98] =	sst lr;
	_ =	strace $0xD0000000  }
0x3: {  	_ = 	snop  }
0x4: {  	_ = 	snop  }
0x5: {  	_ = 	snop  }
0x6: {  	_ = 	snop  }
0x7: {  	_ = 	snop  }
__scs_overlays_trampoline_lowered:
0x8: {  	[smem:$0x3FA7] =	sst s0  }
0x9: {  	[smem:$0x3FA8] =	sst s1  }
0xa: {  	[smem:$0x3FA9] =	sst s2  }
0xb: {  	[smem:$0x3FAA] =	sst s3  }
0xc: {  	[smem:$0x3FAB] =	sst s4  }
0xd: {  	[smem:$0x3FAC] =	sst s5  }
0xe: {  	[smem:$0x3FAD] =	sst s6  }
0xf: {  	[smem:$0x3FAE] =	sst s7  }
0x10: {  	[smem:$0x3FAF] =	sst s8  }
0x11: {  	[smem:$0x3FB0] =	sst s9;
	s0 =	simm.s32 @!p0 $0x0  }
0x12: {  	s1 =	sld [smem:$0x3F96];
	s0 =	simm.s32 @p0 $0x1  }
0x13: {  	[smem:$0x3FB1] =	sst s0;
	s0 =	simm.s32 @!p1 $0x0  }
0x14: {  	s2 =	sld [smem:$0x3F95];
	s0 =	simm.s32 @p1 $0x1  }
0x15: {  	[smem:$0x3FB2] =	sst s0;
	s0 =	simm.s32 @!p2 $0x0  }
0x16: {  	s3 =	sld [smem:$0x3FDB];
	s0 =	simm.s32 @p2 $0x1  }
0x17: {  	s4 =	simm.s32 $0x1BF5;
	[smem:$0x3FB4] =	sst s0  }
0x18: {  	s0 =	sld [smem:$0x3F97];
	_ =	swait.ge [sflag:s4], $0x0  }
0x19: {  	s7 =	sld [smem:$0x3F98]  }
0x1a: {  	s8 =	sadd.s32 $0xFFFFE003, lr  }
0x1b: {  	s9 =	sadd.s32 $0xFFFFFEF7, lr;
	s5 =	simm.s32 $0xFFFFFFFF;
	p2 =	slt.u32 s8, $0xFFFFF086  }
0x1c: {  	p1 =	slt.u32 s9, $0xF7A;
	s5 =	simm.s32 @!p2 $0x0  }
0x1d: {  	s5 =	simm.s32 @p1 $0x1;
	p0 =	seq.s32 s7, s2  }
0x1e: {  	s7 =	smul.u32 @!p0 $0xF7A, s2;
	p2 =	seq.s32 @!p0 s5, $0x0  }
0x1f: {  	s9 =	smul.u32 $0xF7A, s1;
	s8 =	simm.s32 @!p0 $0x1BF5;
	p2 =	por !p2, p0  }
0x20: {  	[sflag:s8] =	ssyncset.s32 @!p0 $0xFFFFF086;
	s6 =	sadd.s32 @!p0 s3, s7;
	s7 =	simm.s32 @!p0 $0x108  }
0x21: {  	s3 =	sadd.s32 s3, s9;
	s6 =	sadd.s32 @!p0 $0x88, s6;
	s7 =	simm.s32 @p2 $0x1082  }
0x22: {  	[simem:s7], [sflag:s8] =	dma.local @!p0 [hbm:s6], $0xF7A  }
0x23: {  	s9 =	sor.u32 $0xD0000000, s2;
	s6 =	simm.s32 $0x108;
	_ =	swait.ge @!p0 [sflag:s8], $0x0  }
0x24: {  	s3 =	sadd.s32 $0x88, s3;
	s6 =	simm.s32 @!p1 $0x1082;
	[sflag:s4] =	ssyncset.s32 $0xFFFFF086  }
0x25: {  	[simem:s6], [sflag:s4] =	dma.local [hbm:s3], $0xF7A  }
0x26: {  	[smem:$0x3F98] =	sst s1;
	(tag) =	ssettag s2;
	_ =	strace s9  }
0x27: {  	s1 =	sld [smem:$0x3FA8]  }
0x28: {  	s2 =	sld [smem:$0x3FA9]  }
0x29: {  	s4 =	sld [smem:$0x3FAB]  }
0x2a: {  	p0 =	seq.s32 s5, $0x0;
	s5 =	sld [smem:$0x3FAC]  }
0x2b: {  	s6 =	sld [smem:$0x3FAD]  }
0x2c: {  	s7 =	sld [smem:$0x3FAE]  }
0x2d: {  	s3 =	simm.s32 $0x108;
	s8 =	sld [smem:$0x3FAF]  }
0x2e: {  	s3 =	simm.s32 @!p0 $0x1082;
	s9 =	sld [smem:$0x3FB0]  }
0x2f: {  	lr =	sadd.s32 s0, s3;
	s0 =	sld [smem:$0x3FA7]  }
0x30: {  	s3 =	sld [smem:$0x3FAA]  }
0x31: {  	[smem:$0x3FB3] =	sst s10  }
0x32: {  	s10 =	sld [smem:$0x3FB1];
	_ =	sdelay $0x3  }
0x33: {  	p0 =	seq.s32 s10, $0x1;
	s10 =	sld [smem:$0x3FB3];
	_ =	sdelay $0x3  }
0x34: {  	[smem:$0x3FB3] =	sst s10  }
0x35: {  	s10 =	sld [smem:$0x3FB2];
	_ =	sdelay $0x3  }
0x36: {  	p1 =	seq.s32 s10, $0x1;
	s10 =	sld [smem:$0x3FB3];
	_ =	sdelay $0x3  }
0x37: {  	[smem:$0x3FB3] =	sst s10  }
0x38: {  	s10 =	sld [smem:$0x3FB4]  }
0x39: {  	_ = 	snop;
	(pc) =	sbr.ind lr, $3  }
0x3a: {  	_ = 	snop  }
0x3b: {  	_ = 	snop  }
0x3c: {  	p2 =	seq.s32 s10, $0x1;
	s10 =	sld [smem:$0x3FB3]  }
0x3d: {  	_ =	shalt  }
0x3e: {  	_ =	shalt  }
0x3f: {  	_ =	shalt  }
0x40: {  	_ =	shalt  }
0x41: {  	_ =	shalt  }
0x42: {  	_ =	shalt  }
0x43: {  	_ =	shalt  }
0x44: {  	_ =	shalt  }
0x45: {  	_ =	shalt  }
0x46: {  	_ =	shalt  }
0x47: {  	_ =	shalt  }
0x48: {  	_ =	shalt  }
0x49: {  	_ =	shalt  }
0x4a: {  	_ =	shalt  }
0x4b: {  	_ =	shalt  }
0x4c: {  	_ =	shalt  }
0x4d: {  	_ =	shalt  }
0x4e: {  	_ =	shalt  }
0x4f: {  	_ =	shalt  }
0x50: {  	_ =	shalt  }
0x51: {  	_ =	shalt  }
0x52: {  	_ =	shalt  }
0x53: {  	_ =	shalt  }
0x54: {  	_ =	shalt  }
0x55: {  	_ =	shalt  }
0x56: {  	_ =	shalt  }
0x57: {  	_ =	shalt  }
0x58: {  	_ =	shalt  }
0x59: {  	_ =	shalt  }
0x5a: {  	_ =	shalt  }
0x5b: {  	_ =	shalt  }
0x5c: {  	_ =	shalt  }
0x5d: {  	_ =	shalt  }
0x5e: {  	_ =	shalt  }
0x5f: {  	_ =	shalt  }
0x60: {  	_ =	shalt  }
0x61: {  	_ =	shalt  }
0x62: {  	_ =	shalt  }
0x63: {  	_ =	shalt  }
0x64: {  	_ =	shalt  }
0x65: {  	_ =	shalt  }
0x66: {  	_ =	shalt  }
0x67: {  	_ =	shalt  }
0x68: {  	_ =	shalt  }
0x69: {  	_ =	shalt  }
0x6a: {  	_ =	shalt  }
0x6b: {  	_ =	shalt  }
0x6c: {  	_ =	shalt  }
0x6d: {  	_ =	shalt  }
0x6e: {  	_ =	shalt  }
0x6f: {  	_ =	shalt  }
0x70: {  	_ =	shalt  }
0x71: {  	_ =	shalt  }
0x72: {  	_ =	shalt  }
0x73: {  	_ =	shalt  }
0x74: {  	_ =	shalt  }
0x75: {  	_ =	shalt  }
0x76: {  	_ =	shalt  }
0x77: {  	_ =	shalt  }
0x78: {  	_ =	shalt  }
0x79: {  	_ =	shalt  }
0x7a: {  	_ =	shalt  }
0x7b: {  	_ =	shalt  }
0x7c: {  	_ =	shalt  }
0x7d: {  	_ =	shalt  }
0x7e: {  	_ =	shalt  }
0x7f: {  	_ =	shalt  }
0x80: {  	_ =	shalt  }
0x81: {  	_ =	shalt  }
0x82: {  	_ =	shalt  }
0x83: {  	_ =	shalt  }
0x84: {  	_ =	shalt  }
0x85: {  	_ =	shalt  }
0x86: {  	_ =	shalt  }
0x87: {  	_ =	shalt  }
.Lfunc_end0:
.L_simem_size_0:
called_computation.3_lowered:
.L_overlay_start_0:
0x88: {  	s2 =	sld [smem:$0x3FD9]  }
0x89: {  	s3 =	sld [smem:$0x3FFE];
	_ =	sdelay $0x1  }
0x8a: {  	s1 =	srdreg.scid  }
0x8b: {  	s0 =	sand.u32 $0x1, s1  }
0x8c: {  	s17 =	sshll.u32 s0, $0xA;
	s2 =	sadd.s32 s3, s2  }
0x8d: {  	s2 =	sadd.s32 s2, s17  }
0x8e: {  	[smem:$0x3FBF] =	sst s2  }
0x8f: {  	_ = 	snop  }
0x90: {  	s18 =	sld [smem:$0x3FD0];
	(tm) =	ssettm $0x1  }
0x91: {  	s19 =	sld [smem:$0x3FFB];
	_ =	sdelay $0x3  }
0x92: {  	_ =	strace s19  }
0x93: {  	s2 =	sld [smem:$0x3FFC];
	_ =	sdelay $0x3  }
0x94: {  	_ =	strace s2  }
0x95: {  	s2 =	sld [smem:$0x3FFD];
	_ =	sdelay $0x3  }
0x96: {  	_ =	strace s2  }
0x97: {  	_ =	strace $0x8FFFFFFF  }
0x98: {  	s20 =	sld [smem:$0x3FDB];
	_ =	sdelay $0x1  }
0x99: {  	s4 =	simm.s32 $_scs_section_size  }
0x9a: {  	s5 =	simm.s32 $_size__tile_overlayer_lowered;
	s6 =	simm.s32 $_tile_overlayer_lowered  }
0x9b: {  	s7 =	simm.s32 $0x1BFF;
	s21 =	sshll.u32 s6, $0x1;
	s4 =	sadd.s32 s4, s20  }
0x9c: {  	s22 =	simm.s32 $0x0;
	s5 =	sshll.u32 s5, $0x1;
	s6 =	sadd.s32 s21, s4  }
0x9d: {  	[timem:s22], [sflag:s7] =	dma.local [hbm:s6], s5  }
0x9e: {  	_ =	swait.ge [sflag:s7], s5  }
0x9f: {  	s5 =	ssub.s32 $0x0, s5;
	[sflag:s7] =	ssyncset.done $0x0  }
0xa0: {  	[sflag:s7] =	ssyncadd.s32 s5;
	_ =	sdelay $0x1  }
0xa1: {  	s23 =	simm.s32 $0x1B8B  }
0xa2: {  	_ =	swait.ge [sflag:s23], $0x1  }
0xa3: {  	[sflag:s23] =	ssyncset.done $0x0  }
0xa4: {  	[sflag:s23] =	ssyncadd.s32 $0xFFFFFFFF  }
0xa5: {  	s5 =	sld [smem:$0x0]  }
0xa6: {  	s6 =	sand.u32 $0xFFFFFFFE, s1  }
0xa7: {  	p0 =	sne.s32 s1, s6  }
0xa8: {  	s6 =	sshll.u32 @p0 s6, $0xE  }
0xa9: {  	s6 =	sadd.s32 @p0 $0x11B8D, s6;
	s7 =	sshll.u32 @p0 s5, $0x11  }
0xaa: {  	s6 =	sor.u32 @p0 s7, s6  }
0xab: {  	[sflag:s6] =	ssyncadd.remote.s32 @p0 $0x1;
	_ =	sdelay $0x1  }
0xac: {  	s6 =	simm.s32 @p0 $0x1B8D  }
0xad: {  	_ =	swait.eq @p0 [sflag:s6], $0x1  }
0xae: {  	[sflag:s6] =	ssyncadd.s32 @p0 $0xFFFFFFFF  }
0xaf: {  	s7 =	sshll.u32 @!p0 s1, $0xE  }
0xb0: {  	s7 =	sor.u32 @!p0 $0x4000, s7;
	s6 =	simm.s32 @!p0 $0x1B8D  }
0xb1: {  	s5 =	sshll.u32 @!p0 s5, $0x11;
	s7 =	sadd.s32 @!p0 $0x11B8D, s7;
	_ =	swait.eq @!p0 [sflag:s6], $0x1  }
0xb2: {  	s5 =	sor.u32 @!p0 s5, s7;
	[sflag:s6] =	ssyncadd.s32 @!p0 $0xFFFFFFFF  }
0xb3: {  	s25 =	simm.s32 $0x1B8E;
	s24 =	sld [smem:$0x3FFE];
	[sflag:s5] =	ssyncadd.remote.s32 @!p0 $0x1  }
0xb4: {  	s26 =	simm.s32 $execute0_lowered;
	[smem:$0x3FD2] =	sst s25  }
0xb5: {  	s6 =	sshll.u32 s26, $0x1;
	_ =	strace $0x8000004C;
	[dreg:$0x1] =	wrdreg $0xFFFFFFFF  }
0xb6: {  	s28 =	simm.s32 $_size_execute0_lowered;
	s4 =	sadd.s32 s4, s6;
	[dreg:$0x0] =	wrdreg $0x0  }
0xb7: {  	s6 =	sshll.u32 s28, $0x1;
	[dreg:$0x2] =	wrdreg s4  }
0xb8: {  	[dreg:$0x3] =	wrdreg s6  }
0xb9: {  	[dreg:$0x4] =	wrdreg $0xC0  }
0xba: {  	_ =	task [dreg:s22], $0x5FFFF  }
0xbb: {  	[dreg:$0x1] =	wrdreg $0xFFFFFFFF  }
0xbc: {  	[dreg:$0x0] =	wrdreg $0x60  }
0xbd: {  	[dreg:$0x2] =	wrdreg s24  }
0xbe: {  	[dreg:$0x3] =	wrdreg s18  }
0xbf: {  	[dreg:$0x4] =	wrdreg $0x78000  }
0xc0: {  	[dreg:$0x5] =	wrdreg $0xA  }
0xc1: {  	_ =	task.clear_ibuf [dreg:s22], $0x6FFFF;
	_ =	strace $0x9000004C  }
0xc2: {  	s29 =	simm.s32 $0xA;
	_ =	strace $0x8000004E  }
0xc3: {  	_ =	swait.ge [sflag:s29], $0x1  }
0xc4: {  	[sflag:s29] =	ssyncadd.s32 $0xFFFFFFFF  }
0xc5: {  	_ =	strace $0x9000004E  }
0xc6: {  	_ =	sfence  }
0xc7: {  	s30 =	sld [smem:$0x0];
	_ =	sdelay $0x2  }
0xc8: {  	s31 =	sshll.u32 s1, $0xD;
	s1 =	sshrl.u32 s1, $0x2  }
0xc9: {  	s4 =	sand.u32 $0x4000, s31;
	s1 =	sadd.s32 s1, s30  }
0xca: {  	s0 =	sor.u32 s4, s0;
	s1 =	sshll.u32 s1, $0x11  }
0xcb: {  	s0 =	sor.u32 s1, s0  }
0xcc: {  	s0 =	sadd.s32 $0x8F2B, s0  }
0xcd: {  	[sflag:s0] =	ssyncadd.remote.s32 $0x1  }
0xce: {  	_ =	sfence.sel $0xFFFF  }
0xcf: {  	[dreg:$0x0] =	wrdreg $0xFFFFFFFF;
	(pc) =	sbr.abs _section_cstart, $3  }
0xd0: {  	[dreg:$0x1] =	wrdreg $0xFFFFFFFF  }
0xd1: {  	_ =	task.clear_ibuf [dreg:s22], $0x2FFFF;
	_ =	strace $0x9FFFFFFF  }
0xd2: {  	(tm) =	ssettm $0x7FFFFFFF  }
0xd3: {  	_ =	shalt  }
tec
execute0_lowered:
.L_overlay_start_1:
0x0: {  	(tag) =	ssettag $0x1  }
0x1: {  	s4 =	rddreg [dreg:$0x0]  }
0x2: {  	s5 =	rddreg [dreg:$0x1]  }
0x3: {  	s2 =	rddreg [dreg:$0x2]  }
0x4: {  	s3 =	srdreg.scid;
	s1 =	stileid.u32  }
0x5: {  	s0 =	rddreg [dreg:$0x3];
	s16 =	simm.s32 $0x50;
	s17 =	simm.s32 $0x2  }
0x6: {  	s18 =	simm.s32 $0x2500;
	s19 =	simm.s32 $0x0;
	s6 =	sand.u32 $0x1, s3  }
0x7: {  	s7 =	smul.u32 $0x278, s1;
	p0 =	seq.s32 s1, $0xF;
	s3 =	simm.s32 $0x0  }
0x8: {  	s11 =	sadd.s32 $0x9DE200, s4;
	s30 =	sshll.u32 s1, $0x6;
	s14 =	smul.u32 $0x17700, s1  }
0x9: {  	s8 =	sshll.u32 s6, $0x4;
	s9 =	smul.u32 $0x2710, s6;
	[smem:$0x7FF] =	sst s3  }
0xa: {  	s28 =	ssub.s32 $0x2, s6;
	s6 =	smul.u32 $0x177000, s6;
	s8 =	sor.u32 s1, s8  }
0xb: {  	s7 =	simm.s32 @p0 $0x2498;
	_ =	strace $0x8000004D;
	s12 =	sshrl.u32 s28, $0x1  }
0xc: {  	s10 =	smul.u32 $0x500, s8;
	s9 =	sadd.s32 s9, s7;
	s13 =	sshll.u32 s7, $0x7  }
0xd: {  	s8 =	smul.u32 $0x17700, s8;
	s12 =	ssub.s32 s28, s12;
	s29 =	sshll.u32 s7, $0x4  }
0xe: {  	s15 =	sadd.s32 s6, s11;
	s9 =	sshll.u32 s9, $0x4;
	s13 =	sadd.s32 s13, s2  }
0xf: {  	s31 =	sadd.s32 s14, s15;
	s14 =	simm.s32 $0x1;
	s15 =	simm.s32 $0x5000  }
0x10: {  	s10 =	sadd.s32 s10, s4;
	s9 =	sadd.s32 s9, s4;
	s4 =	sadd.s32 s5, s29  }
0x11: {  	s5 =	sor.u32 $0x1C03, s30;
	s7 =	sadd.s32 s11, s8;
	s11 =	sshrl.u32 s13, $0x3  }
0x12: {  	s13 =	simm.s32 $0x2800;
	s6 =	sadd.s32 $0x2200, s10;
	s8 =	sadd.s32 $0xC200, s9  }
0x13: {  	s9 =	smax.u32 s12, $0x1;
	s10 =	sadd.s32 $0xA00, s31;
	s12 =	simm.s32 $0x3  }
.LBB2_1:
0x14: {  	[spmem:s11], [sflag:s5] =	dma.local [hbm:s4], $0x2780  }
0x15: {  	_ =	swait.ge [sflag:s12], $0x2780  }
0x16: {  	[sflag:s12] =	ssyncset.done $0x0  }
0x17: {  	[sflag:s12] =	ssyncadd.s32 $0xFFFFD880  }
0x18: {  	[bflag:$0x0] =	sbarrier.arrive $0xFFFF  }
0x19: {  	[tilespmem:s3], [sflag:$0x3] =	stream.linear.gather [hbm4b:s6+s3], $0x2580, $0x38;
	[tilespmem:$0x1B080] =	vst v63  }
0x1a: {  	_ =	swait.ge [sflag:s12], $0x2580  }
0x1b: {  	[sflag:s12] =	ssyncset.done $0x0  }
0x1c: {  	[sflag:s12] =	ssyncadd.s32 $0xFFFFDA80  }
0x1d: {  	[tilespmem:s13], [sflag:$0x1] =	stream.linear.gather [hbm4b:s7+s3], $0x2800, $0x38;
	[tilespmem:$0x1B080] =	vst v63  }
0x1e: {  	_ =	swait.ge [sflag:s14], $0x2800  }
0x1f: {  	[sflag:s14] =	ssyncset.done $0x0  }
0x20: {  	s20 =	sadd.s32 $0xFFFFFB00, s10;
	[sflag:s14] =	ssyncadd.s32 $0xFFFFD800  }
0x21: {  	[tilespmem:s15], [sflag:$0x2] =	stream.linear.gather [hbm4b:s20+s3], $0x2800, $0x38;
	[tilespmem:$0x1B080] =	vst v63  }
0x22: {  	s30 =	simm.s32 $0x0  }
0x23: {  	[spmem:s2] =	stream.indirect.scatter.add.f32 [tilespmem:s13], [sflag:$0x3], $0x80, s30, s16, $0xb8;
	[tilespmem:$0x1B080] =	vst v63  }
0x24: {  	_ =	swait.ge [sflag:s12], $0x2800  }
0x25: {  	[sflag:s12] =	ssyncset.done $0x0  }
0x26: {  	[sflag:s12] =	ssyncadd.s32 $0xFFFFD800  }
0x27: {  	[tilespmem:s13], [sflag:$0x1] =	stream.linear.gather [hbm4b:s10+s3], $0x2800, $0x38;
	[tilespmem:$0x1B080] =	vst v63  }
0x28: {  	_ =	swait.ge [sflag:s17], $0x2800  }
0x29: {  	[sflag:s17] =	ssyncset.done $0x0  }
0x2a: {  	s31 =	simm.s32 $0x80;
	[sflag:s17] =	ssyncadd.s32 $0xFFFFD800  }
0x2b: {  	[spmem:s2] =	stream.indirect.scatter.add.f32 [tilespmem:s15], [sflag:$0x3], $0x80, s31, s16, $0xb8;
	[tilespmem:$0x1B080] =	vst v63  }
0x2c: {  	_ =	swait.ge [sflag:s12], $0x2800  }
0x2d: {  	s21 =	smov.u32 s10;
	s20 =	simm.s32 $0x400;
	[sflag:s12] =	ssyncset.done $0x0  }
.LBB2_2:
0x2e: {  	p0 =	sne.s32 s20, $0x9000;
	[sflag:s12] =	ssyncadd.s32 $0xFFFFD800;
	s21 =	sadd.s32 $0xA00, s21  }
0x2f: {  	s22 =	smov.u32 s20;
	s20 =	sadd.s32 $0x400, s20;
	_ =	swait.ge [sflag:s14], $0x2800  }
0x30: {  	[sflag:s14] =	ssyncset.done $0x0  }
0x31: {  	s23 =	sadd.s32 $0xFFFFFB00, s21;
	[sflag:s14] =	ssyncadd.s32 $0xFFFFD800  }
0x32: {  	[tilespmem:s15], [sflag:$0x2] =	stream.linear.gather [hbm4b:s23+s3], $0x2800, $0x38;
	[tilespmem:$0x1B080] =	vst v63  }
0x33: {  	s22 =	sshra.s32 s22, $0x2  }
0x34: {  	[spmem:s2] =	stream.indirect.scatter.add.f32 [tilespmem:s13], [sflag:$0x3], $0x80, s22, s16, $0xb8;
	[tilespmem:$0x1B080] =	vst v63  }
0x35: {  	_ =	swait.ge [sflag:s12], $0x2800  }
0x36: {  	[sflag:s12] =	ssyncset.done $0x0  }
0x37: {  	[sflag:s12] =	ssyncadd.s32 $0xFFFFD800  }
0x38: {  	[tilespmem:s13], [sflag:$0x1] =	stream.linear.gather [hbm4b:s21+s3], $0x2800, $0x38;
	[tilespmem:$0x1B080] =	vst v63  }
0x39: {  	_ =	swait.ge [sflag:s17], $0x2800  }
.Ltmp0:
0x3a: {  	[sflag:s17] =	ssyncset.done $0x0;
	(pc) =	sbr.rel @p0 .LBB2_2-.Ltmp0, $4  }
0x3b: {  	s22 =	sadd.s32 $0x80, s22;
	[sflag:s17] =	ssyncadd.s32 $0xFFFFD800  }
0x3c: {  	[spmem:s2] =	stream.indirect.scatter.add.f32 [tilespmem:s15], [sflag:$0x3], $0x80, s22, s16, $0xb8;
	[tilespmem:$0x1B080] =	vst v63  }
0x3d: {  	_ =	swait.ge [sflag:s12], $0x2800  }
0x3e: {  	[sflag:s12] =	ssyncset.done $0x0  }
0x3f: {  	[sflag:s12] =	ssyncadd.s32 $0xFFFFD800  }
0x40: {  	_ =	swait.ge [sflag:s14], $0x2800  }
0x41: {  	[sflag:s14] =	ssyncset.done $0x0  }
0x42: {  	[sflag:s14] =	ssyncadd.s32 $0xFFFFD800  }
0x43: {  	[spmem:s2] =	stream.indirect.scatter.add.f32 [tilespmem:s13], [sflag:$0x3], $0x80, s18, s16, $0xb8;
	[tilespmem:$0x1B080] =	vst v63  }
0x44: {  	_ =	swait.ge [sflag:s12], $0x2800  }
0x45: {  	s19 =	sadd.s32 $0x1, s19;
	[sflag:s12] =	ssyncset.done $0x0  }
0x46: {  	p0 =	sne.s32 s19, s9;
	[sflag:s12] =	ssyncadd.s32 $0xFFFFD800  }
.Ltmp1:
0x47: {  	[bflag:$0x0] =	sbarrier.arrive $0xFFFF;
	(pc) =	sbr.rel @p0 .LBB2_1-.Ltmp1, $4  }
0x48: {  	[hbm:s8], [sflag:s5] =	dma.local [spmem:s11], $0x2780  }
0x49: {  	_ =	swait.ge [sflag:s12], $0x2780  }
0x4a: {  	[sflag:s12] =	ssyncset.done $0x0  }
0x4b: {  	[sflag:s12] =	ssyncadd.s32 $0xFFFFD880  }
0x4c: {  	_ =	sfence.sel $0x180000  }
0x4d: {  	[bflag:$0x0] =	sbarrier.arrive $0xFFFF  }
0x4e: {  	p0 =	sne.s32 s1, $0x0;
	_ =	strace $0x9000004D  }
0x4f: {  	s0 =	sadd.s32 @!p0 $0x100000, s0;
	[bflag:$0x2] =	sbarrier.arrive $0xFFFF  }
0x50: {  	[sflag:s0] =	ssyncadd.tile.s32 @!p0 $0x1;
	_ =	shalt  }
.Lfunc_end2:
_tile_overlayer_lowered:
.L_overlay_start_2:
0x51: {  	(tag) =	ssettag $0x2  }
0x52: {  	s0 =	rddreg [dreg:$0x0];
	s2 =	stileid.u32  }
0x53: {  	s1 =	rddreg [dreg:$0x1];
	p0 =	sne.s32 s2, $0x0  }
0x54: {  	s3 =	rddreg [dreg:$0x2];
	[bflag:$0x3] =	sbarrier.arrive $0xFFFF;
	s2 =	simm.s32 @!p0 $0x1C03  }
0x55: {  	[timem:s3], [sflag:s2] =	dma.local @!p0 [hbm:s0], s1  }
0x56: {  	s0 =	simm.s32 @!p0 $0x3  }
0x57: {  	_ =	swait.ge @!p0 [sflag:s0], s1  }
0x58: {  	s1 =	ssub.s32 @!p0 $0x0, s1;
	[sflag:s0] =	ssyncset.done @!p0 $0x0  }
0x59: {  	[sflag:s0] =	ssyncadd.s32 @!p0 s1  }
0x5a: {  	[bflag:$0x3] =	sbarrier.arrive $0xFFFF  }
0x5b: {  	_ =	shalt  }

// kernel: kernel.9.cloned.1.call-start
scs
__scs_entry_jumppad:
0x0: {  	(pc) =	sbr.rel $0x88, $3  }
0x1: {  	(tag) =	ssettag $0x0;
	lr =	simm.s32 $0x1  }
0x2: {  	[smem:$0x3F98] =	sst lr;
	_ =	strace $0xD0000000  }
0x3: {  	_ = 	snop  }
0x4: {  	_ = 	snop  }
0x5: {  	_ = 	snop  }
0x6: {  	_ = 	snop  }
0x7: {  	_ = 	snop  }
__scs_overlays_trampoline_lowered:
0x8: {  	[smem:$0x3FA7] =	sst s0  }
0x9: {  	[smem:$0x3FA8] =	sst s1  }
0xa: {  	[smem:$0x3FA9] =	sst s2  }
0xb: {  	[smem:$0x3FAA] =	sst s3  }
0xc: {  	[smem:$0x3FAB] =	sst s4  }
0xd: {  	[smem:$0x3FAC] =	sst s5  }
0xe: {  	[smem:$0x3FAD] =	sst s6  }
0xf: {  	[smem:$0x3FAE] =	sst s7  }
0x10: {  	[smem:$0x3FAF] =	sst s8  }
0x11: {  	[smem:$0x3FB0] =	sst s9;
	s0 =	simm.s32 @!p0 $0x0  }
0x12: {  	s1 =	sld [smem:$0x3F96];
	s0 =	simm.s32 @p0 $0x1  }
0x13: {  	[smem:$0x3FB1] =	sst s0;
	s0 =	simm.s32 @!p1 $0x0  }
0x14: {  	s2 =	sld [smem:$0x3F95];
	s0 =	simm.s32 @p1 $0x1  }
0x15: {  	[smem:$0x3FB2] =	sst s0;
	s0 =	simm.s32 @!p2 $0x0  }
0x16: {  	s3 =	sld [smem:$0x3FDB];
	s0 =	simm.s32 @p2 $0x1  }
0x17: {  	s4 =	simm.s32 $0x1BF5;
	[smem:$0x3FB4] =	sst s0  }
0x18: {  	s0 =	sld [smem:$0x3F97];
	_ =	swait.ge [sflag:s4], $0x0  }
0x19: {  	s7 =	sld [smem:$0x3F98]  }
0x1a: {  	s8 =	sadd.s32 $0xFFFFE003, lr  }
0x1b: {  	s9 =	sadd.s32 $0xFFFFFEF7, lr;
	s5 =	simm.s32 $0xFFFFFFFF;
	p2 =	slt.u32 s8, $0xFFFFF086  }
0x1c: {  	p1 =	slt.u32 s9, $0xF7A;
	s5 =	simm.s32 @!p2 $0x0  }
0x1d: {  	s5 =	simm.s32 @p1 $0x1;
	p0 =	seq.s32 s7, s2  }
0x1e: {  	s7 =	smul.u32 @!p0 $0xF7A, s2;
	p2 =	seq.s32 @!p0 s5, $0x0  }
0x1f: {  	s9 =	smul.u32 $0xF7A, s1;
	s8 =	simm.s32 @!p0 $0x1BF5;
	p2 =	por !p2, p0  }
0x20: {  	[sflag:s8] =	ssyncset.s32 @!p0 $0xFFFFF086;
	s6 =	sadd.s32 @!p0 s3, s7;
	s7 =	simm.s32 @!p0 $0x108  }
0x21: {  	s3 =	sadd.s32 s3, s9;
	s6 =	sadd.s32 @!p0 $0x88, s6;
	s7 =	simm.s32 @p2 $0x1082  }
0x22: {  	[simem:s7], [sflag:s8] =	dma.local @!p0 [hbm:s6], $0xF7A  }
0x23: {  	s9 =	sor.u32 $0xD0000000, s2;
	s6 =	simm.s32 $0x108;
	_ =	swait.ge @!p0 [sflag:s8], $0x0  }
0x24: {  	s3 =	sadd.s32 $0x88, s3;
	s6 =	simm.s32 @!p1 $0x1082;
	[sflag:s4] =	ssyncset.s32 $0xFFFFF086  }
0x25: {  	[simem:s6], [sflag:s4] =	dma.local [hbm:s3], $0xF7A  }
0x26: {  	[smem:$0x3F98] =	sst s1;
	(tag) =	ssettag s2;
	_ =	strace s9  }
0x27: {  	s1 =	sld [smem:$0x3FA8]  }
0x28: {  	s2 =	sld [smem:$0x3FA9]  }
0x29: {  	s4 =	sld [smem:$0x3FAB]  }
0x2a: {  	p0 =	seq.s32 s5, $0x0;
	s5 =	sld [smem:$0x3FAC]  }
0x2b: {  	s6 =	sld [smem:$0x3FAD]  }
0x2c: {  	s7 =	sld [smem:$0x3FAE]  }
0x2d: {  	s3 =	simm.s32 $0x108;
	s8 =	sld [smem:$0x3FAF]  }
0x2e: {  	s3 =	simm.s32 @!p0 $0x1082;
	s9 =	sld [smem:$0x3FB0]  }
0x2f: {  	lr =	sadd.s32 s0, s3;
	s0 =	sld [smem:$0x3FA7]  }
0x30: {  	s3 =	sld [smem:$0x3FAA]  }
0x31: {  	[smem:$0x3FB3] =	sst s10  }
0x32: {  	s10 =	sld [smem:$0x3FB1];
	_ =	sdelay $0x3  }
0x33: {  	p0 =	seq.s32 s10, $0x1;
	s10 =	sld [smem:$0x3FB3];
	_ =	sdelay $0x3  }
0x34: {  	[smem:$0x3FB3] =	sst s10  }
0x35: {  	s10 =	sld [smem:$0x3FB2];
	_ =	sdelay $0x3  }
0x36: {  	p1 =	seq.s32 s10, $0x1;
	s10 =	sld [smem:$0x3FB3];
	_ =	sdelay $0x3  }
0x37: {  	[smem:$0x3FB3] =	sst s10  }
0x38: {  	s10 =	sld [smem:$0x3FB4]  }
0x39: {  	_ = 	snop;
	(pc) =	sbr.ind lr, $3  }
0x3a: {  	_ = 	snop  }
0x3b: {  	_ = 	snop  }
0x3c: {  	p2 =	seq.s32 s10, $0x1;
	s10 =	sld [smem:$0x3FB3]  }
0x3d: {  	_ =	shalt  }
0x3e: {  	_ =	shalt  }
0x3f: {  	_ =	shalt  }
0x40: {  	_ =	shalt  }
0x41: {  	_ =	shalt  }
0x42: {  	_ =	shalt  }
0x43: {  	_ =	shalt  }
0x44: {  	_ =	shalt  }
0x45: {  	_ =	shalt  }
0x46: {  	_ =	shalt  }
0x47: {  	_ =	shalt  }
0x48: {  	_ =	shalt  }
0x49: {  	_ =	shalt  }
0x4a: {  	_ =	shalt  }
0x4b: {  	_ =	shalt  }
0x4c: {  	_ =	shalt  }
0x4d: {  	_ =	shalt  }
0x4e: {  	_ =	shalt  }
0x4f: {  	_ =	shalt  }
0x50: {  	_ =	shalt  }
0x51: {  	_ =	shalt  }
0x52: {  	_ =	shalt  }
0x53: {  	_ =	shalt  }
0x54: {  	_ =	shalt  }
0x55: {  	_ =	shalt  }
0x56: {  	_ =	shalt  }
0x57: {  	_ =	shalt  }
0x58: {  	_ =	shalt  }
0x59: {  	_ =	shalt  }
0x5a: {  	_ =	shalt  }
0x5b: {  	_ =	shalt  }
0x5c: {  	_ =	shalt  }
0x5d: {  	_ =	shalt  }
0x5e: {  	_ =	shalt  }
0x5f: {  	_ =	shalt  }
0x60: {  	_ =	shalt  }
0x61: {  	_ =	shalt  }
0x62: {  	_ =	shalt  }
0x63: {  	_ =	shalt  }
0x64: {  	_ =	shalt  }
0x65: {  	_ =	shalt  }
0x66: {  	_ =	shalt  }
0x67: {  	_ =	shalt  }
0x68: {  	_ =	shalt  }
0x69: {  	_ =	shalt  }
0x6a: {  	_ =	shalt  }
0x6b: {  	_ =	shalt  }
0x6c: {  	_ =	shalt  }
0x6d: {  	_ =	shalt  }
0x6e: {  	_ =	shalt  }
0x6f: {  	_ =	shalt  }
0x70: {  	_ =	shalt  }
0x71: {  	_ =	shalt  }
0x72: {  	_ =	shalt  }
0x73: {  	_ =	shalt  }
0x74: {  	_ =	shalt  }
0x75: {  	_ =	shalt  }
0x76: {  	_ =	shalt  }
0x77: {  	_ =	shalt  }
0x78: {  	_ =	shalt  }
0x79: {  	_ =	shalt  }
0x7a: {  	_ =	shalt  }
0x7b: {  	_ =	shalt  }
0x7c: {  	_ =	shalt  }
0x7d: {  	_ =	shalt  }
0x7e: {  	_ =	shalt  }
0x7f: {  	_ =	shalt  }
0x80: {  	_ =	shalt  }
0x81: {  	_ =	shalt  }
0x82: {  	_ =	shalt  }
0x83: {  	_ =	shalt  }
0x84: {  	_ =	shalt  }
0x85: {  	_ =	shalt  }
0x86: {  	_ =	shalt  }
0x87: {  	_ =	shalt  }
.Lfunc_end0:
.L_simem_size_0:
called_computation_lowered:
.L_overlay_start_0:
0x88: {  	s2 =	sld [smem:$0x3FD9]  }
0x89: {  	s3 =	sld [smem:$0x3FFE];
	_ =	sdelay $0x1  }
0x8a: {  	s1 =	srdreg.scid  }
0x8b: {  	s0 =	sand.u32 $0x1, s1  }
0x8c: {  	s17 =	sshll.u32 s0, $0xA;
	s2 =	sadd.s32 s3, s2  }
0x8d: {  	s2 =	sadd.s32 s2, s17  }
0x8e: {  	[smem:$0x3FBF] =	sst s2  }
0x8f: {  	_ = 	snop  }
0x90: {  	s18 =	sld [smem:$0x3FC9];
	(tm) =	ssettm $0x1  }
0x91: {  	s19 =	sld [smem:$0x3FFB];
	_ =	sdelay $0x3  }
0x92: {  	_ =	strace s19  }
0x93: {  	s2 =	sld [smem:$0x3FFC];
	_ =	sdelay $0x3  }
0x94: {  	_ =	strace s2  }
0x95: {  	s2 =	sld [smem:$0x3FFD];
	_ =	sdelay $0x3  }
0x96: {  	_ =	strace s2  }
0x97: {  	_ =	strace $0x8FFFFFFF  }
0x98: {  	s20 =	sld [smem:$0x3FDB];
	_ =	sdelay $0x1  }
0x99: {  	s4 =	simm.s32 $_scs_section_size  }
0x9a: {  	s5 =	simm.s32 $_size__tile_overlayer_lowered;
	s6 =	simm.s32 $_tile_overlayer_lowered  }
0x9b: {  	s7 =	simm.s32 $0x1BFF;
	s21 =	sshll.u32 s6, $0x1;
	s4 =	sadd.s32 s4, s20  }
0x9c: {  	s22 =	simm.s32 $0x0;
	s5 =	sshll.u32 s5, $0x1;
	s6 =	sadd.s32 s21, s4  }
0x9d: {  	[timem:s22], [sflag:s7] =	dma.local [hbm:s6], s5  }
0x9e: {  	_ =	swait.ge [sflag:s7], s5  }
0x9f: {  	s5 =	ssub.s32 $0x0, s5;
	[sflag:s7] =	ssyncset.done $0x0  }
0xa0: {  	[sflag:s7] =	ssyncadd.s32 s5;
	_ =	sdelay $0x1  }
0xa1: {  	s23 =	simm.s32 $0x1B8B  }
0xa2: {  	_ =	swait.ge [sflag:s23], $0x1  }
0xa3: {  	[sflag:s23] =	ssyncset.done $0x0  }
0xa4: {  	[sflag:s23] =	ssyncadd.s32 $0xFFFFFFFF  }
0xa5: {  	s5 =	sld [smem:$0x0]  }
0xa6: {  	s6 =	sand.u32 $0xFFFFFFFE, s1  }
0xa7: {  	p0 =	sne.s32 s1, s6  }
0xa8: {  	s6 =	sshll.u32 @p0 s6, $0xE  }
0xa9: {  	s6 =	sadd.s32 @p0 $0x11B8D, s6;
	s7 =	sshll.u32 @p0 s5, $0x11  }
0xaa: {  	s6 =	sor.u32 @p0 s7, s6  }
0xab: {  	[sflag:s6] =	ssyncadd.remote.s32 @p0 $0x1;
	_ =	sdelay $0x1  }
0xac: {  	s6 =	simm.s32 @p0 $0x1B8D  }
0xad: {  	_ =	swait.eq @p0 [sflag:s6], $0x1  }
0xae: {  	[sflag:s6] =	ssyncadd.s32 @p0 $0xFFFFFFFF  }
0xaf: {  	s7 =	sshll.u32 @!p0 s1, $0xE  }
0xb0: {  	s7 =	sor.u32 @!p0 $0x4000, s7;
	s6 =	simm.s32 @!p0 $0x1B8D  }
0xb1: {  	s5 =	sshll.u32 @!p0 s5, $0x11;
	s7 =	sadd.s32 @!p0 $0x11B8D, s7;
	_ =	swait.eq @!p0 [sflag:s6], $0x1  }
0xb2: {  	s5 =	sor.u32 @!p0 s5, s7;
	[sflag:s6] =	ssyncadd.s32 @!p0 $0xFFFFFFFF  }
0xb3: {  	s25 =	simm.s32 $0x1B8E;
	s24 =	sld [smem:$0x3FFE];
	[sflag:s5] =	ssyncadd.remote.s32 @!p0 $0x1  }
0xb4: {  	s26 =	simm.s32 $execute0_lowered;
	[smem:$0x3FD2] =	sst s25  }
0xb5: {  	s6 =	sshll.u32 s26, $0x1;
	_ =	strace $0x80000049;
	[dreg:$0x1] =	wrdreg $0xFFFFFFFF  }
0xb6: {  	s28 =	simm.s32 $_size_execute0_lowered;
	s4 =	sadd.s32 s4, s6;
	[dreg:$0x0] =	wrdreg $0x0  }
0xb7: {  	s6 =	sshll.u32 s28, $0x1;
	[dreg:$0x2] =	wrdreg s4  }
0xb8: {  	[dreg:$0x3] =	wrdreg s6  }
0xb9: {  	[dreg:$0x4] =	wrdreg $0xC0  }
0xba: {  	_ =	task [dreg:s22], $0x5FFFF  }
0xbb: {  	[dreg:$0x1] =	wrdreg $0xFFFFFFFF  }
0xbc: {  	[dreg:$0x0] =	wrdreg $0x60  }
0xbd: {  	[dreg:$0x2] =	wrdreg s18  }
0xbe: {  	[dreg:$0x3] =	wrdreg s24  }
0xbf: {  	[dreg:$0x4] =	wrdreg $0x9  }
0xc0: {  	_ =	task.clear_ibuf [dreg:s22], $0x5FFFF;
	_ =	strace $0x90000049  }
0xc1: {  	s29 =	simm.s32 $0x9;
	_ =	strace $0x8000004B  }
0xc2: {  	_ =	swait.ge [sflag:s29], $0x1  }
0xc3: {  	[sflag:s29] =	ssyncadd.s32 $0xFFFFFFFF  }
0xc4: {  	_ =	strace $0x9000004B  }
0xc5: {  	_ =	sfence  }
0xc6: {  	s30 =	sld [smem:$0x0];
	_ =	sdelay $0x2  }
0xc7: {  	s31 =	sshll.u32 s1, $0xD;
	s1 =	sshrl.u32 s1, $0x2  }
0xc8: {  	s4 =	sand.u32 $0x4000, s31;
	s1 =	sadd.s32 s1, s30  }
0xc9: {  	s0 =	sor.u32 s4, s0;
	s1 =	sshll.u32 s1, $0x11  }
0xca: {  	s0 =	sor.u32 s1, s0  }
0xcb: {  	s0 =	sadd.s32 $0x8F2B, s0  }
0xcc: {  	[sflag:s0] =	ssyncadd.remote.s32 $0x1  }
0xcd: {  	_ =	sfence.sel $0xFFFF  }
0xce: {  	[dreg:$0x0] =	wrdreg $0xFFFFFFFF;
	(pc) =	sbr.abs _section_cstart, $3  }
0xcf: {  	[dreg:$0x1] =	wrdreg $0xFFFFFFFF  }
0xd0: {  	_ =	task.clear_ibuf [dreg:s22], $0x2FFFF;
	_ =	strace $0x9FFFFFFF  }
0xd1: {  	(tm) =	ssettm $0x7FFFFFFF  }
tec
execute0_lowered:
.L_overlay_start_1:
0x0: {  	(tag) =	ssettag $0x1  }
0x1: {  	s0 =	srdreg.scid;
	s2 =	rddreg [dreg:$0x0]  }
0x2: {  	s4 =	rddreg [dreg:$0x1];
	s11 =	simm.s32 $0x5;
	s12 =	simm.s32 $0x1C00  }
0x3: {  	s13 =	simm.s32 $0x50;
	s14 =	simm.s32 $0x3800;
	s15 =	simm.s32 $0x6000  }
0x4: {  	s16 =	simm.s32 $0x8800;
	s17 =	simm.s32 $0xB000;
	s18 =	simm.s32 $0x1  }
0x5: {  	s19 =	simm.s32 $0xD800;
	s20 =	simm.s32 $0x2;
	s21 =	simm.s32 $0x10000  }
0x6: {  	s22 =	simm.s32 $0x1880;
	s23 =	simm.s32 $0x3480;
	s1 =	sand.u32 $0x1, s0  }
0x7: {  	s24 =	simm.s32 $0x3;
	s0 =	stileid.u32;
	s3 =	sshll.u32 s1, $0x4  }
0x8: {  	s25 =	simm.s32 $0x4;
	s26 =	simm.s32 $0x0;
	s7 =	sor.u32 s0, s3  }
0x9: {  	s1 =	ssub.s32 $0x2, s1;
	s3 =	simm.s32 $0x0;
	s5 =	smul.u32 $0x380, s7  }
0xa: {  	s31 =	sshrl.u32 s1, $0x1;
	[smem:$0x7FF] =	sst s3;
	s6 =	smul.u32 $0x7D000, s7  }
0xb: {  	s1 =	ssub.s32 s1, s31;
	s7 =	smul.u32 $0xFA0, s7;
	_ =	strace $0x8000004A  }
0xc: {  	s8 =	sadd.s32 s5, s4;
	s4 =	sadd.s32 $0x308200, s4;
	s6 =	sshrl.u32 s6, $0x3  }
0xd: {  	s10 =	smax.u32 s1, $0x1;
	s5 =	sadd.s32 $0x301200, s8;
	s9 =	sadd.s32 s4, s6  }
0xe: {  	s6 =	sadd.s32 $0x2FA200, s8;
	s8 =	sadd.s32 $0xF000, s9;
	s9 =	sadd.s32 $0xF500, s9  }
.LBB2_1:
0xf: {  	[tilespmem:s3], [sflag:$0x5] =	stream.linear.gather [hbm4b:s5+s3], $0x1900, $0x38;
	[tilespmem:$0x12800] =	vst v63  }
0x10: {  	_ =	swait.ge [sflag:s11], $0x1900  }
0x11: {  	[sflag:s11] =	ssyncset.done $0x0  }
0x12: {  	[sflag:s11] =	ssyncadd.s32 $0xFFFFE700  }
0x13: {  	[tilespmem:s12], [sflag:$0x5] =	stream.linear.gather [hbm4b:s6+s3], $0x1900, $0x38;
	[tilespmem:$0x12800] =	vst v63  }
0x14: {  	_ =	swait.ge [sflag:s11], $0x1900  }
0x15: {  	[sflag:s11] =	ssyncset.done $0x0  }
0x16: {  	[sflag:s11] =	ssyncadd.s32 $0xFFFFE700  }
0x17: {  	[tilespmem:s14], [sflag:$0x1] =	stream.indirect.gather [hbm4b:s2+s13], $0x80, s3, s13, $0xb8;
	[tilespmem:$0x12800] =	vst v63  }
0x18: {  	s28 =	simm.s32 $0x0  }
0x19: {  	[tilespmem:s15], [sflag:$0x1] =	stream.indirect.gather [hbm4b:s2+s13], $0x80, s12, s13, $0xb8;
	[tilespmem:$0x12800] =	vst v63  }
.LBB2_2:
0x1a: {  	p0 =	seq.s32 s28, $0x0  }
0x1b: {  	s1 =	simm.s32 @!p0 $0x3  }
0x1c: {  	_ =	swait.ge @!p0 [sflag:s1], $0x2800  }
0x1d: {  	s29 =	sshllo.u32 s28, $0x1;
	[sflag:s1] =	ssyncset.done @!p0 $0x0  }
0x1e: {  	[sflag:s1] =	ssyncadd.s32 @!p0 $0xFFFFD800;
	s1 =	sshll.u32 s29, $0x7  }
0x1f: {  	[tilespmem:s16], [sflag:$0x2] =	stream.indirect.gather [hbm4b:s2+s13], $0x80, s1, s13, $0xb8;
	[tilespmem:$0x12800] =	vst v63  }
0x20: {  	s1 =	sadd.s32 $0x1C00, s1  }
0x21: {  	[tilespmem:s17], [sflag:$0x2] =	stream.indirect.gather [hbm4b:s2+s13], $0x80, s1, s13, $0xb8;
	[tilespmem:$0x12800] =	vst v63  }
0x22: {  	_ =	swait.ge [sflag:s18], $0x2800  }
0x23: {  	[sflag:s18] =	ssyncset.done $0x0  }
0x24: {  	[sflag:s18] =	ssyncadd.s32 $0xFFFFD800  }
0x25: {  	_ =	swait.ge [sflag:s18], $0x2800  }
0x26: {  	[sflag:s18] =	ssyncset.done $0x0  }
0x27: {  	s30 =	simm.s32 $0x0;
	[sflag:s18] =	ssyncadd.s32 $0xFFFFD800  }
0x28: {  	v0 =	vld [tilespmem:s30+$0x3870]  }
0x29: {  	v1 =	vld [tilespmem:s30+$0x6070]  }
0x2a: {  	v2 =	vld [tilespmem:s30+$0x3800]  }
0x2b: {  	v3 =	vld [tilespmem:s30+$0x6000]  }
0x2c: {  	v4 =	vld [tilespmem:s30+$0x3810]  }
0x2d: {  	v5 =	vld [tilespmem:s30+$0x6010]  }
0x2e: {  	v6 =	vld [tilespmem:s30+$0x3820]  }
0x2f: {  	v7 =	vld [tilespmem:s30+$0x3830]  }
0x30: {  	v0 =	vmul.f32 v1, v0;
	v1 =	vld [tilespmem:s30+$0x6020]  }
0x31: {  	v8 =	vld [tilespmem:s30+$0x6030]  }
0x32: {  	v9 =	vld [tilespmem:s30+$0x6040];
	v2 =	vmul.f32 v3, v2  }
0x33: {  	[tilespmem:s30+$0xD870] =	vst v0;
	v0 =	vmul.f32 v5, v4;
	v5 =	vld [tilespmem:s30+$0x3840]  }
0x34: {  	v3 =	vld [tilespmem:s30+$0x6050];
	[tilespmem:s30+$0xD800] =	vst v2  }
0x35: {  	v2 =	vld [tilespmem:s30+$0x3850];
	[tilespmem:s30+$0xD810] =	vst v0;
	v0 =	vmul.f32 v1, v6  }
0x36: {  	v4 =	vld [tilespmem:s30+$0x6060];
	v6 =	vmul.f32 v8, v7  }
0x37: {  	s31 =	simm.s32 $0x80;
	[tilespmem:s30+$0xD820] =	vst v0;
	v0 =	vld [tilespmem:s30+$0x3860]  }
0x38: {  	s1 =	simm.s32 $0x400;
	v5 =	vmul.f32 v9, v5;
	v1 =	vld [tilespmem:s31+$0x3870];
	[tilespmem:s30+$0xD830] =	vst v6  }
.LBB2_3:
0x39: {  	p1 =	sne.s32 s1, $0x9E00;
	v6 =	vld [tilespmem:s31+$0x6070]  }
0x3a: {  	v7 =	vld [tilespmem:s31+$0x3800];
	[tilespmem:s30+$0xD840] =	vst v5;
	v2 =	vmul.f32 v3, v2  }
0x3b: {  	v3 =	vld [tilespmem:s31+$0x6000]  }
0x3c: {  	v5 =	vld [tilespmem:s31+$0x3810];
	[tilespmem:s30+$0xD850] =	vst v2;
	v0 =	vmul.f32 v4, v0  }
0x3d: {  	v2 =	vld [tilespmem:s31+$0x6010]  }
0x3e: {  	v4 =	vld [tilespmem:s31+$0x3820];
	v1 =	vmul.f32 v6, v1;
	[tilespmem:s30+$0xD860] =	vst v0;
	s30 =	smov.u32 s31  }
0x3f: {  	v0 =	vld [tilespmem:s30+$0x6020]  }
0x40: {  	v3 =	vmul.f32 v3, v7;
	v6 =	vld [tilespmem:s30+$0x3830];
	[tilespmem:s30+$0xD870] =	vst v1  }
0x41: {  	v1 =	vld [tilespmem:s30+$0x6030]  }
0x42: {  	[tilespmem:s30+$0xD800] =	vst v3;
	v2 =	vmul.f32 v2, v5;
	v5 =	vld [tilespmem:s30+$0x3840]  }
0x43: {  	v7 =	vld [tilespmem:s30+$0x6040]  }
.Ltmp0:
0x44: {  	[tilespmem:s30+$0xD810] =	vst v2;
	v0 =	vmul.f32 v0, v4;
	v2 =	vld [tilespmem:s30+$0x3850];
	(pc) =	sbr.rel @p1 .LBB2_3-.Ltmp0, $4  }
0x45: {  	v3 =	vld [tilespmem:s30+$0x6050]  }
0x46: {  	[tilespmem:s30+$0xD820] =	vst v0;
	v6 =	vmul.f32 v1, v6;
	v0 =	vld [tilespmem:s30+$0x3860]  }
0x47: {  	s31 =	sshra.s32 s1, $0x2;
	v4 =	vld [tilespmem:s30+$0x6060]  }
0x48: {  	s1 =	sadd.s32 $0x200, s1;
	v1 =	vld [tilespmem:s31+$0x3870];
	[tilespmem:s30+$0xD830] =	vst v6;
	v5 =	vmul.f32 v7, v5  }
0x49: {  	v6 =	vld [tilespmem:s31+$0x6070]  }
0x4a: {  	v7 =	vld [tilespmem:s31+$0x3800];
	[tilespmem:s30+$0xD840] =	vst v5;
	v2 =	vmul.f32 v3, v2  }
0x4b: {  	v3 =	vld [tilespmem:s31+$0x6000]  }
0x4c: {  	v5 =	vld [tilespmem:s31+$0x3810];
	[tilespmem:s30+$0xD850] =	vst v2;
	v0 =	vmul.f32 v4, v0  }
0x4d: {  	v2 =	vld [tilespmem:s31+$0x6010]  }
0x4e: {  	v4 =	vld [tilespmem:s31+$0x3820];
	[tilespmem:s30+$0xD860] =	vst v0  }
0x4f: {  	v0 =	vmul.f32 v6, v1;
	v1 =	vld [tilespmem:s31+$0x6020]  }
0x50: {  	v6 =	vld [tilespmem:s31+$0x3830]  }
0x51: {  	v3 =	vmul.f32 v3, v7;
	[tilespmem:s31+$0xD870] =	vst v0;
	v0 =	vld [tilespmem:s31+$0x6030]  }
0x52: {  	v7 =	vld [tilespmem:s31+$0x6060]  }
0x53: {  	[tilespmem:s31+$0xD800] =	vst v3;
	v2 =	vmul.f32 v2, v5;
	v3 =	vld [tilespmem:s31+$0x3840]  }
0x54: {  	v5 =	vld [tilespmem:s31+$0x6040]  }
0x55: {  	[tilespmem:s31+$0xD810] =	vst v2;
	v1 =	vmul.f32 v1, v4;
	v2 =	vld [tilespmem:s31+$0x3850]  }
0x56: {  	v4 =	vld [tilespmem:s31+$0x6050]  }
0x57: {  	[tilespmem:s31+$0xD820] =	vst v1;
	v1 =	vld [tilespmem:s31+$0x3860];
	_ =	sdelay $0x1  }
0x58: {  	v0 =	vmul.f32 v0, v6  }
0x59: {  	s1 =	smul.u32 $0xA0, s28;
	v3 =	vmul.f32 v5, v3  }
0x5a: {  	[tilespmem:s31+$0xD830] =	vst v0;
	v0 =	vmul.f32 v4, v2  }
0x5b: {  	s1 =	sadd.s32 s7, s1;
	[tilespmem:s31+$0xD840] =	vst v3;
	v1 =	vmul.f32 v7, v1  }
0x5c: {  	s1 =	sshll.u32 s1, $0x4;
	[tilespmem:s31+$0xD850] =	vst v0  }
0x5d: {  	s1 =	sadd.s32 s4, s1;
	[tilespmem:s31+$0xD860] =	vst v1  }
0x5e: {  	[hbm4b:s1+s3] =	stream.linear.scatter [tilespmem:s19], [sflag:$0x3], $0x2800, $0x38;
	[tilespmem:$0x12800] =	vst v63  }
0x5f: {  	s1 =	sshll.u32 s28, $0x8  }
0x60: {  	s30 =	sadd.s32 $0x100, s1  }
0x61: {  	[tilespmem:s14], [sflag:$0x1] =	stream.indirect.gather [hbm4b:s2+s13], $0x80, s30, s13, $0xb8;
	[tilespmem:$0x12800] =	vst v63  }
0x62: {  	s1 =	sadd.s32 $0x1D00, s1  }
0x63: {  	[tilespmem:s15], [sflag:$0x1] =	stream.indirect.gather [hbm4b:s2+s13], $0x80, s1, s13, $0xb8;
	[tilespmem:$0x12800] =	vst v63  }
0x64: {  	s1 =	simm.s32 @!p0 $0x4  }
0x65: {  	_ =	swait.ge @!p0 [sflag:s1], $0x2800  }
0x66: {  	[sflag:s1] =	ssyncset.done @!p0 $0x0  }
0x67: {  	[sflag:s1] =	ssyncadd.s32 @!p0 $0xFFFFD800  }
0x68: {  	_ =	swait.ge [sflag:s20], $0x2800  }
0x69: {  	[sflag:s20] =	ssyncset.done $0x0  }
0x6a: {  	[sflag:s20] =	ssyncadd.s32 $0xFFFFD800  }
0x6b: {  	_ =	swait.ge [sflag:s20], $0x2800  }
0x6c: {  	[sflag:s20] =	ssyncset.done $0x0  }
0x6d: {  	s30 =	simm.s32 $0x0;
	[sflag:s20] =	ssyncadd.s32 $0xFFFFD800  }
0x6e: {  	v0 =	vld [tilespmem:s30+$0x8870]  }
0x6f: {  	v1 =	vld [tilespmem:s30+$0xB070]  }
0x70: {  	v2 =	vld [tilespmem:s30+$0x8800]  }
0x71: {  	v3 =	vld [tilespmem:s30+$0xB000]  }
0x72: {  	v4 =	vld [tilespmem:s30+$0x8810]  }
0x73: {  	v5 =	vld [tilespmem:s30+$0xB010]  }
0x74: {  	v6 =	vld [tilespmem:s30+$0x8820]  }
0x75: {  	v7 =	vld [tilespmem:s30+$0x8830]  }
0x76: {  	v0 =	vmul.f32 v1, v0;
	v1 =	vld [tilespmem:s30+$0xB020]  }
0x77: {  	v8 =	vld [tilespmem:s30+$0xB030]  }
0x78: {  	v9 =	vld [tilespmem:s30+$0xB040];
	v2 =	vmul.f32 v3, v2  }
0x79: {  	[tilespmem:s30+$0x10070] =	vst v0;
	v0 =	vmul.f32 v5, v4;
	v5 =	vld [tilespmem:s30+$0x8840]  }
0x7a: {  	v3 =	vld [tilespmem:s30+$0xB050];
	[tilespmem:s30+$0x10000] =	vst v2  }
0x7b: {  	v2 =	vld [tilespmem:s30+$0x8850];
	[tilespmem:s30+$0x10010] =	vst v0;
	v0 =	vmul.f32 v1, v6  }
0x7c: {  	v4 =	vld [tilespmem:s30+$0xB060];
	v6 =	vmul.f32 v8, v7  }
0x7d: {  	s31 =	simm.s32 $0x80;
	[tilespmem:s30+$0x10020] =	vst v0;
	v0 =	vld [tilespmem:s30+$0x8860]  }
0x7e: {  	s1 =	simm.s32 $0x400;
	v5 =	vmul.f32 v9, v5;
	v1 =	vld [tilespmem:s31+$0x8870];
	[tilespmem:s30+$0x10030] =	vst v6  }
.LBB2_5:
0x7f: {  	p0 =	sne.s32 s1, $0x9E00;
	v6 =	vld [tilespmem:s31+$0xB070]  }
0x80: {  	v7 =	vld [tilespmem:s31+$0x8800];
	[tilespmem:s30+$0x10040] =	vst v5;
	v2 =	vmul.f32 v3, v2  }
0x81: {  	v3 =	vld [tilespmem:s31+$0xB000]  }
0x82: {  	v5 =	vld [tilespmem:s31+$0x8810];
	[tilespmem:s30+$0x10050] =	vst v2;
	v0 =	vmul.f32 v4, v0  }
0x83: {  	v2 =	vld [tilespmem:s31+$0xB010]  }
0x84: {  	v4 =	vld [tilespmem:s31+$0x8820];
	v1 =	vmul.f32 v6, v1;
	[tilespmem:s30+$0x10060] =	vst v0;
	s30 =	smov.u32 s31  }
0x85: {  	v0 =	vld [tilespmem:s30+$0xB020]  }
0x86: {  	v3 =	vmul.f32 v3, v7;
	v6 =	vld [tilespmem:s30+$0x8830];
	[tilespmem:s30+$0x10070] =	vst v1  }
0x87: {  	v1 =	vld [tilespmem:s30+$0xB030]  }
0x88: {  	[tilespmem:s30+$0x10000] =	vst v3;
	v2 =	vmul.f32 v2, v5;
	v5 =	vld [tilespmem:s30+$0x8840]  }
0x89: {  	v7 =	vld [tilespmem:s30+$0xB040]  }
.Ltmp1:
0x8a: {  	[tilespmem:s30+$0x10010] =	vst v2;
	v0 =	vmul.f32 v0, v4;
	v2 =	vld [tilespmem:s30+$0x8850];
	(pc) =	sbr.rel @p0 .LBB2_5-.Ltmp1, $4  }
0x8b: {  	v3 =	vld [tilespmem:s30+$0xB050]  }
0x8c: {  	[tilespmem:s30+$0x10020] =	vst v0;
	v6 =	vmul.f32 v1, v6;
	v0 =	vld [tilespmem:s30+$0x8860]  }
0x8d: {  	s31 =	sshra.s32 s1, $0x2;
	v4 =	vld [tilespmem:s30+$0xB060]  }
0x8e: {  	s1 =	sadd.s32 $0x200, s1;
	v1 =	vld [tilespmem:s31+$0x8870];
	[tilespmem:s30+$0x10030] =	vst v6;
	v5 =	vmul.f32 v7, v5  }
0x8f: {  	v6 =	vld [tilespmem:s31+$0xB070]  }
0x90: {  	v7 =	vld [tilespmem:s31+$0x8800];
	[tilespmem:s30+$0x10040] =	vst v5;
	v2 =	vmul.f32 v3, v2  }
0x91: {  	v51 =	vld [tilespmem:s31+$0xB000]  }
0x92: {  	v5 =	vld [tilespmem:s31+$0x8810];
	[tilespmem:s30+$0x10050] =	vst v2;
	v0 =	vmul.f32 v4, v0  }
0x93: {  	v2 =	vld [tilespmem:s31+$0xB010]  }
0x94: {  	v52 =	vld [tilespmem:s31+$0x8820];
	[tilespmem:s30+$0x10060] =	vst v0  }
0x95: {  	v54 =	vld [tilespmem:s31+$0xB020]  }
0x96: {  	v55 =	vld [tilespmem:s31+$0x8830]  }
0x97: {  	v56 =	vld [tilespmem:s31+$0xB030]  }
0x98: {  	v57 =	vld [tilespmem:s31+$0x8840]  }
0x99: {  	v58 =	vld [tilespmem:s31+$0xB040]  }
0x9a: {  	v59 =	vld [tilespmem:s31+$0x8850]  }
0x9b: {  	v53 =	vmul.f32 v6, v1;
	v60 =	vld [tilespmem:s31+$0xB050]  }
0x9c: {  	v61 =	vld [tilespmem:s31+$0x8860];
	v3 =	vmul.f32 v51, v7  }
0x9d: {  	v62 =	vld [tilespmem:s31+$0xB060];
	[tilespmem:s31+$0x10070] =	vst v53;
	v2 =	vmul.f32 v2, v5  }
0x9e: {  	[tilespmem:s31+$0x10000] =	vst v3;
	v1 =	vmul.f32 v54, v52  }
0x9f: {  	s28 =	sadd.s32 $0x1, s28;
	[tilespmem:s31+$0x10010] =	vst v2;
	v0 =	vmul.f32 v56, v55  }
0xa0: {  	s1 =	smul.u32 $0x50, s29;
	p0 =	sne.s32 s28, $0x18;
	v3 =	vmul.f32 v58, v57;
	[tilespmem:s31+$0x10020] =	vst v1  }
.Ltmp2:
0xa1: {  	v63 =	vmul.f32 v60, v59;
	[tilespmem:s31+$0x10030] =	vst v0;
	(pc) =	sbr.rel @p0 .LBB2_2-.Ltmp2, $4  }
0xa2: {  	s1 =	sadd.s32 s7, s1;
	[tilespmem:s31+$0x10040] =	vst v3;
	v1 =	vmul.f32 v62, v61  }
0xa3: {  	s1 =	sshll.u32 s1, $0x4;
	[tilespmem:s31+$0x10050] =	vst v63  }
0xa4: {  	s1 =	sadd.s32 s4, s1;
	[tilespmem:s31+$0x10060] =	vst v1  }
0xa5: {  	[hbm4b:s1+s3] =	stream.linear.scatter [tilespmem:s21], [sflag:$0x4], $0x2800, $0x38;
	[tilespmem:$0x12800] =	vst v63  }
0xa6: {  	[tilespmem:s16], [sflag:$0x2] =	stream.indirect.gather [hbm4b:s2+s13], $0x80, s22, s13, $0xb8;
	[tilespmem:$0x12800] =	vst v63  }
0xa7: {  	_ = 	snop  }
0xa8: {  	[tilespmem:s17], [sflag:$0x2] =	stream.indirect.gather [hbm4b:s2+s13], $0x80, s23, s13, $0xb8;
	[tilespmem:$0x12800] =	vst v63  }
0xa9: {  	_ =	swait.ge [sflag:s24], $0x2800  }
0xaa: {  	[sflag:s24] =	ssyncset.done $0x0  }
0xab: {  	[sflag:s24] =	ssyncadd.s32 $0xFFFFD800  }
0xac: {  	_ =	swait.ge [sflag:s18], $0x2800  }
0xad: {  	[sflag:s18] =	ssyncset.done $0x0  }
0xae: {  	[sflag:s18] =	ssyncadd.s32 $0xFFFFD800  }
0xaf: {  	_ =	swait.ge [sflag:s18], $0x2800  }
0xb0: {  	[sflag:s18] =	ssyncset.done $0x0  }
0xb1: {  	s28 =	simm.s32 $0x0;
	[sflag:s18] =	ssyncadd.s32 $0xFFFFD800  }
0xb2: {  	v0 =	vld [tilespmem:s28+$0x3870]  }
0xb3: {  	v1 =	vld [tilespmem:s28+$0x6070]  }
0xb4: {  	v2 =	vld [tilespmem:s28+$0x3800]  }
0xb5: {  	v3 =	vld [tilespmem:s28+$0x6000]  }
0xb6: {  	v4 =	vld [tilespmem:s28+$0x3810]  }
0xb7: {  	v5 =	vld [tilespmem:s28+$0x6010]  }
0xb8: {  	v6 =	vld [tilespmem:s28+$0x3820]  }
0xb9: {  	v7 =	vld [tilespmem:s28+$0x3830]  }
0xba: {  	v0 =	vmul.f32 v1, v0;
	v1 =	vld [tilespmem:s28+$0x6020]  }
0xbb: {  	v8 =	vld [tilespmem:s28+$0x6030]  }
0xbc: {  	v9 =	vld [tilespmem:s28+$0x6040];
	v2 =	vmul.f32 v3, v2  }
0xbd: {  	[tilespmem:s28+$0xD870] =	vst v0;
	v0 =	vmul.f32 v5, v4;
	v5 =	vld [tilespmem:s28+$0x3840]  }
0xbe: {  	v3 =	vld [tilespmem:s28+$0x6050];
	[tilespmem:s28+$0xD800] =	vst v2  }
0xbf: {  	v2 =	vld [tilespmem:s28+$0x3850];
	[tilespmem:s28+$0xD810] =	vst v0;
	v0 =	vmul.f32 v1, v6  }
0xc0: {  	v4 =	vld [tilespmem:s28+$0x6060];
	v6 =	vmul.f32 v8, v7  }
0xc1: {  	s29 =	simm.s32 $0x80;
	[tilespmem:s28+$0xD820] =	vst v0;
	v0 =	vld [tilespmem:s28+$0x3860]  }
0xc2: {  	s1 =	simm.s32 $0x400;
	v5 =	vmul.f32 v9, v5;
	v1 =	vld [tilespmem:s29+$0x3870];
	[tilespmem:s28+$0xD830] =	vst v6  }
.LBB2_8:
0xc3: {  	p0 =	sne.s32 s1, $0x9E00;
	v6 =	vld [tilespmem:s29+$0x6070]  }
0xc4: {  	v7 =	vld [tilespmem:s29+$0x3800];
	[tilespmem:s28+$0xD840] =	vst v5;
	v2 =	vmul.f32 v3, v2  }
0xc5: {  	v3 =	vld [tilespmem:s29+$0x6000]  }
0xc6: {  	v5 =	vld [tilespmem:s29+$0x3810];
	[tilespmem:s28+$0xD850] =	vst v2;
	v0 =	vmul.f32 v4, v0  }
0xc7: {  	v2 =	vld [tilespmem:s29+$0x6010]  }
0xc8: {  	v4 =	vld [tilespmem:s29+$0x3820];
	v1 =	vmul.f32 v6, v1;
	[tilespmem:s28+$0xD860] =	vst v0;
	s28 =	smov.u32 s29  }
0xc9: {  	v0 =	vld [tilespmem:s28+$0x6020]  }
0xca: {  	v3 =	vmul.f32 v3, v7;
	v6 =	vld [tilespmem:s28+$0x3830];
	[tilespmem:s28+$0xD870] =	vst v1  }
0xcb: {  	v1 =	vld [tilespmem:s28+$0x6030]  }
0xcc: {  	[tilespmem:s28+$0xD800] =	vst v3;
	v2 =	vmul.f32 v2, v5;
	v5 =	vld [tilespmem:s28+$0x3840]  }
0xcd: {  	v7 =	vld [tilespmem:s28+$0x6040]  }
.Ltmp3:
0xce: {  	[tilespmem:s28+$0xD810] =	vst v2;
	v0 =	vmul.f32 v0, v4;
	v2 =	vld [tilespmem:s28+$0x3850];
	(pc) =	sbr.rel @p0 .LBB2_8-.Ltmp3, $4  }
0xcf: {  	v3 =	vld [tilespmem:s28+$0x6050]  }
0xd0: {  	[tilespmem:s28+$0xD820] =	vst v0;
	v6 =	vmul.f32 v1, v6;
	v0 =	vld [tilespmem:s28+$0x3860]  }
0xd1: {  	s29 =	sshra.s32 s1, $0x2;
	v4 =	vld [tilespmem:s28+$0x6060]  }
0xd2: {  	s1 =	sadd.s32 $0x200, s1;
	v1 =	vld [tilespmem:s29+$0x3870];
	[tilespmem:s28+$0xD830] =	vst v6;
	v5 =	vmul.f32 v7, v5  }
0xd3: {  	v6 =	vld [tilespmem:s29+$0x6070]  }
0xd4: {  	v7 =	vld [tilespmem:s29+$0x3800];
	[tilespmem:s28+$0xD840] =	vst v5;
	v2 =	vmul.f32 v3, v2  }
0xd5: {  	v3 =	vld [tilespmem:s29+$0x6000]  }
0xd6: {  	v5 =	vld [tilespmem:s29+$0x3810];
	[tilespmem:s28+$0xD850] =	vst v2;
	v0 =	vmul.f32 v4, v0  }
0xd7: {  	v2 =	vld [tilespmem:s29+$0x6010]  }
0xd8: {  	v4 =	vld [tilespmem:s29+$0x3820];
	[tilespmem:s28+$0xD860] =	vst v0  }
0xd9: {  	v0 =	vmul.f32 v6, v1;
	v1 =	vld [tilespmem:s29+$0x6020]  }
0xda: {  	v6 =	vld [tilespmem:s29+$0x3830]  }
0xdb: {  	v3 =	vmul.f32 v3, v7;
	[tilespmem:s29+$0xD870] =	vst v0;
	v0 =	vld [tilespmem:s29+$0x6030]  }
0xdc: {  	v7 =	vld [tilespmem:s29+$0x6060]  }
0xdd: {  	[tilespmem:s29+$0xD800] =	vst v3;
	v2 =	vmul.f32 v2, v5;
	v3 =	vld [tilespmem:s29+$0x3840]  }
0xde: {  	v5 =	vld [tilespmem:s29+$0x6040]  }
0xdf: {  	[tilespmem:s29+$0xD810] =	vst v2;
	v1 =	vmul.f32 v1, v4;
	v2 =	vld [tilespmem:s29+$0x3850]  }
0xe0: {  	v4 =	vld [tilespmem:s29+$0x6050]  }
0xe1: {  	[tilespmem:s29+$0xD820] =	vst v1;
	v1 =	vld [tilespmem:s29+$0x3860];
	_ =	sdelay $0x1  }
0xe2: {  	v0 =	vmul.f32 v0, v6  }
0xe3: {  	v3 =	vmul.f32 v5, v3  }
0xe4: {  	[tilespmem:s29+$0xD830] =	vst v0;
	v0 =	vmul.f32 v4, v2  }
0xe5: {  	[tilespmem:s29+$0xD840] =	vst v3;
	v1 =	vmul.f32 v7, v1  }
0xe6: {  	[tilespmem:s29+$0xD850] =	vst v0  }
0xe7: {  	s1 =	simm.s32 $0x0;
	[tilespmem:s29+$0xD860] =	vst v1  }
0xe8: {  	[hbm4b:s8+s1] =	stream.linear.scatter [tilespmem:s19], [sflag:$0x3], $0x2800, $0x38;
	[tilespmem:$0x12800] =	vst v63  }
0xe9: {  	_ =	swait.ge [sflag:s25], $0x2800  }
0xea: {  	[sflag:s25] =	ssyncset.done $0x0  }
0xeb: {  	[sflag:s25] =	ssyncadd.s32 $0xFFFFD800  }
0xec: {  	_ =	swait.ge [sflag:s20], $0x2800  }
0xed: {  	[sflag:s20] =	ssyncset.done $0x0  }
0xee: {  	[sflag:s20] =	ssyncadd.s32 $0xFFFFD800  }
0xef: {  	_ =	swait.ge [sflag:s20], $0x2800  }
0xf0: {  	[sflag:s20] =	ssyncset.done $0x0  }
0xf1: {  	s28 =	simm.s32 $0x0;
	[sflag:s20] =	ssyncadd.s32 $0xFFFFD800  }
0xf2: {  	v0 =	vld [tilespmem:s28+$0x8870]  }
0xf3: {  	v1 =	vld [tilespmem:s28+$0xB070]  }
0xf4: {  	v2 =	vld [tilespmem:s28+$0x8800]  }
0xf5: {  	v3 =	vld [tilespmem:s28+$0xB000]  }
0xf6: {  	v4 =	vld [tilespmem:s28+$0x8810]  }
0xf7: {  	v5 =	vld [tilespmem:s28+$0xB010]  }
0xf8: {  	v6 =	vld [tilespmem:s28+$0x8820]  }
0xf9: {  	v7 =	vld [tilespmem:s28+$0x8830]  }
0xfa: {  	v0 =	vmul.f32 v1, v0;
	v1 =	vld [tilespmem:s28+$0xB020]  }
0xfb: {  	v8 =	vld [tilespmem:s28+$0xB030]  }
0xfc: {  	v9 =	vld [tilespmem:s28+$0xB040];
	v2 =	vmul.f32 v3, v2  }
0xfd: {  	[tilespmem:s28+$0x10070] =	vst v0;
	v0 =	vmul.f32 v5, v4;
	v5 =	vld [tilespmem:s28+$0x8840]  }
0xfe: {  	v3 =	vld [tilespmem:s28+$0xB050];
	[tilespmem:s28+$0x10000] =	vst v2  }
0xff: {  	v2 =	vld [tilespmem:s28+$0x8850];
	[tilespmem:s28+$0x10010] =	vst v0;
	v0 =	vmul.f32 v1, v6  }
0x100: {  	v4 =	vld [tilespmem:s28+$0xB060];
	v6 =	vmul.f32 v8, v7  }
0x101: {  	s29 =	simm.s32 $0x80;
	[tilespmem:s28+$0x10020] =	vst v0;
	v0 =	vld [tilespmem:s28+$0x8860]  }
0x102: {  	s1 =	simm.s32 $0x400;
	v5 =	vmul.f32 v9, v5;
	v1 =	vld [tilespmem:s29+$0x8870];
	[tilespmem:s28+$0x10030] =	vst v6  }
.LBB2_10:
0x103: {  	p0 =	sne.s32 s1, $0x9E00;
	v6 =	vld [tilespmem:s29+$0xB070]  }
0x104: {  	v7 =	vld [tilespmem:s29+$0x8800];
	[tilespmem:s28+$0x10040] =	vst v5;
	v2 =	vmul.f32 v3, v2  }
0x105: {  	v3 =	vld [tilespmem:s29+$0xB000]  }
0x106: {  	v5 =	vld [tilespmem:s29+$0x8810];
	[tilespmem:s28+$0x10050] =	vst v2;
	v0 =	vmul.f32 v4, v0  }
0x107: {  	v2 =	vld [tilespmem:s29+$0xB010]  }
0x108: {  	v4 =	vld [tilespmem:s29+$0x8820];
	v1 =	vmul.f32 v6, v1;
	[tilespmem:s28+$0x10060] =	vst v0;
	s28 =	smov.u32 s29  }
0x109: {  	v0 =	vld [tilespmem:s28+$0xB020]  }
0x10a: {  	v3 =	vmul.f32 v3, v7;
	v6 =	vld [tilespmem:s28+$0x8830];
	[tilespmem:s28+$0x10070] =	vst v1  }
0x10b: {  	v1 =	vld [tilespmem:s28+$0xB030]  }
0x10c: {  	[tilespmem:s28+$0x10000] =	vst v3;
	v2 =	vmul.f32 v2, v5;
	v5 =	vld [tilespmem:s28+$0x8840]  }
0x10d: {  	v7 =	vld [tilespmem:s28+$0xB040]  }
.Ltmp4:
0x10e: {  	[tilespmem:s28+$0x10010] =	vst v2;
	v0 =	vmul.f32 v0, v4;
	v2 =	vld [tilespmem:s28+$0x8850];
	(pc) =	sbr.rel @p0 .LBB2_10-.Ltmp4, $4  }
0x10f: {  	v3 =	vld [tilespmem:s28+$0xB050]  }
0x110: {  	[tilespmem:s28+$0x10020] =	vst v0;
	v6 =	vmul.f32 v1, v6;
	v0 =	vld [tilespmem:s28+$0x8860]  }
0x111: {  	s29 =	sshra.s32 s1, $0x2;
	v4 =	vld [tilespmem:s28+$0xB060]  }
0x112: {  	s1 =	sadd.s32 $0x200, s1;
	v1 =	vld [tilespmem:s29+$0x8870];
	[tilespmem:s28+$0x10030] =	vst v6;
	v5 =	vmul.f32 v7, v5  }
0x113: {  	v6 =	vld [tilespmem:s29+$0xB070]  }
0x114: {  	v7 =	vld [tilespmem:s29+$0x8800];
	[tilespmem:s28+$0x10040] =	vst v5;
	v2 =	vmul.f32 v3, v2  }
0x115: {  	v51 =	vld [tilespmem:s29+$0xB000]  }
0x116: {  	v5 =	vld [tilespmem:s29+$0x8810];
	[tilespmem:s28+$0x10050] =	vst v2;
	v0 =	vmul.f32 v4, v0  }
0x117: {  	v2 =	vld [tilespmem:s29+$0xB010]  }
0x118: {  	v52 =	vld [tilespmem:s29+$0x8820];
	[tilespmem:s28+$0x10060] =	vst v0  }
0x119: {  	v54 =	vld [tilespmem:s29+$0xB020]  }
0x11a: {  	v55 =	vld [tilespmem:s29+$0x8830]  }
0x11b: {  	v56 =	vld [tilespmem:s29+$0xB030]  }
0x11c: {  	v57 =	vld [tilespmem:s29+$0x8840]  }
0x11d: {  	v58 =	vld [tilespmem:s29+$0xB040]  }
0x11e: {  	v59 =	vld [tilespmem:s29+$0x8850]  }
0x11f: {  	v53 =	vmul.f32 v6, v1;
	v60 =	vld [tilespmem:s29+$0xB050]  }
0x120: {  	v61 =	vld [tilespmem:s29+$0x8860];
	v3 =	vmul.f32 v51, v7  }
0x121: {  	v62 =	vld [tilespmem:s29+$0xB060];
	[tilespmem:s29+$0x10070] =	vst v53;
	v2 =	vmul.f32 v2, v5  }
0x122: {  	[tilespmem:s29+$0x10000] =	vst v3;
	v1 =	vmul.f32 v54, v52  }
0x123: {  	[tilespmem:s29+$0x10010] =	vst v2;
	v0 =	vmul.f32 v56, v55  }
0x124: {  	v3 =	vmul.f32 v58, v57;
	[tilespmem:s29+$0x10020] =	vst v1  }
0x125: {  	v63 =	vmul.f32 v60, v59;
	[tilespmem:s29+$0x10030] =	vst v0  }
0x126: {  	[tilespmem:s29+$0x10040] =	vst v3;
	v1 =	vmul.f32 v62, v61  }
0x127: {  	[tilespmem:s29+$0x10050] =	vst v63  }
0x128: {  	s26 =	sadd.s32 $0x1, s26;
	[tilespmem:s29+$0x10060] =	vst v1  }
0x129: {  	[hbm4b:s9+s3] =	stream.linear.scatter [tilespmem:s21], [sflag:$0x4], $0x2800, $0x38;
	[tilespmem:$0x12800] =	vst v63  }
0x12a: {  	p0 =	sne.s32 s26, s10;
	_ =	swait.ge [sflag:s24], $0x2800  }
.Ltmp5:
0x12b: {  	[sflag:s24] =	ssyncset.done $0x0;
	(pc) =	sbr.rel @p0 .LBB2_1-.Ltmp5, $4  }
0x12c: {  	[sflag:s24] =	ssyncadd.s32 $0xFFFFD800  }
0x12d: {  	_ =	swait.ge [sflag:s25], $0x2800  }
0x12e: {  	[sflag:s25] =	ssyncset.done $0x0  }
0x12f: {  	[sflag:s25] =	ssyncadd.s32 $0xFFFFD800  }
0x130: {  	_ =	sfence.sel $0x180000  }
0x131: {  	[bflag:$0x0] =	sbarrier.arrive $0xFFFF  }
0x132: {  	_ =	strace $0x9000004A  }
0x133: {  	[bflag:$0x2] =	sbarrier.arrive $0xFFFF  }
0x134: {  	p0 =	sne.s32 s0, $0x0;
	s0 =	rddreg [dreg:$0x2]  }
0x135: {  	s0 =	sadd.s32 @!p0 $0x100000, s0  }
0x136: {  	[sflag:s0] =	ssyncadd.tile.s32 @!p0 $0x1;
	_ =	shalt  }
.Lfunc_end2:
_tile_overlayer_lowered:
.L_overlay_start_2:
0x137: {  	(tag) =	ssettag $0x2  }
0x138: {  	s0 =	rddreg [dreg:$0x0];
	s2 =	stileid.u32  }
0x139: {  	s1 =	rddreg [dreg:$0x1];
	p0 =	sne.s32 s2, $0x0  }
0x13a: {  	s3 =	rddreg [dreg:$0x2];
	[bflag:$0x3] =	sbarrier.arrive $0xFFFF;
	s2 =	simm.s32 @!p0 $0x1C05  }
0x13b: {  	[timem:s3], [sflag:s2] =	dma.local @!p0 [hbm:s0], s1  }
0x13c: {  	s0 =	simm.s32 @!p0 $0x5  }
0x13d: {  	_ =	swait.ge @!p0 [sflag:s0], s1  }
0x13e: {  	s1 =	ssub.s32 @!p0 $0x0, s1;
	[sflag:s0] =	ssyncset.done @!p0 $0x0  }
0x13f: {  	[sflag:s0] =	ssyncadd.s32 @!p0 s1  }
0x140: {  	[bflag:$0x3] =	sbarrier.arrive $0xFFFF  }
0x141: {  	_ =	shalt  }

</sc_bundles>
